<compile_context>
chip_gen: v7x
topology: tpu7x:2x2x1
jax: 0.10.2.dev20260603
libtpu: 0.0.44.dev20260713+nightly
codegen_flags: <defaults>
</compile_context>

<pallas_src>
import functools

import jax
import jax.numpy as jnp
from jax import lax
from jax.experimental import pallas as pl
from jax.experimental.pallas import tpu as pltpu
from jax.experimental.pallas import tpu_sc as plsc

N = 100000
D = 128
NCOLS = 16
NTAB = 5
NPASS = NCOLS - NTAB
OUT_W = NTAB * D + NPASS
CHUNK = 80
NUM_CHUNKS = N // CHUNK
NW = 32
MAX_ITERS = -(-NUM_CHUNKS // NW)


def _sc_body(xf_hbm, t0, t1, t2, t3, t4, out_hbm,
             xv0, xv1, i0, i1, i2, i3, i4, j0, j1, j2, j3, j4,
             asm0, asm1, semx0, semx1, semg0, semg1, semo0, semo1):
    tables = (t0, t1, t2, t3, t4)
    xvs = (xv0, xv1)
    idxsets = ((i0, i1, i2, i3, i4), (j0, j1, j2, j3, j4))
    asms = (asm0, asm1)
    semxs = (semx0, semx1)
    semgs = (semg0, semg1)
    semos = (semo0, semo1)
    w = lax.axis_index("s") * 2 + lax.axis_index("c")

    def xin_copy(i, p):
        return pltpu.make_async_copy(
            xf_hbm.at[pl.ds(i * (CHUNK * NCOLS), CHUNK * NCOLS)],
            xvs[p], semxs[p])

    def gather_copy(c, p):
        return pltpu.make_async_copy(
            tables[c].at[idxsets[p][c]],
            asms[p].at[:, pl.ds(c * D, D)], semgs[p])

    def out_copy(i, p):
        return pltpu.make_async_copy(
            asms[p], out_hbm.at[pl.ds(i * CHUNK, CHUNK)], semos[p])

    xin_copy(w, 0).start()

    lane = lax.iota(jnp.int32, 16)

    def step(tt, b):
        t_dyn = 2 * tt + b
        i = w + t_dyn * NW

        @pl.when((t_dyn >= 1) & (i - NW < NUM_CHUNKS))
        def _():
            for c in range(NTAB):
                gather_copy(c, 1 - b).wait()
            out_copy(i - NW, 1 - b).start()

        @pl.when(i < NUM_CHUNKS)
        def _():
            xv = xvs[b]
            asm_v = asms[b]
            idxs = idxsets[b]
            xin_copy(i, b).wait()
            @pl.when(i + NW < NUM_CHUNKS)
            def _():
                xin_copy(i + NW, 1 - b).start()
            for g in range(CHUNK // 16):
                rows = lane * NCOLS + (16 * NCOLS * g)
                for c in range(NTAB):
                    vals = plsc.load_gather(xv, [rows + c])
                    idxs[c][pl.ds(16 * g, 16)] = vals.astype(jnp.int32)
            @pl.when(tt >= 1)
            def _():
                out_copy(i, b).wait()
            for g in range(CHUNK // 16):
                rows = lane + 16 * g
                srcbase = lane * NCOLS + (16 * NCOLS * g)
                for k in range(NPASS):
                    vals = plsc.load_gather(xv, [srcbase + (NTAB + k)])
                    plsc.store_scatter(
                        asm_v, [rows, jnp.full((16,), NTAB * D + k, jnp.int32)],
                        vals)
            for c in range(NTAB):
                gather_copy(c, b).start()

    def loop_body(tt, carry):
        step(tt, 0)
        step(tt, 1)
        return carry

    lax.fori_loop(0, MAX_ITERS // 2 + 1, loop_body, 0)

    out_copy(w, 0).wait()
    out_copy(w, 1).wait()


@jax.jit
def kernel(x, T_atom, T_charge, T_chiral, T_arom, T_ring):
    mesh = plsc.VectorSubcoreMesh(core_axis_name="c", subcore_axis_name="s")
    run = functools.partial(
        pl.kernel,
        mesh=mesh,
        compiler_params=pltpu.CompilerParams(needs_layout_passes=False),
        out_type=jax.ShapeDtypeStruct((N, OUT_W), jnp.float32),
        scratch_types=[
            pltpu.VMEM((CHUNK * NCOLS,), jnp.float32),
            pltpu.VMEM((CHUNK * NCOLS,), jnp.float32),
            pltpu.VMEM((CHUNK,), jnp.int32),
            pltpu.VMEM((CHUNK,), jnp.int32),
            pltpu.VMEM((CHUNK,), jnp.int32),
            pltpu.VMEM((CHUNK,), jnp.int32),
            pltpu.VMEM((CHUNK,), jnp.int32),
            pltpu.VMEM((CHUNK,), jnp.int32),
            pltpu.VMEM((CHUNK,), jnp.int32),
            pltpu.VMEM((CHUNK,), jnp.int32),
            pltpu.VMEM((CHUNK,), jnp.int32),
            pltpu.VMEM((CHUNK,), jnp.int32),
            pltpu.VMEM((CHUNK, OUT_W), jnp.float32),
            pltpu.VMEM((CHUNK, OUT_W), jnp.float32),
            pltpu.SemaphoreType.DMA,
            pltpu.SemaphoreType.DMA,
            pltpu.SemaphoreType.DMA,
            pltpu.SemaphoreType.DMA,
            pltpu.SemaphoreType.DMA,
            pltpu.SemaphoreType.DMA,
        ],
    )(_sc_body)
    return run(x.reshape(-1), T_atom, T_charge, T_chiral, T_arom, T_ring)

# --- scband reference (transcript-rebuilt; emitter-appended) ---
"""Pipeline reference for scband-embed-atom-chem-74337293959553 (READ-ONLY COPY).

The authoritative reference and input builder live on the scoring server;
editing this copy changes nothing except your own understanding.
"""

import jax, jax.numpy as jnp
import numpy as np

N = 100000
D = 128

def setup_inputs(seed: int = 0) -> dict:
    key = jax.random.key(seed)
    k1, k2, k3, k4, k5, k6 = jax.random.split(key, 6)
    # x: 5 integer index columns (values in [0,10)) + 11 continuous feature columns, stored as float32
    x = jax.random.randint(k1, (N, 16), 0, 10).astype(jnp.float32)
    T_atom = jax.random.normal(k2, (100, D), dtype=jnp.float32) * 0.02
    T_charge = jax.random.normal(k3, (10, D), dtype=jnp.float32) * 0.02
    T_chiral = jax.random.normal(k4, (10, D), dtype=jnp.float32) * 0.02
    T_arom = jax.random.normal(k5, (10, D), dtype=jnp.float32) * 0.02
    T_ring = jax.random.normal(k6, (10, D), dtype=jnp.float32) * 0.02
    return {"x": x, "T_atom": T_atom, "T_charge": T_charge, "T_chiral": T_chiral, "T_arom": T_arom, "T_ring": T_ring}

def reference(x, T_atom, T_charge, T_chiral, T_arom, T_ring):
    e0 = jnp.take(T_atom, x[:, 0].astype(jnp.int32), axis=0)
    e1 = jnp.take(T_charge, x[:, 1].astype(jnp.int32), axis=0)
    e2 = jnp.take(T_chiral, x[:, 2].astype(jnp.int32), axis=0)
    e3 = jnp.take(T_arom, x[:, 3].astype(jnp.int32), axis=0)
    e4 = jnp.take(T_ring, x[:, 4].astype(jnp.int32), axis=0)
    all_atom_embed = jnp.concatenate([e0, e1, e2, e3, e4, x[:, 5:]], axis=1)
    return all_atom_embed

if __name__ == "__main__":
    import jax
    _d = setup_inputs()
    print(jax.jit(kernel)(*tuple(_d.values())))

</pallas_src>

<mosaic_0001>
#map = affine_map<(d0, d1) -> (0)>
#map1 = affine_map<(d0, d1) -> (0, 0)>
module attributes {stable_mosaic.version = 14 : i64} {
  func.func @_sc_body(%arg0: i32, %arg1: i32, %arg2: memref<1600000xf32, #tpu.memory_space<hbm>>, %arg3: memref<100x128xf32, #tpu.memory_space<hbm>>, %arg4: memref<10x128xf32, #tpu.memory_space<hbm>>, %arg5: memref<10x128xf32, #tpu.memory_space<hbm>>, %arg6: memref<10x128xf32, #tpu.memory_space<hbm>>, %arg7: memref<10x128xf32, #tpu.memory_space<hbm>>, %arg8: memref<100000x651xf32, #tpu.memory_space<hbm>>, %arg9: memref<1280xf32, #tpu.memory_space<vmem>>, %arg10: memref<1280xf32, #tpu.memory_space<vmem>>, %arg11: memref<80xi32, #tpu.memory_space<vmem>>, %arg12: memref<80xi32, #tpu.memory_space<vmem>>, %arg13: memref<80xi32, #tpu.memory_space<vmem>>, %arg14: memref<80xi32, #tpu.memory_space<vmem>>, %arg15: memref<80xi32, #tpu.memory_space<vmem>>, %arg16: memref<80xi32, #tpu.memory_space<vmem>>, %arg17: memref<80xi32, #tpu.memory_space<vmem>>, %arg18: memref<80xi32, #tpu.memory_space<vmem>>, %arg19: memref<80xi32, #tpu.memory_space<vmem>>, %arg20: memref<80xi32, #tpu.memory_space<vmem>>, %arg21: memref<80x651xf32, #tpu.memory_space<vmem>>, %arg22: memref<80x651xf32, #tpu.memory_space<vmem>>, %arg23: memref<!tpu.dma_semaphore, #tpu.memory_space<semaphore_mem>>, %arg24: memref<!tpu.dma_semaphore, #tpu.memory_space<semaphore_mem>>, %arg25: memref<!tpu.dma_semaphore, #tpu.memory_space<semaphore_mem>>, %arg26: memref<!tpu.dma_semaphore, #tpu.memory_space<semaphore_mem>>, %arg27: memref<!tpu.dma_semaphore, #tpu.memory_space<semaphore_mem>>, %arg28: memref<!tpu.dma_semaphore, #tpu.memory_space<semaphore_mem>>) attributes {dimension_semantics = [#tpu.dimension_semantics<core_parallel>, #tpu.dimension_semantics<subcore_parallel>], iteration_bounds = array<i64: 2, 16>, scalar_prefetch = 0 : i64, scratch_operands = 20 : i64, tpu.core_type = #tpu.core_type<sc_vector_subcore>, window_params = [{transform_indices = #map}, {transform_indices = #map1}, {transform_indices = #map1}, {transform_indices = #map1}, {transform_indices = #map1}, {transform_indices = #map1}, {transform_indices = #map1}]} {
    %mul3A = arith.constant 2 : i32
    %mul3A_0 = arith.muli %arg1, %mul3A : i32
    %add3A = arith.addi %mul3A_0, %arg0 : i32
    %mul3A_1 = arith.constant 1280 : i32
    %mul3A_2 = arith.muli %add3A, %mul3A_1 : i32
    %dma_start3A = tpu.memref_slice %arg2[%mul3A_2] : memref<1600000xf32, #tpu.memory_space<hbm>> -> memref<1280xf32, #tpu.memory_space<hbm>>
    %dma_start3A_3 = tpu.memref_slice %arg2[%mul3A_2] : memref<1600000xf32, #tpu.memory_space<hbm>> -> memref<1280xf32, #tpu.memory_space<hbm>>
    tpu.enqueue_dma source(%dma_start3A_3 : memref<1280xf32, #tpu.memory_space<hbm>>) target(%arg9 : memref<1280xf32, #tpu.memory_space<vmem>>) target_semaphore(%arg23 : memref<!tpu.dma_semaphore, #tpu.memory_space<semaphore_mem>>)
    %iota3A = tpu.iota {dimensions = array<i32: 0>} : vector<16xi32>
    %scan3A = arith.constant 0 : i32
    %scan3A_4 = arith.constant 0 : i32
    %scan3A_5 = arith.constant 21 : i32
    %scan3A_6 = arith.addi %scan3A_4, %scan3A_5 : i32
    %scan3A_7 = arith.constant 1 : i32
    scf.for %scan3A_20 = %scan3A_4 to %scan3A_6 step %scan3A_7  : i32 {
      %mul3A_21 = arith.constant 2 : i32
      %mul3A_22 = arith.muli %mul3A_21, %scan3A_20 : i32
      %add3A_23 = arith.constant 0 : i32
      %add3A_24 = arith.addi %mul3A_22, %add3A_23 : i32
      %mul3A_25 = arith.constant 32 : i32
      %mul3A_26 = arith.muli %add3A_24, %mul3A_25 : i32
      %add3A_27 = arith.addi %add3A, %mul3A_26 : i32
      %ge3A = arith.constant 1 : i32
      %ge3A_28 = arith.cmpi sge, %add3A_24, %ge3A : i32
      %sub3A = arith.constant 32 : i32
      %sub3A_29 = arith.subi %add3A_27, %sub3A : i32
      %lt3A = arith.constant 1250 : i32
      %lt3A_30 = arith.cmpi slt, %sub3A_29, %lt3A : i32
      %and3A = arith.andi %ge3A_28, %lt3A_30 : i1
      %convert_element_type3A = arith.extui %and3A : i1 to i32
      %cond3A = arith.constant 0 : i32
      %cond3A_31 = arith.cmpi ne, %convert_element_type3A, %cond3A : i32
      scf.if %cond3A_31 {
        %dma_wait3A_59 = arith.constant 0 : i32
        %dma_wait3A_60 = arith.constant 0 : i32
        %dma_wait3A_61 = tpu.memref_slice %arg22[%dma_wait3A_59, %dma_wait3A_60] : memref<80x651xf32, #tpu.memory_space<vmem>> -> memref<80x128xf32, #tpu.memory_space<vmem>>
        %dma_wait3A_62 = arith.constant 0 : i32
        %dma_wait3A_63 = arith.constant 0 : i32
        %dma_wait3A_64 = tpu.memref_slice %arg3[%dma_wait3A_62, %dma_wait3A_63] : memref<100x128xf32, #tpu.memory_space<hbm>> -> memref<100x128xf32, #tpu.memory_space<hbm>>
        tpu.wait_indirect_dma semaphore(%arg26 : memref<!tpu.dma_semaphore, #tpu.memory_space<semaphore_mem>>) src(%dma_wait3A_64 : memref<100x128xf32, #tpu.memory_space<hbm>>) dst(%dma_wait3A_61 : memref<80x128xf32, #tpu.memory_space<vmem>>)
        %dma_wait3A_65 = arith.constant 0 : i32
        %dma_wait3A_66 = arith.constant 128 : i32
        %dma_wait3A_67 = tpu.memref_slice %arg22[%dma_wait3A_65, %dma_wait3A_66] : memref<80x651xf32, #tpu.memory_space<vmem>> -> memref<80x128xf32, #tpu.memory_space<vmem>>
        %dma_wait3A_68 = arith.constant 0 : i32
        %dma_wait3A_69 = arith.constant 0 : i32
        %dma_wait3A_70 = tpu.memref_slice %arg4[%dma_wait3A_68, %dma_wait3A_69] : memref<10x128xf32, #tpu.memory_space<hbm>> -> memref<10x128xf32, #tpu.memory_space<hbm>>
        tpu.wait_indirect_dma semaphore(%arg26 : memref<!tpu.dma_semaphore, #tpu.memory_space<semaphore_mem>>) src(%dma_wait3A_70 : memref<10x128xf32, #tpu.memory_space<hbm>>) dst(%dma_wait3A_67 : memref<80x128xf32, #tpu.memory_space<vmem>>)
        %dma_wait3A_71 = arith.constant 0 : i32
        %dma_wait3A_72 = arith.constant 256 : i32
        %dma_wait3A_73 = tpu.memref_slice %arg22[%dma_wait3A_71, %dma_wait3A_72] : memref<80x651xf32, #tpu.memory_space<vmem>> -> memref<80x128xf32, #tpu.memory_space<vmem>>
        %dma_wait3A_74 = arith.constant 0 : i32
        %dma_wait3A_75 = arith.constant 0 : i32
        %dma_wait3A_76 = tpu.memref_slice %arg5[%dma_wait3A_74, %dma_wait3A_75] : memref<10x128xf32, #tpu.memory_space<hbm>> -> memref<10x128xf32, #tpu.memory_space<hbm>>
        tpu.wait_indirect_dma semaphore(%arg26 : memref<!tpu.dma_semaphore, #tpu.memory_space<semaphore_mem>>) src(%dma_wait3A_76 : memref<10x128xf32, #tpu.memory_space<hbm>>) dst(%dma_wait3A_73 : memref<80x128xf32, #tpu.memory_space<vmem>>)
        %dma_wait3A_77 = arith.constant 0 : i32
        %dma_wait3A_78 = arith.constant 384 : i32
        %dma_wait3A_79 = tpu.memref_slice %arg22[%dma_wait3A_77, %dma_wait3A_78] : memref<80x651xf32, #tpu.memory_space<vmem>> -> memref<80x128xf32, #tpu.memory_space<vmem>>
        %dma_wait3A_80 = arith.constant 0 : i32
        %dma_wait3A_81 = arith.constant 0 : i32
        %dma_wait3A_82 = tpu.memref_slice %arg6[%dma_wait3A_80, %dma_wait3A_81] : memref<10x128xf32, #tpu.memory_space<hbm>> -> memref<10x128xf32, #tpu.memory_space<hbm>>
        tpu.wait_indirect_dma semaphore(%arg26 : memref<!tpu.dma_semaphore, #tpu.memory_space<semaphore_mem>>) src(%dma_wait3A_82 : memref<10x128xf32, #tpu.memory_space<hbm>>) dst(%dma_wait3A_79 : memref<80x128xf32, #tpu.memory_space<vmem>>)
        %dma_wait3A_83 = arith.constant 0 : i32
        %dma_wait3A_84 = arith.constant 512 : i32
        %dma_wait3A_85 = tpu.memref_slice %arg22[%dma_wait3A_83, %dma_wait3A_84] : memref<80x651xf32, #tpu.memory_space<vmem>> -> memref<80x128xf32, #tpu.memory_space<vmem>>
        %dma_wait3A_86 = arith.constant 0 : i32
        %dma_wait3A_87 = arith.constant 0 : i32
        %dma_wait3A_88 = tpu.memref_slice %arg7[%dma_wait3A_86, %dma_wait3A_87] : memref<10x128xf32, #tpu.memory_space<hbm>> -> memref<10x128xf32, #tpu.memory_space<hbm>>
        tpu.wait_indirect_dma semaphore(%arg26 : memref<!tpu.dma_semaphore, #tpu.memory_space<semaphore_mem>>) src(%dma_wait3A_88 : memref<10x128xf32, #tpu.memory_space<hbm>>) dst(%dma_wait3A_85 : memref<80x128xf32, #tpu.memory_space<vmem>>)
        %sub3A_89 = arith.constant 32 : i32
        %sub3A_90 = arith.subi %add3A_27, %sub3A_89 : i32
        %mul3A_91 = arith.constant 80 : i32
        %mul3A_92 = arith.muli %sub3A_90, %mul3A_91 : i32
        %dma_start3A_93 = arith.constant 0 : i32
        %dma_start3A_94 = tpu.memref_slice %arg8[%mul3A_92, %dma_start3A_93] : memref<100000x651xf32, #tpu.memory_space<hbm>> -> memref<80x651xf32, #tpu.memory_space<hbm>>
        %dma_start3A_95 = arith.constant 0 : i32
        %dma_start3A_96 = tpu.memref_slice %arg8[%mul3A_92, %dma_start3A_95] : memref<100000x651xf32, #tpu.memory_space<hbm>> -> memref<80x651xf32, #tpu.memory_space<hbm>>
        tpu.enqueue_dma source(%arg22 : memref<80x651xf32, #tpu.memory_space<vmem>>) target(%dma_start3A_96 : memref<80x651xf32, #tpu.memory_space<hbm>>) target_semaphore(%arg28 : memref<!tpu.dma_semaphore, #tpu.memory_space<semaphore_mem>>)
      } else {
      }
      %lt3A_32 = arith.constant 1250 : i32
      %lt3A_33 = arith.cmpi slt, %add3A_27, %lt3A_32 : i32
      %convert_element_type3A_34 = arith.extui %lt3A_33 : i1 to i32
      %cond3A_35 = arith.constant 0 : i32
      %cond3A_36 = arith.cmpi ne, %convert_element_type3A_34, %cond3A_35 : i32
      scf.if %cond3A_36 {
        %mul3A_59 = arith.constant 1280 : i32
        %mul3A_60 = arith.muli %add3A_27, %mul3A_59 : i32
        %dma_wait3A_61 = tpu.memref_slice %arg2[%mul3A_60] : memref<1600000xf32, #tpu.memory_space<hbm>> -> memref<1280xf32, #tpu.memory_space<hbm>>
        %dma_wait3A_62 = tpu.memref_slice %arg2[%mul3A_60] : memref<1600000xf32, #tpu.memory_space<hbm>> -> memref<1280xf32, #tpu.memory_space<hbm>>
        tpu.wait_dma2 semaphore(%arg23 : memref<!tpu.dma_semaphore, #tpu.memory_space<semaphore_mem>>) src(%dma_wait3A_62 : memref<1280xf32, #tpu.memory_space<hbm>>) dst(%arg9 : memref<1280xf32, #tpu.memory_space<vmem>>)
        %add3A_63 = arith.constant 32 : i32
        %add3A_64 = arith.addi %add3A_27, %add3A_63 : i32
        %lt3A_65 = arith.constant 1250 : i32
        %lt3A_66 = arith.cmpi slt, %add3A_64, %lt3A_65 : i32
        %convert_element_type3A_67 = arith.extui %lt3A_66 : i1 to i32
        %cond3A_68 = arith.constant 0 : i32
        %cond3A_69 = arith.cmpi ne, %convert_element_type3A_67, %cond3A_68 : i32
        scf.if %cond3A_69 {
          %add3A_682 = arith.constant 32 : i32
          %add3A_683 = arith.addi %add3A_27, %add3A_682 : i32
          %mul3A_684 = arith.constant 1280 : i32
          %mul3A_685 = arith.muli %add3A_683, %mul3A_684 : i32
          %dma_start3A_686 = tpu.memref_slice %arg2[%mul3A_685] : memref<1600000xf32, #tpu.memory_space<hbm>> -> memref<1280xf32, #tpu.memory_space<hbm>>
          %dma_start3A_687 = tpu.memref_slice %arg2[%mul3A_685] : memref<1600000xf32, #tpu.memory_space<hbm>> -> memref<1280xf32, #tpu.memory_space<hbm>>
          tpu.enqueue_dma source(%dma_start3A_687 : memref<1280xf32, #tpu.memory_space<hbm>>) target(%arg10 : memref<1280xf32, #tpu.memory_space<vmem>>) target_semaphore(%arg24 : memref<!tpu.dma_semaphore, #tpu.memory_space<semaphore_mem>>)
        } else {
        }
        %mul3A_70 = arith.constant 16 : i32
        %mul3A_71 = vector.broadcast %mul3A_70 : i32 to vector<16xi32>
        %mul3A_72 = arith.muli %iota3A, %mul3A_71 : vector<16xi32>
        %add3A_73 = arith.constant 0 : i32
        %add3A_74 = vector.broadcast %add3A_73 : i32 to vector<16xi32>
        %add3A_75 = arith.addi %mul3A_72, %add3A_74 : vector<16xi32>
        %add3A_76 = arith.constant 0 : i32
        %add3A_77 = vector.broadcast %add3A_76 : i32 to vector<16xi32>
        %add3A_78 = arith.addi %add3A_75, %add3A_77 : vector<16xi32>
        %gather3A = tpu.vector_load_idx %arg9[%add3A_78] : memref<1280xf32, #tpu.memory_space<vmem>>[vector<16xi32>], vector<16xf32>,
        %convert_element_type3A_79 = arith.fptosi %gather3A : vector<16xf32> to vector<16xi32>
        %swap3A = arith.constant 0 : index
        %swap3A_80 = tpu.vector_load %arg11[%swap3A] {strides = array<i32>} : memref<80xi32, #tpu.memory_space<vmem>>, vector<16xi32>,
        tpu.vector_store %arg11[%swap3A], %convert_element_type3A_79 {strides = array<i32>} : memref<80xi32, #tpu.memory_space<vmem>>, vector<16xi32>,
        %add3A_81 = arith.constant 1 : i32
        %add3A_82 = vector.broadcast %add3A_81 : i32 to vector<16xi32>
        %add3A_83 = arith.addi %add3A_75, %add3A_82 : vector<16xi32>
        %gather3A_84 = tpu.vector_load_idx %arg9[%add3A_83] : memref<1280xf32, #tpu.memory_space<vmem>>[vector<16xi32>], vector<16xf32>,
        %convert_element_type3A_85 = arith.fptosi %gather3A_84 : vector<16xf32> to vector<16xi32>
        %swap3A_86 = arith.constant 0 : index
        %swap3A_87 = tpu.vector_load %arg12[%swap3A_86] {strides = array<i32>} : memref<80xi32, #tpu.memory_space<vmem>>, vector<16xi32>,
        tpu.vector_store %arg12[%swap3A_86], %convert_element_type3A_85 {strides = array<i32>} : memref<80xi32, #tpu.memory_space<vmem>>, vector<16xi32>,
        %add3A_88 = arith.constant 2 : i32
        %add3A_89 = vector.broadcast %add3A_88 : i32 to vector<16xi32>
        %add3A_90 = arith.addi %add3A_75, %add3A_89 : vector<16xi32>
        %gather3A_91 = tpu.vector_load_idx %arg9[%add3A_90] : memref<1280xf32, #tpu.memory_space<vmem>>[vector<16xi32>], vector<16xf32>,
        %convert_element_type3A_92 = arith.fptosi %gather3A_91 : vector<16xf32> to vector<16xi32>
        %swap3A_93 = arith.constant 0 : index
        %swap3A_94 = tpu.vector_load %arg13[%swap3A_93] {strides = array<i32>} : memref<80xi32, #tpu.memory_space<vmem>>, vector<16xi32>,
        tpu.vector_store %arg13[%swap3A_93], %convert_element_type3A_92 {strides = array<i32>} : memref<80xi32, #tpu.memory_space<vmem>>, vector<16xi32>,
        %add3A_95 = arith.constant 3 : i32
        %add3A_96 = vector.broadcast %add3A_95 : i32 to vector<16xi32>
        %add3A_97 = arith.addi %add3A_75, %add3A_96 : vector<16xi32>
        %gather3A_98 = tpu.vector_load_idx %arg9[%add3A_97] : memref<1280xf32, #tpu.memory_space<vmem>>[vector<16xi32>], vector<16xf32>,
        %convert_element_type3A_99 = arith.fptosi %gather3A_98 : vector<16xf32> to vector<16xi32>
        %swap3A_100 = arith.constant 0 : index
        %swap3A_101 = tpu.vector_load %arg14[%swap3A_100] {strides = array<i32>} : memref<80xi32, #tpu.memory_space<vmem>>, vector<16xi32>,
        tpu.vector_store %arg14[%swap3A_100], %convert_element_type3A_99 {strides = array<i32>} : memref<80xi32, #tpu.memory_space<vmem>>, vector<16xi32>,
        %add3A_102 = arith.constant 4 : i32
        %add3A_103 = vector.broadcast %add3A_102 : i32 to vector<16xi32>
        %add3A_104 = arith.addi %add3A_75, %add3A_103 : vector<16xi32>
        %gather3A_105 = tpu.vector_load_idx %arg9[%add3A_104] : memref<1280xf32, #tpu.memory_space<vmem>>[vector<16xi32>], vector<16xf32>,
        %convert_element_type3A_106 = arith.fptosi %gather3A_105 : vector<16xf32> to vector<16xi32>
        %swap3A_107 = arith.constant 0 : index
        %swap3A_108 = tpu.vector_load %arg15[%swap3A_107] {strides = array<i32>} : memref<80xi32, #tpu.memory_space<vmem>>, vector<16xi32>,
        tpu.vector_store %arg15[%swap3A_107], %convert_element_type3A_106 {strides = array<i32>} : memref<80xi32, #tpu.memory_space<vmem>>, vector<16xi32>,
        %mul3A_109 = arith.constant 16 : i32
        %mul3A_110 = vector.broadcast %mul3A_109 : i32 to vector<16xi32>
        %mul3A_111 = arith.muli %iota3A, %mul3A_110 : vector<16xi32>
        %add3A_112 = arith.constant 256 : i32
        %add3A_113 = vector.broadcast %add3A_112 : i32 to vector<16xi32>
        %add3A_114 = arith.addi %mul3A_111, %add3A_113 : vector<16xi32>
        %add3A_115 = arith.constant 0 : i32
        %add3A_116 = vector.broadcast %add3A_115 : i32 to vector<16xi32>
        %add3A_117 = arith.addi %add3A_114, %add3A_116 : vector<16xi32>
        %gather3A_118 = tpu.vector_load_idx %arg9[%add3A_117] : memref<1280xf32, #tpu.memory_space<vmem>>[vector<16xi32>], vector<16xf32>,
        %convert_element_type3A_119 = arith.fptosi %gather3A_118 : vector<16xf32> to vector<16xi32>
        %swap3A_120 = arith.constant 16 : index
        %swap3A_121 = tpu.vector_load %arg11[%swap3A_120] {strides = array<i32>} : memref<80xi32, #tpu.memory_space<vmem>>, vector<16xi32>,
        tpu.vector_store %arg11[%swap3A_120], %convert_element_type3A_119 {strides = array<i32>} : memref<80xi32, #tpu.memory_space<vmem>>, vector<16xi32>,
        %add3A_122 = arith.constant 1 : i32
        %add3A_123 = vector.broadcast %add3A_122 : i32 to vector<16xi32>
        %add3A_124 = arith.addi %add3A_114, %add3A_123 : vector<16xi32>
        %gather3A_125 = tpu.vector_load_idx %arg9[%add3A_124] : memref<1280xf32, #tpu.memory_space<vmem>>[vector<16xi32>], vector<16xf32>,
        %convert_element_type3A_126 = arith.fptosi %gather3A_125 : vector<16xf32> to vector<16xi32>
        %swap3A_127 = arith.constant 16 : index
        %swap3A_128 = tpu.vector_load %arg12[%swap3A_127] {strides = array<i32>} : memref<80xi32, #tpu.memory_space<vmem>>, vector<16xi32>,
        tpu.vector_store %arg12[%swap3A_127], %convert_element_type3A_126 {strides = array<i32>} : memref<80xi32, #tpu.memory_space<vmem>>, vector<16xi32>,
        %add3A_129 = arith.constant 2 : i32
        %add3A_130 = vector.broadcast %add3A_129 : i32 to vector<16xi32>
        %add3A_131 = arith.addi %add3A_114, %add3A_130 : vector<16xi32>
        %gather3A_132 = tpu.vector_load_idx %arg9[%add3A_131] : memref<1280xf32, #tpu.memory_space<vmem>>[vector<16xi32>], vector<16xf32>,
        %convert_element_type3A_133 = arith.fptosi %gather3A_132 : vector<16xf32> to vector<16xi32>
        %swap3A_134 = arith.constant 16 : index
        %swap3A_135 = tpu.vector_load %arg13[%swap3A_134] {strides = array<i32>} : memref<80xi32, #tpu.memory_space<vmem>>, vector<16xi32>,
        tpu.vector_store %arg13[%swap3A_134], %convert_element_type3A_133 {strides = array<i32>} : memref<80xi32, #tpu.memory_space<vmem>>, vector<16xi32>,
        %add3A_136 = arith.constant 3 : i32
        %add3A_137 = vector.broadcast %add3A_136 : i32 to vector<16xi32>
        %add3A_138 = arith.addi %add3A_114, %add3A_137 : vector<16xi32>
        %gather3A_139 = tpu.vector_load_idx %arg9[%add3A_138] : memref<1280xf32, #tpu.memory_space<vmem>>[vector<16xi32>], vector<16xf32>,
        %convert_element_type3A_140 = arith.fptosi %gather3A_139 : vector<16xf32> to vector<16xi32>
        %swap3A_141 = arith.constant 16 : index
        %swap3A_142 = tpu.vector_load %arg14[%swap3A_141] {strides = array<i32>} : memref<80xi32, #tpu.memory_space<vmem>>, vector<16xi32>,
        tpu.vector_store %arg14[%swap3A_141], %convert_element_type3A_140 {strides = array<i32>} : memref<80xi32, #tpu.memory_space<vmem>>, vector<16xi32>,
        %add3A_143 = arith.constant 4 : i32
        %add3A_144 = vector.broadcast %add3A_143 : i32 to vector<16xi32>
        %add3A_145 = arith.addi %add3A_114, %add3A_144 : vector<16xi32>
        %gather3A_146 = tpu.vector_load_idx %arg9[%add3A_145] : memref<1280xf32, #tpu.memory_space<vmem>>[vector<16xi32>], vector<16xf32>,
        %convert_element_type3A_147 = arith.fptosi %gather3A_146 : vector<16xf32> to vector<16xi32>
        %swap3A_148 = arith.constant 16 : index
        %swap3A_149 = tpu.vector_load %arg15[%swap3A_148] {strides = array<i32>} : memref<80xi32, #tpu.memory_space<vmem>>, vector<16xi32>,
        tpu.vector_store %arg15[%swap3A_148], %convert_element_type3A_147 {strides = array<i32>} : memref<80xi32, #tpu.memory_space<vmem>>, vector<16xi32>,
        %mul3A_150 = arith.constant 16 : i32
        %mul3A_151 = vector.broadcast %mul3A_150 : i32 to vector<16xi32>
        %mul3A_152 = arith.muli %iota3A, %mul3A_151 : vector<16xi32>
        %add3A_153 = arith.constant 512 : i32
        %add3A_154 = vector.broadcast %add3A_153 : i32 to vector<16xi32>
        %add3A_155 = arith.addi %mul3A_152, %add3A_154 : vector<16xi32>
        %add3A_156 = arith.constant 0 : i32
        %add3A_157 = vector.broadcast %add3A_156 : i32 to vector<16xi32>
        %add3A_158 = arith.addi %add3A_155, %add3A_157 : vector<16xi32>
        %gather3A_159 = tpu.vector_load_idx %arg9[%add3A_158] : memref<1280xf32, #tpu.memory_space<vmem>>[vector<16xi32>], vector<16xf32>,
        %convert_element_type3A_160 = arith.fptosi %gather3A_159 : vector<16xf32> to vector<16xi32>
        %swap3A_161 = arith.constant 32 : index
        %swap3A_162 = tpu.vector_load %arg11[%swap3A_161] {strides = array<i32>} : memref<80xi32, #tpu.memory_space<vmem>>, vector<16xi32>,
        tpu.vector_store %arg11[%swap3A_161], %convert_element_type3A_160 {strides = array<i32>} : memref<80xi32, #tpu.memory_space<vmem>>, vector<16xi32>,
        %add3A_163 = arith.constant 1 : i32
        %add3A_164 = vector.broadcast %add3A_163 : i32 to vector<16xi32>
        %add3A_165 = arith.addi %add3A_155, %add3A_164 : vector<16xi32>
        %gather3A_166 = tpu.vector_load_idx %arg9[%add3A_165] : memref<1280xf32, #tpu.memory_space<vmem>>[vector<16xi32>], vector<16xf32>,
        %convert_element_type3A_167 = arith.fptosi %gather3A_166 : vector<16xf32> to vector<16xi32>
        %swap3A_168 = arith.constant 32 : index
        %swap3A_169 = tpu.vector_load %arg12[%swap3A_168] {strides = array<i32>} : memref<80xi32, #tpu.memory_space<vmem>>, vector<16xi32>,
        tpu.vector_store %arg12[%swap3A_168], %convert_element_type3A_167 {strides = array<i32>} : memref<80xi32, #tpu.memory_space<vmem>>, vector<16xi32>,
        %add3A_170 = arith.constant 2 : i32
        %add3A_171 = vector.broadcast %add3A_170 : i32 to vector<16xi32>
        %add3A_172 = arith.addi %add3A_155, %add3A_171 : vector<16xi32>
        %gather3A_173 = tpu.vector_load_idx %arg9[%add3A_172] : memref<1280xf32, #tpu.memory_space<vmem>>[vector<16xi32>], vector<16xf32>,
        %convert_element_type3A_174 = arith.fptosi %gather3A_173 : vector<16xf32> to vector<16xi32>
        %swap3A_175 = arith.constant 32 : index
        %swap3A_176 = tpu.vector_load %arg13[%swap3A_175] {strides = array<i32>} : memref<80xi32, #tpu.memory_space<vmem>>, vector<16xi32>,
        tpu.vector_store %arg13[%swap3A_175], %convert_element_type3A_174 {strides = array<i32>} : memref<80xi32, #tpu.memory_space<vmem>>, vector<16xi32>,
        %add3A_177 = arith.constant 3 : i32
        %add3A_178 = vector.broadcast %add3A_177 : i32 to vector<16xi32>
        %add3A_179 = arith.addi %add3A_155, %add3A_178 : vector<16xi32>
        %gather3A_180 = tpu.vector_load_idx %arg9[%add3A_179] : memref<1280xf32, #tpu.memory_space<vmem>>[vector<16xi32>], vector<16xf32>,
        %convert_element_type3A_181 = arith.fptosi %gather3A_180 : vector<16xf32> to vector<16xi32>
        %swap3A_182 = arith.constant 32 : index
        %swap3A_183 = tpu.vector_load %arg14[%swap3A_182] {strides = array<i32>} : memref<80xi32, #tpu.memory_space<vmem>>, vector<16xi32>,
        tpu.vector_store %arg14[%swap3A_182], %convert_element_type3A_181 {strides = array<i32>} : memref<80xi32, #tpu.memory_space<vmem>>, vector<16xi32>,
        %add3A_184 = arith.constant 4 : i32
        %add3A_185 = vector.broadcast %add3A_184 : i32 to vector<16xi32>
        %add3A_186 = arith.addi %add3A_155, %add3A_185 : vector<16xi32>
        %gather3A_187 = tpu.vector_load_idx %arg9[%add3A_186] : memref<1280xf32, #tpu.memory_space<vmem>>[vector<16xi32>], vector<16xf32>,
        %convert_element_type3A_188 = arith.fptosi %gather3A_187 : vector<16xf32> to vector<16xi32>
        %swap3A_189 = arith.constant 32 : index
        %swap3A_190 = tpu.vector_load %arg15[%swap3A_189] {strides = array<i32>} : memref<80xi32, #tpu.memory_space<vmem>>, vector<16xi32>,
        tpu.vector_store %arg15[%swap3A_189], %convert_element_type3A_188 {strides = array<i32>} : memref<80xi32, #tpu.memory_space<vmem>>, vector<16xi32>,
        %mul3A_191 = arith.constant 16 : i32
        %mul3A_192 = vector.broadcast %mul3A_191 : i32 to vector<16xi32>
        %mul3A_193 = arith.muli %iota3A, %mul3A_192 : vector<16xi32>
        %add3A_194 = arith.constant 768 : i32
        %add3A_195 = vector.broadcast %add3A_194 : i32 to vector<16xi32>
        %add3A_196 = arith.addi %mul3A_193, %add3A_195 : vector<16xi32>
        %add3A_197 = arith.constant 0 : i32
        %add3A_198 = vector.broadcast %add3A_197 : i32 to vector<16xi32>
        %add3A_199 = arith.addi %add3A_196, %add3A_198 : vector<16xi32>
        %gather3A_200 = tpu.vector_load_idx %arg9[%add3A_199] : memref<1280xf32, #tpu.memory_space<vmem>>[vector<16xi32>], vector<16xf32>,
        %convert_element_type3A_201 = arith.fptosi %gather3A_200 : vector<16xf32> to vector<16xi32>
        %swap3A_202 = arith.constant 48 : index
        %swap3A_203 = tpu.vector_load %arg11[%swap3A_202] {strides = array<i32>} : memref<80xi32, #tpu.memory_space<vmem>>, vector<16xi32>,
        tpu.vector_store %arg11[%swap3A_202], %convert_element_type3A_201 {strides = array<i32>} : memref<80xi32, #tpu.memory_space<vmem>>, vector<16xi32>,
        %add3A_204 = arith.constant 1 : i32
        %add3A_205 = vector.broadcast %add3A_204 : i32 to vector<16xi32>
        %add3A_206 = arith.addi %add3A_196, %add3A_205 : vector<16xi32>
        %gather3A_207 = tpu.vector_load_idx %arg9[%add3A_206] : memref<1280xf32, #tpu.memory_space<vmem>>[vector<16xi32>], vector<16xf32>,
        %convert_element_type3A_208 = arith.fptosi %gather3A_207 : vector<16xf32> to vector<16xi32>
        %swap3A_209 = arith.constant 48 : index
        %swap3A_210 = tpu.vector_load %arg12[%swap3A_209] {strides = array<i32>} : memref<80xi32, #tpu.memory_space<vmem>>, vector<16xi32>,
        tpu.vector_store %arg12[%swap3A_209], %convert_element_type3A_208 {strides = array<i32>} : memref<80xi32, #tpu.memory_space<vmem>>, vector<16xi32>,
        %add3A_211 = arith.constant 2 : i32
        %add3A_212 = vector.broadcast %add3A_211 : i32 to vector<16xi32>
        %add3A_213 = arith.addi %add3A_196, %add3A_212 : vector<16xi32>
        %gather3A_214 = tpu.vector_load_idx %arg9[%add3A_213] : memref<1280xf32, #tpu.memory_space<vmem>>[vector<16xi32>], vector<16xf32>,
        %convert_element_type3A_215 = arith.fptosi %gather3A_214 : vector<16xf32> to vector<16xi32>
        %swap3A_216 = arith.constant 48 : index
        %swap3A_217 = tpu.vector_load %arg13[%swap3A_216] {strides = array<i32>} : memref<80xi32, #tpu.memory_space<vmem>>, vector<16xi32>,
        tpu.vector_store %arg13[%swap3A_216], %convert_element_type3A_215 {strides = array<i32>} : memref<80xi32, #tpu.memory_space<vmem>>, vector<16xi32>,
        %add3A_218 = arith.constant 3 : i32
        %add3A_219 = vector.broadcast %add3A_218 : i32 to vector<16xi32>
        %add3A_220 = arith.addi %add3A_196, %add3A_219 : vector<16xi32>
        %gather3A_221 = tpu.vector_load_idx %arg9[%add3A_220] : memref<1280xf32, #tpu.memory_space<vmem>>[vector<16xi32>], vector<16xf32>,
        %convert_element_type3A_222 = arith.fptosi %gather3A_221 : vector<16xf32> to vector<16xi32>
        %swap3A_223 = arith.constant 48 : index
        %swap3A_224 = tpu.vector_load %arg14[%swap3A_223] {strides = array<i32>} : memref<80xi32, #tpu.memory_space<vmem>>, vector<16xi32>,
        tpu.vector_store %arg14[%swap3A_223], %convert_element_type3A_222 {strides = array<i32>} : memref<80xi32, #tpu.memory_space<vmem>>, vector<16xi32>,
        %add3A_225 = arith.constant 4 : i32
        %add3A_226 = vector.broadcast %add3A_225 : i32 to vector<16xi32>
        %add3A_227 = arith.addi %add3A_196, %add3A_226 : vector<16xi32>
        %gather3A_228 = tpu.vector_load_idx %arg9[%add3A_227] : memref<1280xf32, #tpu.memory_space<vmem>>[vector<16xi32>], vector<16xf32>,
        %convert_element_type3A_229 = arith.fptosi %gather3A_228 : vector<16xf32> to vector<16xi32>
        %swap3A_230 = arith.constant 48 : index
        %swap3A_231 = tpu.vector_load %arg15[%swap3A_230] {strides = array<i32>} : memref<80xi32, #tpu.memory_space<vmem>>, vector<16xi32>,
        tpu.vector_store %arg15[%swap3A_230], %convert_element_type3A_229 {strides = array<i32>} : memref<80xi32, #tpu.memory_space<vmem>>, vector<16xi32>,
        %mul3A_232 = arith.constant 16 : i32
        %mul3A_233 = vector.broadcast %mul3A_232 : i32 to vector<16xi32>
        %mul3A_234 = arith.muli %iota3A, %mul3A_233 : vector<16xi32>
        %add3A_235 = arith.constant 1024 : i32
        %add3A_236 = vector.broadcast %add3A_235 : i32 to vector<16xi32>
        %add3A_237 = arith.addi %mul3A_234, %add3A_236 : vector<16xi32>
        %add3A_238 = arith.constant 0 : i32
        %add3A_239 = vector.broadcast %add3A_238 : i32 to vector<16xi32>
        %add3A_240 = arith.addi %add3A_237, %add3A_239 : vector<16xi32>
        %gather3A_241 = tpu.vector_load_idx %arg9[%add3A_240] : memref<1280xf32, #tpu.memory_space<vmem>>[vector<16xi32>], vector<16xf32>,
        %convert_element_type3A_242 = arith.fptosi %gather3A_241 : vector<16xf32> to vector<16xi32>
        %swap3A_243 = arith.constant 64 : index
        %swap3A_244 = tpu.vector_load %arg11[%swap3A_243] {strides = array<i32>} : memref<80xi32, #tpu.memory_space<vmem>>, vector<16xi32>,
        tpu.vector_store %arg11[%swap3A_243], %convert_element_type3A_242 {strides = array<i32>} : memref<80xi32, #tpu.memory_space<vmem>>, vector<16xi32>,
        %add3A_245 = arith.constant 1 : i32
        %add3A_246 = vector.broadcast %add3A_245 : i32 to vector<16xi32>
        %add3A_247 = arith.addi %add3A_237, %add3A_246 : vector<16xi32>
        %gather3A_248 = tpu.vector_load_idx %arg9[%add3A_247] : memref<1280xf32, #tpu.memory_space<vmem>>[vector<16xi32>], vector<16xf32>,
        %convert_element_type3A_249 = arith.fptosi %gather3A_248 : vector<16xf32> to vector<16xi32>
        %swap3A_250 = arith.constant 64 : index
        %swap3A_251 = tpu.vector_load %arg12[%swap3A_250] {strides = array<i32>} : memref<80xi32, #tpu.memory_space<vmem>>, vector<16xi32>,
        tpu.vector_store %arg12[%swap3A_250], %convert_element_type3A_249 {strides = array<i32>} : memref<80xi32, #tpu.memory_space<vmem>>, vector<16xi32>,
        %add3A_252 = arith.constant 2 : i32
        %add3A_253 = vector.broadcast %add3A_252 : i32 to vector<16xi32>
        %add3A_254 = arith.addi %add3A_237, %add3A_253 : vector<16xi32>
        %gather3A_255 = tpu.vector_load_idx %arg9[%add3A_254] : memref<1280xf32, #tpu.memory_space<vmem>>[vector<16xi32>], vector<16xf32>,
        %convert_element_type3A_256 = arith.fptosi %gather3A_255 : vector<16xf32> to vector<16xi32>
        %swap3A_257 = arith.constant 64 : index
        %swap3A_258 = tpu.vector_load %arg13[%swap3A_257] {strides = array<i32>} : memref<80xi32, #tpu.memory_space<vmem>>, vector<16xi32>,
        tpu.vector_store %arg13[%swap3A_257], %convert_element_type3A_256 {strides = array<i32>} : memref<80xi32, #tpu.memory_space<vmem>>, vector<16xi32>,
        %add3A_259 = arith.constant 3 : i32
        %add3A_260 = vector.broadcast %add3A_259 : i32 to vector<16xi32>
        %add3A_261 = arith.addi %add3A_237, %add3A_260 : vector<16xi32>
        %gather3A_262 = tpu.vector_load_idx %arg9[%add3A_261] : memref<1280xf32, #tpu.memory_space<vmem>>[vector<16xi32>], vector<16xf32>,
        %convert_element_type3A_263 = arith.fptosi %gather3A_262 : vector<16xf32> to vector<16xi32>
        %swap3A_264 = arith.constant 64 : index
        %swap3A_265 = tpu.vector_load %arg14[%swap3A_264] {strides = array<i32>} : memref<80xi32, #tpu.memory_space<vmem>>, vector<16xi32>,
        tpu.vector_store %arg14[%swap3A_264], %convert_element_type3A_263 {strides = array<i32>} : memref<80xi32, #tpu.memory_space<vmem>>, vector<16xi32>,
        %add3A_266 = arith.constant 4 : i32
        %add3A_267 = vector.broadcast %add3A_266 : i32 to vector<16xi32>
        %add3A_268 = arith.addi %add3A_237, %add3A_267 : vector<16xi32>
        %gather3A_269 = tpu.vector_load_idx %arg9[%add3A_268] : memref<1280xf32, #tpu.memory_space<vmem>>[vector<16xi32>], vector<16xf32>,
        %convert_element_type3A_270 = arith.fptosi %gather3A_269 : vector<16xf32> to vector<16xi32>
        %swap3A_271 = arith.constant 64 : index
        %swap3A_272 = tpu.vector_load %arg15[%swap3A_271] {strides = array<i32>} : memref<80xi32, #tpu.memory_space<vmem>>, vector<16xi32>,
        tpu.vector_store %arg15[%swap3A_271], %convert_element_type3A_270 {strides = array<i32>} : memref<80xi32, #tpu.memory_space<vmem>>, vector<16xi32>,
        %ge3A_273 = arith.constant 1 : i32
        %ge3A_274 = arith.cmpi sge, %scan3A_20, %ge3A_273 : i32
        %convert_element_type3A_275 = arith.extui %ge3A_274 : i1 to i32
        %cond3A_276 = arith.constant 0 : i32
        %cond3A_277 = arith.cmpi ne, %convert_element_type3A_275, %cond3A_276 : i32
        scf.if %cond3A_277 {
          %mul3A_682 = arith.constant 80 : i32
          %mul3A_683 = arith.muli %add3A_27, %mul3A_682 : i32
          %dma_wait3A_684 = arith.constant 0 : i32
          %dma_wait3A_685 = tpu.memref_slice %arg8[%mul3A_683, %dma_wait3A_684] : memref<100000x651xf32, #tpu.memory_space<hbm>> -> memref<80x651xf32, #tpu.memory_space<hbm>>
          %dma_wait3A_686 = arith.constant 0 : i32
          %dma_wait3A_687 = tpu.memref_slice %arg8[%mul3A_683, %dma_wait3A_686] : memref<100000x651xf32, #tpu.memory_space<hbm>> -> memref<80x651xf32, #tpu.memory_space<hbm>>
          tpu.wait_dma2 semaphore(%arg27 : memref<!tpu.dma_semaphore, #tpu.memory_space<semaphore_mem>>) src(%arg21 : memref<80x651xf32, #tpu.memory_space<vmem>>) dst(%dma_wait3A_687 : memref<80x651xf32, #tpu.memory_space<hbm>>)
        } else {
        }
        %add3A_278 = arith.constant 0 : i32
        %add3A_279 = vector.broadcast %add3A_278 : i32 to vector<16xi32>
        %add3A_280 = arith.addi %iota3A, %add3A_279 : vector<16xi32>
        %mul3A_281 = arith.constant 16 : i32
        %mul3A_282 = vector.broadcast %mul3A_281 : i32 to vector<16xi32>
        %mul3A_283 = arith.muli %iota3A, %mul3A_282 : vector<16xi32>
        %add3A_284 = arith.constant 0 : i32
        %add3A_285 = vector.broadcast %add3A_284 : i32 to vector<16xi32>
        %add3A_286 = arith.addi %mul3A_283, %add3A_285 : vector<16xi32>
        %add3A_287 = arith.constant 5 : i32
        %add3A_288 = vector.broadcast %add3A_287 : i32 to vector<16xi32>
        %add3A_289 = arith.addi %add3A_286, %add3A_288 : vector<16xi32>
        %gather3A_290 = tpu.vector_load_idx %arg9[%add3A_289] : memref<1280xf32, #tpu.memory_space<vmem>>[vector<16xi32>], vector<16xf32>,
        %broadcast_in_dim3A = arith.constant 640 : i32
        %broadcast_in_dim3A_291 = vector.broadcast %broadcast_in_dim3A : i32 to vector<16xi32>
        tpu.vector_store_idx %arg21[%add3A_280, %broadcast_in_dim3A_291], %gather3A_290 : memref<80x651xf32, #tpu.memory_space<vmem>>[vector<16xi32>, vector<16xi32>], vector<16xf32>,
        %add3A_292 = arith.constant 6 : i32
        %add3A_293 = vector.broadcast %add3A_292 : i32 to vector<16xi32>
        %add3A_294 = arith.addi %add3A_286, %add3A_293 : vector<16xi32>
        %gather3A_295 = tpu.vector_load_idx %arg9[%add3A_294] : memref<1280xf32, #tpu.memory_space<vmem>>[vector<16xi32>], vector<16xf32>,
        %broadcast_in_dim3A_296 = arith.constant 641 : i32
        %broadcast_in_dim3A_297 = vector.broadcast %broadcast_in_dim3A_296 : i32 to vector<16xi32>
        tpu.vector_store_idx %arg21[%add3A_280, %broadcast_in_dim3A_297], %gather3A_295 : memref<80x651xf32, #tpu.memory_space<vmem>>[vector<16xi32>, vector<16xi32>], vector<16xf32>,
        %add3A_298 = arith.constant 7 : i32
        %add3A_299 = vector.broadcast %add3A_298 : i32 to vector<16xi32>
        %add3A_300 = arith.addi %add3A_286, %add3A_299 : vector<16xi32>
        %gather3A_301 = tpu.vector_load_idx %arg9[%add3A_300] : memref<1280xf32, #tpu.memory_space<vmem>>[vector<16xi32>], vector<16xf32>,
        %broadcast_in_dim3A_302 = arith.constant 642 : i32
        %broadcast_in_dim3A_303 = vector.broadcast %broadcast_in_dim3A_302 : i32 to vector<16xi32>
        tpu.vector_store_idx %arg21[%add3A_280, %broadcast_in_dim3A_303], %gather3A_301 : memref<80x651xf32, #tpu.memory_space<vmem>>[vector<16xi32>, vector<16xi32>], vector<16xf32>,
        %add3A_304 = arith.constant 8 : i32
        %add3A_305 = vector.broadcast %add3A_304 : i32 to vector<16xi32>
        %add3A_306 = arith.addi %add3A_286, %add3A_305 : vector<16xi32>
        %gather3A_307 = tpu.vector_load_idx %arg9[%add3A_306] : memref<1280xf32, #tpu.memory_space<vmem>>[vector<16xi32>], vector<16xf32>,
        %broadcast_in_dim3A_308 = arith.constant 643 : i32
        %broadcast_in_dim3A_309 = vector.broadcast %broadcast_in_dim3A_308 : i32 to vector<16xi32>
        tpu.vector_store_idx %arg21[%add3A_280, %broadcast_in_dim3A_309], %gather3A_307 : memref<80x651xf32, #tpu.memory_space<vmem>>[vector<16xi32>, vector<16xi32>], vector<16xf32>,
        %add3A_310 = arith.constant 9 : i32
        %add3A_311 = vector.broadcast %add3A_310 : i32 to vector<16xi32>
        %add3A_312 = arith.addi %add3A_286, %add3A_311 : vector<16xi32>
        %gather3A_313 = tpu.vector_load_idx %arg9[%add3A_312] : memref<1280xf32, #tpu.memory_space<vmem>>[vector<16xi32>], vector<16xf32>,
        %broadcast_in_dim3A_314 = arith.constant 644 : i32
        %broadcast_in_dim3A_315 = vector.broadcast %broadcast_in_dim3A_314 : i32 to vector<16xi32>
        tpu.vector_store_idx %arg21[%add3A_280, %broadcast_in_dim3A_315], %gather3A_313 : memref<80x651xf32, #tpu.memory_space<vmem>>[vector<16xi32>, vector<16xi32>], vector<16xf32>,
        %add3A_316 = arith.constant 10 : i32
        %add3A_317 = vector.broadcast %add3A_316 : i32 to vector<16xi32>
        %add3A_318 = arith.addi %add3A_286, %add3A_317 : vector<16xi32>
        %gather3A_319 = tpu.vector_load_idx %arg9[%add3A_318] : memref<1280xf32, #tpu.memory_space<vmem>>[vector<16xi32>], vector<16xf32>,
        %broadcast_in_dim3A_320 = arith.constant 645 : i32
        %broadcast_in_dim3A_321 = vector.broadcast %broadcast_in_dim3A_320 : i32 to vector<16xi32>
        tpu.vector_store_idx %arg21[%add3A_280, %broadcast_in_dim3A_321], %gather3A_319 : memref<80x651xf32, #tpu.memory_space<vmem>>[vector<16xi32>, vector<16xi32>], vector<16xf32>,
        %add3A_322 = arith.constant 11 : i32
        %add3A_323 = vector.broadcast %add3A_322 : i32 to vector<16xi32>
        %add3A_324 = arith.addi %add3A_286, %add3A_323 : vector<16xi32>
        %gather3A_325 = tpu.vector_load_idx %arg9[%add3A_324] : memref<1280xf32, #tpu.memory_space<vmem>>[vector<16xi32>], vector<16xf32>,
        %broadcast_in_dim3A_326 = arith.constant 646 : i32
        %broadcast_in_dim3A_327 = vector.broadcast %broadcast_in_dim3A_326 : i32 to vector<16xi32>
        tpu.vector_store_idx %arg21[%add3A_280, %broadcast_in_dim3A_327], %gather3A_325 : memref<80x651xf32, #tpu.memory_space<vmem>>[vector<16xi32>, vector<16xi32>], vector<16xf32>,
        %add3A_328 = arith.constant 12 : i32
        %add3A_329 = vector.broadcast %add3A_328 : i32 to vector<16xi32>
        %add3A_330 = arith.addi %add3A_286, %add3A_329 : vector<16xi32>
        %gather3A_331 = tpu.vector_load_idx %arg9[%add3A_330] : memref<1280xf32, #tpu.memory_space<vmem>>[vector<16xi32>], vector<16xf32>,
        %broadcast_in_dim3A_332 = arith.constant 647 : i32
        %broadcast_in_dim3A_333 = vector.broadcast %broadcast_in_dim3A_332 : i32 to vector<16xi32>
        tpu.vector_store_idx %arg21[%add3A_280, %broadcast_in_dim3A_333], %gather3A_331 : memref<80x651xf32, #tpu.memory_space<vmem>>[vector<16xi32>, vector<16xi32>], vector<16xf32>,
        %add3A_334 = arith.constant 13 : i32
        %add3A_335 = vector.broadcast %add3A_334 : i32 to vector<16xi32>
        %add3A_336 = arith.addi %add3A_286, %add3A_335 : vector<16xi32>
        %gather3A_337 = tpu.vector_load_idx %arg9[%add3A_336] : memref<1280xf32, #tpu.memory_space<vmem>>[vector<16xi32>], vector<16xf32>,
        %broadcast_in_dim3A_338 = arith.constant 648 : i32
        %broadcast_in_dim3A_339 = vector.broadcast %broadcast_in_dim3A_338 : i32 to vector<16xi32>
        tpu.vector_store_idx %arg21[%add3A_280, %broadcast_in_dim3A_339], %gather3A_337 : memref<80x651xf32, #tpu.memory_space<vmem>>[vector<16xi32>, vector<16xi32>], vector<16xf32>,
        %add3A_340 = arith.constant 14 : i32
        %add3A_341 = vector.broadcast %add3A_340 : i32 to vector<16xi32>
        %add3A_342 = arith.addi %add3A_286, %add3A_341 : vector<16xi32>
        %gather3A_343 = tpu.vector_load_idx %arg9[%add3A_342] : memref<1280xf32, #tpu.memory_space<vmem>>[vector<16xi32>], vector<16xf32>,
        %broadcast_in_dim3A_344 = arith.constant 649 : i32
        %broadcast_in_dim3A_345 = vector.broadcast %broadcast_in_dim3A_344 : i32 to vector<16xi32>
        tpu.vector_store_idx %arg21[%add3A_280, %broadcast_in_dim3A_345], %gather3A_343 : memref<80x651xf32, #tpu.memory_space<vmem>>[vector<16xi32>, vector<16xi32>], vector<16xf32>,
        %add3A_346 = arith.constant 15 : i32
        %add3A_347 = vector.broadcast %add3A_346 : i32 to vector<16xi32>
        %add3A_348 = arith.addi %add3A_286, %add3A_347 : vector<16xi32>
        %gather3A_349 = tpu.vector_load_idx %arg9[%add3A_348] : memref<1280xf32, #tpu.memory_space<vmem>>[vector<16xi32>], vector<16xf32>,
        %broadcast_in_dim3A_350 = arith.constant 650 : i32
        %broadcast_in_dim3A_351 = vector.broadcast %broadcast_in_dim3A_350 : i32 to vector<16xi32>
        tpu.vector_store_idx %arg21[%add3A_280, %broadcast_in_dim3A_351], %gather3A_349 : memref<80x651xf32, #tpu.memory_space<vmem>>[vector<16xi32>, vector<16xi32>], vector<16xf32>,
        %add3A_352 = arith.constant 16 : i32
        %add3A_353 = vector.broadcast %add3A_352 : i32 to vector<16xi32>
        %add3A_354 = arith.addi %iota3A, %add3A_353 : vector<16xi32>
        %mul3A_355 = arith.constant 16 : i32
        %mul3A_356 = vector.broadcast %mul3A_355 : i32 to vector<16xi32>
        %mul3A_357 = arith.muli %iota3A, %mul3A_356 : vector<16xi32>
        %add3A_358 = arith.constant 256 : i32
        %add3A_359 = vector.broadcast %add3A_358 : i32 to vector<16xi32>
        %add3A_360 = arith.addi %mul3A_357, %add3A_359 : vector<16xi32>
        %add3A_361 = arith.constant 5 : i32
        %add3A_362 = vector.broadcast %add3A_361 : i32 to vector<16xi32>
        %add3A_363 = arith.addi %add3A_360, %add3A_362 : vector<16xi32>
        %gather3A_364 = tpu.vector_load_idx %arg9[%add3A_363] : memref<1280xf32, #tpu.memory_space<vmem>>[vector<16xi32>], vector<16xf32>,
        %broadcast_in_dim3A_365 = arith.constant 640 : i32
        %broadcast_in_dim3A_366 = vector.broadcast %broadcast_in_dim3A_365 : i32 to vector<16xi32>
        tpu.vector_store_idx %arg21[%add3A_354, %broadcast_in_dim3A_366], %gather3A_364 : memref<80x651xf32, #tpu.memory_space<vmem>>[vector<16xi32>, vector<16xi32>], vector<16xf32>,
        %add3A_367 = arith.constant 6 : i32
        %add3A_368 = vector.broadcast %add3A_367 : i32 to vector<16xi32>
        %add3A_369 = arith.addi %add3A_360, %add3A_368 : vector<16xi32>
        %gather3A_370 = tpu.vector_load_idx %arg9[%add3A_369] : memref<1280xf32, #tpu.memory_space<vmem>>[vector<16xi32>], vector<16xf32>,
        %broadcast_in_dim3A_371 = arith.constant 641 : i32
        %broadcast_in_dim3A_372 = vector.broadcast %broadcast_in_dim3A_371 : i32 to vector<16xi32>
        tpu.vector_store_idx %arg21[%add3A_354, %broadcast_in_dim3A_372], %gather3A_370 : memref<80x651xf32, #tpu.memory_space<vmem>>[vector<16xi32>, vector<16xi32>], vector<16xf32>,
        %add3A_373 = arith.constant 7 : i32
        %add3A_374 = vector.broadcast %add3A_373 : i32 to vector<16xi32>
        %add3A_375 = arith.addi %add3A_360, %add3A_374 : vector<16xi32>
        %gather3A_376 = tpu.vector_load_idx %arg9[%add3A_375] : memref<1280xf32, #tpu.memory_space<vmem>>[vector<16xi32>], vector<16xf32>,
        %broadcast_in_dim3A_377 = arith.constant 642 : i32
        %broadcast_in_dim3A_378 = vector.broadcast %broadcast_in_dim3A_377 : i32 to vector<16xi32>
        tpu.vector_store_idx %arg21[%add3A_354, %broadcast_in_dim3A_378], %gather3A_376 : memref<80x651xf32, #tpu.memory_space<vmem>>[vector<16xi32>, vector<16xi32>], vector<16xf32>,
        %add3A_379 = arith.constant 8 : i32
        %add3A_380 = vector.broadcast %add3A_379 : i32 to vector<16xi32>
        %add3A_381 = arith.addi %add3A_360, %add3A_380 : vector<16xi32>
        %gather3A_382 = tpu.vector_load_idx %arg9[%add3A_381] : memref<1280xf32, #tpu.memory_space<vmem>>[vector<16xi32>], vector<16xf32>,
        %broadcast_in_dim3A_383 = arith.constant 643 : i32
        %broadcast_in_dim3A_384 = vector.broadcast %broadcast_in_dim3A_383 : i32 to vector<16xi32>
        tpu.vector_store_idx %arg21[%add3A_354, %broadcast_in_dim3A_384], %gather3A_382 : memref<80x651xf32, #tpu.memory_space<vmem>>[vector<16xi32>, vector<16xi32>], vector<16xf32>,
        %add3A_385 = arith.constant 9 : i32
        %add3A_386 = vector.broadcast %add3A_385 : i32 to vector<16xi32>
        %add3A_387 = arith.addi %add3A_360, %add3A_386 : vector<16xi32>
        %gather3A_388 = tpu.vector_load_idx %arg9[%add3A_387] : memref<1280xf32, #tpu.memory_space<vmem>>[vector<16xi32>], vector<16xf32>,
        %broadcast_in_dim3A_389 = arith.constant 644 : i32
        %broadcast_in_dim3A_390 = vector.broadcast %broadcast_in_dim3A_389 : i32 to vector<16xi32>
        tpu.vector_store_idx %arg21[%add3A_354, %broadcast_in_dim3A_390], %gather3A_388 : memref<80x651xf32, #tpu.memory_space<vmem>>[vector<16xi32>, vector<16xi32>], vector<16xf32>,
        %add3A_391 = arith.constant 10 : i32
        %add3A_392 = vector.broadcast %add3A_391 : i32 to vector<16xi32>
        %add3A_393 = arith.addi %add3A_360, %add3A_392 : vector<16xi32>
        %gather3A_394 = tpu.vector_load_idx %arg9[%add3A_393] : memref<1280xf32, #tpu.memory_space<vmem>>[vector<16xi32>], vector<16xf32>,
        %broadcast_in_dim3A_395 = arith.constant 645 : i32
        %broadcast_in_dim3A_396 = vector.broadcast %broadcast_in_dim3A_395 : i32 to vector<16xi32>
        tpu.vector_store_idx %arg21[%add3A_354, %broadcast_in_dim3A_396], %gather3A_394 : memref<80x651xf32, #tpu.memory_space<vmem>>[vector<16xi32>, vector<16xi32>], vector<16xf32>,
        %add3A_397 = arith.constant 11 : i32
        %add3A_398 = vector.broadcast %add3A_397 : i32 to vector<16xi32>
        %add3A_399 = arith.addi %add3A_360, %add3A_398 : vector<16xi32>
        %gather3A_400 = tpu.vector_load_idx %arg9[%add3A_399] : memref<1280xf32, #tpu.memory_space<vmem>>[vector<16xi32>], vector<16xf32>,
        %broadcast_in_dim3A_401 = arith.constant 646 : i32
        %broadcast_in_dim3A_402 = vector.broadcast %broadcast_in_dim3A_401 : i32 to vector<16xi32>
        tpu.vector_store_idx %arg21[%add3A_354, %broadcast_in_dim3A_402], %gather3A_400 : memref<80x651xf32, #tpu.memory_space<vmem>>[vector<16xi32>, vector<16xi32>], vector<16xf32>,
        %add3A_403 = arith.constant 12 : i32
        %add3A_404 = vector.broadcast %add3A_403 : i32 to vector<16xi32>
        %add3A_405 = arith.addi %add3A_360, %add3A_404 : vector<16xi32>
        %gather3A_406 = tpu.vector_load_idx %arg9[%add3A_405] : memref<1280xf32, #tpu.memory_space<vmem>>[vector<16xi32>], vector<16xf32>,
        %broadcast_in_dim3A_407 = arith.constant 647 : i32
        %broadcast_in_dim3A_408 = vector.broadcast %broadcast_in_dim3A_407 : i32 to vector<16xi32>
        tpu.vector_store_idx %arg21[%add3A_354, %broadcast_in_dim3A_408], %gather3A_406 : memref<80x651xf32, #tpu.memory_space<vmem>>[vector<16xi32>, vector<16xi32>], vector<16xf32>,
        %add3A_409 = arith.constant 13 : i32
        %add3A_410 = vector.broadcast %add3A_409 : i32 to vector<16xi32>
        %add3A_411 = arith.addi %add3A_360, %add3A_410 : vector<16xi32>
        %gather3A_412 = tpu.vector_load_idx %arg9[%add3A_411] : memref<1280xf32, #tpu.memory_space<vmem>>[vector<16xi32>], vector<16xf32>,
        %broadcast_in_dim3A_413 = arith.constant 648 : i32
        %broadcast_in_dim3A_414 = vector.broadcast %broadcast_in_dim3A_413 : i32 to vector<16xi32>
        tpu.vector_store_idx %arg21[%add3A_354, %broadcast_in_dim3A_414], %gather3A_412 : memref<80x651xf32, #tpu.memory_space<vmem>>[vector<16xi32>, vector<16xi32>], vector<16xf32>,
        %add3A_415 = arith.constant 14 : i32
        %add3A_416 = vector.broadcast %add3A_415 : i32 to vector<16xi32>
        %add3A_417 = arith.addi %add3A_360, %add3A_416 : vector<16xi32>
        %gather3A_418 = tpu.vector_load_idx %arg9[%add3A_417] : memref<1280xf32, #tpu.memory_space<vmem>>[vector<16xi32>], vector<16xf32>,
        %broadcast_in_dim3A_419 = arith.constant 649 : i32
        %broadcast_in_dim3A_420 = vector.broadcast %broadcast_in_dim3A_419 : i32 to vector<16xi32>
        tpu.vector_store_idx %arg21[%add3A_354, %broadcast_in_dim3A_420], %gather3A_418 : memref<80x651xf32, #tpu.memory_space<vmem>>[vector<16xi32>, vector<16xi32>], vector<16xf32>,
        %add3A_421 = arith.constant 15 : i32
        %add3A_422 = vector.broadcast %add3A_421 : i32 to vector<16xi32>
        %add3A_423 = arith.addi %add3A_360, %add3A_422 : vector<16xi32>
        %gather3A_424 = tpu.vector_load_idx %arg9[%add3A_423] : memref<1280xf32, #tpu.memory_space<vmem>>[vector<16xi32>], vector<16xf32>,
        %broadcast_in_dim3A_425 = arith.constant 650 : i32
        %broadcast_in_dim3A_426 = vector.broadcast %broadcast_in_dim3A_425 : i32 to vector<16xi32>
        tpu.vector_store_idx %arg21[%add3A_354, %broadcast_in_dim3A_426], %gather3A_424 : memref<80x651xf32, #tpu.memory_space<vmem>>[vector<16xi32>, vector<16xi32>], vector<16xf32>,
        %add3A_427 = arith.constant 32 : i32
        %add3A_428 = vector.broadcast %add3A_427 : i32 to vector<16xi32>
        %add3A_429 = arith.addi %iota3A, %add3A_428 : vector<16xi32>
        %mul3A_430 = arith.constant 16 : i32
        %mul3A_431 = vector.broadcast %mul3A_430 : i32 to vector<16xi32>
        %mul3A_432 = arith.muli %iota3A, %mul3A_431 : vector<16xi32>
        %add3A_433 = arith.constant 512 : i32
        %add3A_434 = vector.broadcast %add3A_433 : i32 to vector<16xi32>
        %add3A_435 = arith.addi %mul3A_432, %add3A_434 : vector<16xi32>
        %add3A_436 = arith.constant 5 : i32
        %add3A_437 = vector.broadcast %add3A_436 : i32 to vector<16xi32>
        %add3A_438 = arith.addi %add3A_435, %add3A_437 : vector<16xi32>
        %gather3A_439 = tpu.vector_load_idx %arg9[%add3A_438] : memref<1280xf32, #tpu.memory_space<vmem>>[vector<16xi32>], vector<16xf32>,
        %broadcast_in_dim3A_440 = arith.constant 640 : i32
        %broadcast_in_dim3A_441 = vector.broadcast %broadcast_in_dim3A_440 : i32 to vector<16xi32>
        tpu.vector_store_idx %arg21[%add3A_429, %broadcast_in_dim3A_441], %gather3A_439 : memref<80x651xf32, #tpu.memory_space<vmem>>[vector<16xi32>, vector<16xi32>], vector<16xf32>,
        %add3A_442 = arith.constant 6 : i32
        %add3A_443 = vector.broadcast %add3A_442 : i32 to vector<16xi32>
        %add3A_444 = arith.addi %add3A_435, %add3A_443 : vector<16xi32>
        %gather3A_445 = tpu.vector_load_idx %arg9[%add3A_444] : memref<1280xf32, #tpu.memory_space<vmem>>[vector<16xi32>], vector<16xf32>,
        %broadcast_in_dim3A_446 = arith.constant 641 : i32
        %broadcast_in_dim3A_447 = vector.broadcast %broadcast_in_dim3A_446 : i32 to vector<16xi32>
        tpu.vector_store_idx %arg21[%add3A_429, %broadcast_in_dim3A_447], %gather3A_445 : memref<80x651xf32, #tpu.memory_space<vmem>>[vector<16xi32>, vector<16xi32>], vector<16xf32>,
        %add3A_448 = arith.constant 7 : i32
        %add3A_449 = vector.broadcast %add3A_448 : i32 to vector<16xi32>
        %add3A_450 = arith.addi %add3A_435, %add3A_449 : vector<16xi32>
        %gather3A_451 = tpu.vector_load_idx %arg9[%add3A_450] : memref<1280xf32, #tpu.memory_space<vmem>>[vector<16xi32>], vector<16xf32>,
        %broadcast_in_dim3A_452 = arith.constant 642 : i32
        %broadcast_in_dim3A_453 = vector.broadcast %broadcast_in_dim3A_452 : i32 to vector<16xi32>
        tpu.vector_store_idx %arg21[%add3A_429, %broadcast_in_dim3A_453], %gather3A_451 : memref<80x651xf32, #tpu.memory_space<vmem>>[vector<16xi32>, vector<16xi32>], vector<16xf32>,
        %add3A_454 = arith.constant 8 : i32
        %add3A_455 = vector.broadcast %add3A_454 : i32 to vector<16xi32>
        %add3A_456 = arith.addi %add3A_435, %add3A_455 : vector<16xi32>
        %gather3A_457 = tpu.vector_load_idx %arg9[%add3A_456] : memref<1280xf32, #tpu.memory_space<vmem>>[vector<16xi32>], vector<16xf32>,
        %broadcast_in_dim3A_458 = arith.constant 643 : i32
        %broadcast_in_dim3A_459 = vector.broadcast %broadcast_in_dim3A_458 : i32 to vector<16xi32>
        tpu.vector_store_idx %arg21[%add3A_429, %broadcast_in_dim3A_459], %gather3A_457 : memref<80x651xf32, #tpu.memory_space<vmem>>[vector<16xi32>, vector<16xi32>], vector<16xf32>,
        %add3A_460 = arith.constant 9 : i32
        %add3A_461 = vector.broadcast %add3A_460 : i32 to vector<16xi32>
        %add3A_462 = arith.addi %add3A_435, %add3A_461 : vector<16xi32>
        %gather3A_463 = tpu.vector_load_idx %arg9[%add3A_462] : memref<1280xf32, #tpu.memory_space<vmem>>[vector<16xi32>], vector<16xf32>,
        %broadcast_in_dim3A_464 = arith.constant 644 : i32
        %broadcast_in_dim3A_465 = vector.broadcast %broadcast_in_dim3A_464 : i32 to vector<16xi32>
        tpu.vector_store_idx %arg21[%add3A_429, %broadcast_in_dim3A_465], %gather3A_463 : memref<80x651xf32, #tpu.memory_space<vmem>>[vector<16xi32>, vector<16xi32>], vector<16xf32>,
        %add3A_466 = arith.constant 10 : i32
        %add3A_467 = vector.broadcast %add3A_466 : i32 to vector<16xi32>
        %add3A_468 = arith.addi %add3A_435, %add3A_467 : vector<16xi32>
        %gather3A_469 = tpu.vector_load_idx %arg9[%add3A_468] : memref<1280xf32, #tpu.memory_space<vmem>>[vector<16xi32>], vector<16xf32>,
        %broadcast_in_dim3A_470 = arith.constant 645 : i32
        %broadcast_in_dim3A_471 = vector.broadcast %broadcast_in_dim3A_470 : i32 to vector<16xi32>
        tpu.vector_store_idx %arg21[%add3A_429, %broadcast_in_dim3A_471], %gather3A_469 : memref<80x651xf32, #tpu.memory_space<vmem>>[vector<16xi32>, vector<16xi32>], vector<16xf32>,
        %add3A_472 = arith.constant 11 : i32
        %add3A_473 = vector.broadcast %add3A_472 : i32 to vector<16xi32>
        %add3A_474 = arith.addi %add3A_435, %add3A_473 : vector<16xi32>
        %gather3A_475 = tpu.vector_load_idx %arg9[%add3A_474] : memref<1280xf32, #tpu.memory_space<vmem>>[vector<16xi32>], vector<16xf32>,
        %broadcast_in_dim3A_476 = arith.constant 646 : i32
        %broadcast_in_dim3A_477 = vector.broadcast %broadcast_in_dim3A_476 : i32 to vector<16xi32>
        tpu.vector_store_idx %arg21[%add3A_429, %broadcast_in_dim3A_477], %gather3A_475 : memref<80x651xf32, #tpu.memory_space<vmem>>[vector<16xi32>, vector<16xi32>], vector<16xf32>,
        %add3A_478 = arith.constant 12 : i32
        %add3A_479 = vector.broadcast %add3A_478 : i32 to vector<16xi32>
        %add3A_480 = arith.addi %add3A_435, %add3A_479 : vector<16xi32>
        %gather3A_481 = tpu.vector_load_idx %arg9[%add3A_480] : memref<1280xf32, #tpu.memory_space<vmem>>[vector<16xi32>], vector<16xf32>,
        %broadcast_in_dim3A_482 = arith.constant 647 : i32
        %broadcast_in_dim3A_483 = vector.broadcast %broadcast_in_dim3A_482 : i32 to vector<16xi32>
        tpu.vector_store_idx %arg21[%add3A_429, %broadcast_in_dim3A_483], %gather3A_481 : memref<80x651xf32, #tpu.memory_space<vmem>>[vector<16xi32>, vector<16xi32>], vector<16xf32>,
        %add3A_484 = arith.constant 13 : i32
        %add3A_485 = vector.broadcast %add3A_484 : i32 to vector<16xi32>
        %add3A_486 = arith.addi %add3A_435, %add3A_485 : vector<16xi32>
        %gather3A_487 = tpu.vector_load_idx %arg9[%add3A_486] : memref<1280xf32, #tpu.memory_space<vmem>>[vector<16xi32>], vector<16xf32>,
        %broadcast_in_dim3A_488 = arith.constant 648 : i32
        %broadcast_in_dim3A_489 = vector.broadcast %broadcast_in_dim3A_488 : i32 to vector<16xi32>
        tpu.vector_store_idx %arg21[%add3A_429, %broadcast_in_dim3A_489], %gather3A_487 : memref<80x651xf32, #tpu.memory_space<vmem>>[vector<16xi32>, vector<16xi32>], vector<16xf32>,
        %add3A_490 = arith.constant 14 : i32
        %add3A_491 = vector.broadcast %add3A_490 : i32 to vector<16xi32>
        %add3A_492 = arith.addi %add3A_435, %add3A_491 : vector<16xi32>
        %gather3A_493 = tpu.vector_load_idx %arg9[%add3A_492] : memref<1280xf32, #tpu.memory_space<vmem>>[vector<16xi32>], vector<16xf32>,
        %broadcast_in_dim3A_494 = arith.constant 649 : i32
        %broadcast_in_dim3A_495 = vector.broadcast %broadcast_in_dim3A_494 : i32 to vector<16xi32>
        tpu.vector_store_idx %arg21[%add3A_429, %broadcast_in_dim3A_495], %gather3A_493 : memref<80x651xf32, #tpu.memory_space<vmem>>[vector<16xi32>, vector<16xi32>], vector<16xf32>,
        %add3A_496 = arith.constant 15 : i32
        %add3A_497 = vector.broadcast %add3A_496 : i32 to vector<16xi32>
        %add3A_498 = arith.addi %add3A_435, %add3A_497 : vector<16xi32>
        %gather3A_499 = tpu.vector_load_idx %arg9[%add3A_498] : memref<1280xf32, #tpu.memory_space<vmem>>[vector<16xi32>], vector<16xf32>,
        %broadcast_in_dim3A_500 = arith.constant 650 : i32
        %broadcast_in_dim3A_501 = vector.broadcast %broadcast_in_dim3A_500 : i32 to vector<16xi32>
        tpu.vector_store_idx %arg21[%add3A_429, %broadcast_in_dim3A_501], %gather3A_499 : memref<80x651xf32, #tpu.memory_space<vmem>>[vector<16xi32>, vector<16xi32>], vector<16xf32>,
        %add3A_502 = arith.constant 48 : i32
        %add3A_503 = vector.broadcast %add3A_502 : i32 to vector<16xi32>
        %add3A_504 = arith.addi %iota3A, %add3A_503 : vector<16xi32>
        %mul3A_505 = arith.constant 16 : i32
        %mul3A_506 = vector.broadcast %mul3A_505 : i32 to vector<16xi32>
        %mul3A_507 = arith.muli %iota3A, %mul3A_506 : vector<16xi32>
        %add3A_508 = arith.constant 768 : i32
        %add3A_509 = vector.broadcast %add3A_508 : i32 to vector<16xi32>
        %add3A_510 = arith.addi %mul3A_507, %add3A_509 : vector<16xi32>
        %add3A_511 = arith.constant 5 : i32
        %add3A_512 = vector.broadcast %add3A_511 : i32 to vector<16xi32>
        %add3A_513 = arith.addi %add3A_510, %add3A_512 : vector<16xi32>
        %gather3A_514 = tpu.vector_load_idx %arg9[%add3A_513] : memref<1280xf32, #tpu.memory_space<vmem>>[vector<16xi32>], vector<16xf32>,
        %broadcast_in_dim3A_515 = arith.constant 640 : i32
        %broadcast_in_dim3A_516 = vector.broadcast %broadcast_in_dim3A_515 : i32 to vector<16xi32>
        tpu.vector_store_idx %arg21[%add3A_504, %broadcast_in_dim3A_516], %gather3A_514 : memref<80x651xf32, #tpu.memory_space<vmem>>[vector<16xi32>, vector<16xi32>], vector<16xf32>,
        %add3A_517 = arith.constant 6 : i32
        %add3A_518 = vector.broadcast %add3A_517 : i32 to vector<16xi32>
        %add3A_519 = arith.addi %add3A_510, %add3A_518 : vector<16xi32>
        %gather3A_520 = tpu.vector_load_idx %arg9[%add3A_519] : memref<1280xf32, #tpu.memory_space<vmem>>[vector<16xi32>], vector<16xf32>,
        %broadcast_in_dim3A_521 = arith.constant 641 : i32
        %broadcast_in_dim3A_522 = vector.broadcast %broadcast_in_dim3A_521 : i32 to vector<16xi32>
        tpu.vector_store_idx %arg21[%add3A_504, %broadcast_in_dim3A_522], %gather3A_520 : memref<80x651xf32, #tpu.memory_space<vmem>>[vector<16xi32>, vector<16xi32>], vector<16xf32>,
        %add3A_523 = arith.constant 7 : i32
        %add3A_524 = vector.broadcast %add3A_523 : i32 to vector<16xi32>
        %add3A_525 = arith.addi %add3A_510, %add3A_524 : vector<16xi32>
        %gather3A_526 = tpu.vector_load_idx %arg9[%add3A_525] : memref<1280xf32, #tpu.memory_space<vmem>>[vector<16xi32>], vector<16xf32>,
        %broadcast_in_dim3A_527 = arith.constant 642 : i32
        %broadcast_in_dim3A_528 = vector.broadcast %broadcast_in_dim3A_527 : i32 to vector<16xi32>
        tpu.vector_store_idx %arg21[%add3A_504, %broadcast_in_dim3A_528], %gather3A_526 : memref<80x651xf32, #tpu.memory_space<vmem>>[vector<16xi32>, vector<16xi32>], vector<16xf32>,
        %add3A_529 = arith.constant 8 : i32
        %add3A_530 = vector.broadcast %add3A_529 : i32 to vector<16xi32>
        %add3A_531 = arith.addi %add3A_510, %add3A_530 : vector<16xi32>
        %gather3A_532 = tpu.vector_load_idx %arg9[%add3A_531] : memref<1280xf32, #tpu.memory_space<vmem>>[vector<16xi32>], vector<16xf32>,
        %broadcast_in_dim3A_533 = arith.constant 643 : i32
        %broadcast_in_dim3A_534 = vector.broadcast %broadcast_in_dim3A_533 : i32 to vector<16xi32>
        tpu.vector_store_idx %arg21[%add3A_504, %broadcast_in_dim3A_534], %gather3A_532 : memref<80x651xf32, #tpu.memory_space<vmem>>[vector<16xi32>, vector<16xi32>], vector<16xf32>,
        %add3A_535 = arith.constant 9 : i32
        %add3A_536 = vector.broadcast %add3A_535 : i32 to vector<16xi32>
        %add3A_537 = arith.addi %add3A_510, %add3A_536 : vector<16xi32>
        %gather3A_538 = tpu.vector_load_idx %arg9[%add3A_537] : memref<1280xf32, #tpu.memory_space<vmem>>[vector<16xi32>], vector<16xf32>,
        %broadcast_in_dim3A_539 = arith.constant 644 : i32
        %broadcast_in_dim3A_540 = vector.broadcast %broadcast_in_dim3A_539 : i32 to vector<16xi32>
        tpu.vector_store_idx %arg21[%add3A_504, %broadcast_in_dim3A_540], %gather3A_538 : memref<80x651xf32, #tpu.memory_space<vmem>>[vector<16xi32>, vector<16xi32>], vector<16xf32>,
        %add3A_541 = arith.constant 10 : i32
        %add3A_542 = vector.broadcast %add3A_541 : i32 to vector<16xi32>
        %add3A_543 = arith.addi %add3A_510, %add3A_542 : vector<16xi32>
        %gather3A_544 = tpu.vector_load_idx %arg9[%add3A_543] : memref<1280xf32, #tpu.memory_space<vmem>>[vector<16xi32>], vector<16xf32>,
        %broadcast_in_dim3A_545 = arith.constant 645 : i32
        %broadcast_in_dim3A_546 = vector.broadcast %broadcast_in_dim3A_545 : i32 to vector<16xi32>
        tpu.vector_store_idx %arg21[%add3A_504, %broadcast_in_dim3A_546], %gather3A_544 : memref<80x651xf32, #tpu.memory_space<vmem>>[vector<16xi32>, vector<16xi32>], vector<16xf32>,
        %add3A_547 = arith.constant 11 : i32
        %add3A_548 = vector.broadcast %add3A_547 : i32 to vector<16xi32>
        %add3A_549 = arith.addi %add3A_510, %add3A_548 : vector<16xi32>
        %gather3A_550 = tpu.vector_load_idx %arg9[%add3A_549] : memref<1280xf32, #tpu.memory_space<vmem>>[vector<16xi32>], vector<16xf32>,
        %broadcast_in_dim3A_551 = arith.constant 646 : i32
        %broadcast_in_dim3A_552 = vector.broadcast %broadcast_in_dim3A_551 : i32 to vector<16xi32>
        tpu.vector_store_idx %arg21[%add3A_504, %broadcast_in_dim3A_552], %gather3A_550 : memref<80x651xf32, #tpu.memory_space<vmem>>[vector<16xi32>, vector<16xi32>], vector<16xf32>,
        %add3A_553 = arith.constant 12 : i32
        %add3A_554 = vector.broadcast %add3A_553 : i32 to vector<16xi32>
        %add3A_555 = arith.addi %add3A_510, %add3A_554 : vector<16xi32>
        %gather3A_556 = tpu.vector_load_idx %arg9[%add3A_555] : memref<1280xf32, #tpu.memory_space<vmem>>[vector<16xi32>], vector<16xf32>,
        %broadcast_in_dim3A_557 = arith.constant 647 : i32
        %broadcast_in_dim3A_558 = vector.broadcast %broadcast_in_dim3A_557 : i32 to vector<16xi32>
        tpu.vector_store_idx %arg21[%add3A_504, %broadcast_in_dim3A_558], %gather3A_556 : memref<80x651xf32, #tpu.memory_space<vmem>>[vector<16xi32>, vector<16xi32>], vector<16xf32>,
        %add3A_559 = arith.constant 13 : i32
        %add3A_560 = vector.broadcast %add3A_559 : i32 to vector<16xi32>
        %add3A_561 = arith.addi %add3A_510, %add3A_560 : vector<16xi32>
        %gather3A_562 = tpu.vector_load_idx %arg9[%add3A_561] : memref<1280xf32, #tpu.memory_space<vmem>>[vector<16xi32>], vector<16xf32>,
        %broadcast_in_dim3A_563 = arith.constant 648 : i32
        %broadcast_in_dim3A_564 = vector.broadcast %broadcast_in_dim3A_563 : i32 to vector<16xi32>
        tpu.vector_store_idx %arg21[%add3A_504, %broadcast_in_dim3A_564], %gather3A_562 : memref<80x651xf32, #tpu.memory_space<vmem>>[vector<16xi32>, vector<16xi32>], vector<16xf32>,
        %add3A_565 = arith.constant 14 : i32
        %add3A_566 = vector.broadcast %add3A_565 : i32 to vector<16xi32>
        %add3A_567 = arith.addi %add3A_510, %add3A_566 : vector<16xi32>
        %gather3A_568 = tpu.vector_load_idx %arg9[%add3A_567] : memref<1280xf32, #tpu.memory_space<vmem>>[vector<16xi32>], vector<16xf32>,
        %broadcast_in_dim3A_569 = arith.constant 649 : i32
        %broadcast_in_dim3A_570 = vector.broadcast %broadcast_in_dim3A_569 : i32 to vector<16xi32>
        tpu.vector_store_idx %arg21[%add3A_504, %broadcast_in_dim3A_570], %gather3A_568 : memref<80x651xf32, #tpu.memory_space<vmem>>[vector<16xi32>, vector<16xi32>], vector<16xf32>,
        %add3A_571 = arith.constant 15 : i32
        %add3A_572 = vector.broadcast %add3A_571 : i32 to vector<16xi32>
        %add3A_573 = arith.addi %add3A_510, %add3A_572 : vector<16xi32>
        %gather3A_574 = tpu.vector_load_idx %arg9[%add3A_573] : memref<1280xf32, #tpu.memory_space<vmem>>[vector<16xi32>], vector<16xf32>,
        %broadcast_in_dim3A_575 = arith.constant 650 : i32
        %broadcast_in_dim3A_576 = vector.broadcast %broadcast_in_dim3A_575 : i32 to vector<16xi32>
        tpu.vector_store_idx %arg21[%add3A_504, %broadcast_in_dim3A_576], %gather3A_574 : memref<80x651xf32, #tpu.memory_space<vmem>>[vector<16xi32>, vector<16xi32>], vector<16xf32>,
        %add3A_577 = arith.constant 64 : i32
        %add3A_578 = vector.broadcast %add3A_577 : i32 to vector<16xi32>
        %add3A_579 = arith.addi %iota3A, %add3A_578 : vector<16xi32>
        %mul3A_580 = arith.constant 16 : i32
        %mul3A_581 = vector.broadcast %mul3A_580 : i32 to vector<16xi32>
        %mul3A_582 = arith.muli %iota3A, %mul3A_581 : vector<16xi32>
        %add3A_583 = arith.constant 1024 : i32
        %add3A_584 = vector.broadcast %add3A_583 : i32 to vector<16xi32>
        %add3A_585 = arith.addi %mul3A_582, %add3A_584 : vector<16xi32>
        %add3A_586 = arith.constant 5 : i32
        %add3A_587 = vector.broadcast %add3A_586 : i32 to vector<16xi32>
        %add3A_588 = arith.addi %add3A_585, %add3A_587 : vector<16xi32>
        %gather3A_589 = tpu.vector_load_idx %arg9[%add3A_588] : memref<1280xf32, #tpu.memory_space<vmem>>[vector<16xi32>], vector<16xf32>,
        %broadcast_in_dim3A_590 = arith.constant 640 : i32
        %broadcast_in_dim3A_591 = vector.broadcast %broadcast_in_dim3A_590 : i32 to vector<16xi32>
        tpu.vector_store_idx %arg21[%add3A_579, %broadcast_in_dim3A_591], %gather3A_589 : memref<80x651xf32, #tpu.memory_space<vmem>>[vector<16xi32>, vector<16xi32>], vector<16xf32>,
        %add3A_592 = arith.constant 6 : i32
        %add3A_593 = vector.broadcast %add3A_592 : i32 to vector<16xi32>
        %add3A_594 = arith.addi %add3A_585, %add3A_593 : vector<16xi32>
        %gather3A_595 = tpu.vector_load_idx %arg9[%add3A_594] : memref<1280xf32, #tpu.memory_space<vmem>>[vector<16xi32>], vector<16xf32>,
        %broadcast_in_dim3A_596 = arith.constant 641 : i32
        %broadcast_in_dim3A_597 = vector.broadcast %broadcast_in_dim3A_596 : i32 to vector<16xi32>
        tpu.vector_store_idx %arg21[%add3A_579, %broadcast_in_dim3A_597], %gather3A_595 : memref<80x651xf32, #tpu.memory_space<vmem>>[vector<16xi32>, vector<16xi32>], vector<16xf32>,
        %add3A_598 = arith.constant 7 : i32
        %add3A_599 = vector.broadcast %add3A_598 : i32 to vector<16xi32>
        %add3A_600 = arith.addi %add3A_585, %add3A_599 : vector<16xi32>
        %gather3A_601 = tpu.vector_load_idx %arg9[%add3A_600] : memref<1280xf32, #tpu.memory_space<vmem>>[vector<16xi32>], vector<16xf32>,
        %broadcast_in_dim3A_602 = arith.constant 642 : i32
        %broadcast_in_dim3A_603 = vector.broadcast %broadcast_in_dim3A_602 : i32 to vector<16xi32>
        tpu.vector_store_idx %arg21[%add3A_579, %broadcast_in_dim3A_603], %gather3A_601 : memref<80x651xf32, #tpu.memory_space<vmem>>[vector<16xi32>, vector<16xi32>], vector<16xf32>,
        %add3A_604 = arith.constant 8 : i32
        %add3A_605 = vector.broadcast %add3A_604 : i32 to vector<16xi32>
        %add3A_606 = arith.addi %add3A_585, %add3A_605 : vector<16xi32>
        %gather3A_607 = tpu.vector_load_idx %arg9[%add3A_606] : memref<1280xf32, #tpu.memory_space<vmem>>[vector<16xi32>], vector<16xf32>,
        %broadcast_in_dim3A_608 = arith.constant 643 : i32
        %broadcast_in_dim3A_609 = vector.broadcast %broadcast_in_dim3A_608 : i32 to vector<16xi32>
        tpu.vector_store_idx %arg21[%add3A_579, %broadcast_in_dim3A_609], %gather3A_607 : memref<80x651xf32, #tpu.memory_space<vmem>>[vector<16xi32>, vector<16xi32>], vector<16xf32>,
        %add3A_610 = arith.constant 9 : i32
        %add3A_611 = vector.broadcast %add3A_610 : i32 to vector<16xi32>
        %add3A_612 = arith.addi %add3A_585, %add3A_611 : vector<16xi32>
        %gather3A_613 = tpu.vector_load_idx %arg9[%add3A_612] : memref<1280xf32, #tpu.memory_space<vmem>>[vector<16xi32>], vector<16xf32>,
        %broadcast_in_dim3A_614 = arith.constant 644 : i32
        %broadcast_in_dim3A_615 = vector.broadcast %broadcast_in_dim3A_614 : i32 to vector<16xi32>
        tpu.vector_store_idx %arg21[%add3A_579, %broadcast_in_dim3A_615], %gather3A_613 : memref<80x651xf32, #tpu.memory_space<vmem>>[vector<16xi32>, vector<16xi32>], vector<16xf32>,
        %add3A_616 = arith.constant 10 : i32
        %add3A_617 = vector.broadcast %add3A_616 : i32 to vector<16xi32>
        %add3A_618 = arith.addi %add3A_585, %add3A_617 : vector<16xi32>
        %gather3A_619 = tpu.vector_load_idx %arg9[%add3A_618] : memref<1280xf32, #tpu.memory_space<vmem>>[vector<16xi32>], vector<16xf32>,
        %broadcast_in_dim3A_620 = arith.constant 645 : i32
        %broadcast_in_dim3A_621 = vector.broadcast %broadcast_in_dim3A_620 : i32 to vector<16xi32>
        tpu.vector_store_idx %arg21[%add3A_579, %broadcast_in_dim3A_621], %gather3A_619 : memref<80x651xf32, #tpu.memory_space<vmem>>[vector<16xi32>, vector<16xi32>], vector<16xf32>,
        %add3A_622 = arith.constant 11 : i32
        %add3A_623 = vector.broadcast %add3A_622 : i32 to vector<16xi32>
        %add3A_624 = arith.addi %add3A_585, %add3A_623 : vector<16xi32>
        %gather3A_625 = tpu.vector_load_idx %arg9[%add3A_624] : memref<1280xf32, #tpu.memory_space<vmem>>[vector<16xi32>], vector<16xf32>,
        %broadcast_in_dim3A_626 = arith.constant 646 : i32
        %broadcast_in_dim3A_627 = vector.broadcast %broadcast_in_dim3A_626 : i32 to vector<16xi32>
        tpu.vector_store_idx %arg21[%add3A_579, %broadcast_in_dim3A_627], %gather3A_625 : memref<80x651xf32, #tpu.memory_space<vmem>>[vector<16xi32>, vector<16xi32>], vector<16xf32>,
        %add3A_628 = arith.constant 12 : i32
        %add3A_629 = vector.broadcast %add3A_628 : i32 to vector<16xi32>
        %add3A_630 = arith.addi %add3A_585, %add3A_629 : vector<16xi32>
        %gather3A_631 = tpu.vector_load_idx %arg9[%add3A_630] : memref<1280xf32, #tpu.memory_space<vmem>>[vector<16xi32>], vector<16xf32>,
        %broadcast_in_dim3A_632 = arith.constant 647 : i32
        %broadcast_in_dim3A_633 = vector.broadcast %broadcast_in_dim3A_632 : i32 to vector<16xi32>
        tpu.vector_store_idx %arg21[%add3A_579, %broadcast_in_dim3A_633], %gather3A_631 : memref<80x651xf32, #tpu.memory_space<vmem>>[vector<16xi32>, vector<16xi32>], vector<16xf32>,
        %add3A_634 = arith.constant 13 : i32
        %add3A_635 = vector.broadcast %add3A_634 : i32 to vector<16xi32>
        %add3A_636 = arith.addi %add3A_585, %add3A_635 : vector<16xi32>
        %gather3A_637 = tpu.vector_load_idx %arg9[%add3A_636] : memref<1280xf32, #tpu.memory_space<vmem>>[vector<16xi32>], vector<16xf32>,
        %broadcast_in_dim3A_638 = arith.constant 648 : i32
        %broadcast_in_dim3A_639 = vector.broadcast %broadcast_in_dim3A_638 : i32 to vector<16xi32>
        tpu.vector_store_idx %arg21[%add3A_579, %broadcast_in_dim3A_639], %gather3A_637 : memref<80x651xf32, #tpu.memory_space<vmem>>[vector<16xi32>, vector<16xi32>], vector<16xf32>,
        %add3A_640 = arith.constant 14 : i32
        %add3A_641 = vector.broadcast %add3A_640 : i32 to vector<16xi32>
        %add3A_642 = arith.addi %add3A_585, %add3A_641 : vector<16xi32>
        %gather3A_643 = tpu.vector_load_idx %arg9[%add3A_642] : memref<1280xf32, #tpu.memory_space<vmem>>[vector<16xi32>], vector<16xf32>,
        %broadcast_in_dim3A_644 = arith.constant 649 : i32
        %broadcast_in_dim3A_645 = vector.broadcast %broadcast_in_dim3A_644 : i32 to vector<16xi32>
        tpu.vector_store_idx %arg21[%add3A_579, %broadcast_in_dim3A_645], %gather3A_643 : memref<80x651xf32, #tpu.memory_space<vmem>>[vector<16xi32>, vector<16xi32>], vector<16xf32>,
        %add3A_646 = arith.constant 15 : i32
        %add3A_647 = vector.broadcast %add3A_646 : i32 to vector<16xi32>
        %add3A_648 = arith.addi %add3A_585, %add3A_647 : vector<16xi32>
        %gather3A_649 = tpu.vector_load_idx %arg9[%add3A_648] : memref<1280xf32, #tpu.memory_space<vmem>>[vector<16xi32>], vector<16xf32>,
        %broadcast_in_dim3A_650 = arith.constant 650 : i32
        %broadcast_in_dim3A_651 = vector.broadcast %broadcast_in_dim3A_650 : i32 to vector<16xi32>
        tpu.vector_store_idx %arg21[%add3A_579, %broadcast_in_dim3A_651], %gather3A_649 : memref<80x651xf32, #tpu.memory_space<vmem>>[vector<16xi32>, vector<16xi32>], vector<16xf32>,
        %dma_start3A_652 = arith.constant 0 : i32
        %dma_start3A_653 = arith.constant 0 : i32
        %dma_start3A_654 = tpu.memref_slice %arg21[%dma_start3A_652, %dma_start3A_653] : memref<80x651xf32, #tpu.memory_space<vmem>> -> memref<80x128xf32, #tpu.memory_space<vmem>>
        %dma_start3A_655 = arith.constant 0 : i32
        %dma_start3A_656 = arith.constant 0 : i32
        %dma_start3A_657 = tpu.memref_slice %arg3[%dma_start3A_655, %dma_start3A_656] : memref<100x128xf32, #tpu.memory_space<hbm>> -> memref<100x128xf32, #tpu.memory_space<hbm>>
        tpu.enqueue_indirect_dma source(%dma_start3A_657 : memref<100x128xf32, #tpu.memory_space<hbm>>) target(%dma_start3A_654 : memref<80x128xf32, #tpu.memory_space<vmem>>) offsets(%arg11 : memref<80xi32, #tpu.memory_space<vmem>>) semaphore(%arg25 : memref<!tpu.dma_semaphore, #tpu.memory_space<semaphore_mem>>)
        %dma_start3A_658 = arith.constant 0 : i32
        %dma_start3A_659 = arith.constant 128 : i32
        %dma_start3A_660 = tpu.memref_slice %arg21[%dma_start3A_658, %dma_start3A_659] : memref<80x651xf32, #tpu.memory_space<vmem>> -> memref<80x128xf32, #tpu.memory_space<vmem>>
        %dma_start3A_661 = arith.constant 0 : i32
        %dma_start3A_662 = arith.constant 0 : i32
        %dma_start3A_663 = tpu.memref_slice %arg4[%dma_start3A_661, %dma_start3A_662] : memref<10x128xf32, #tpu.memory_space<hbm>> -> memref<10x128xf32, #tpu.memory_space<hbm>>
        tpu.enqueue_indirect_dma source(%dma_start3A_663 : memref<10x128xf32, #tpu.memory_space<hbm>>) target(%dma_start3A_660 : memref<80x128xf32, #tpu.memory_space<vmem>>) offsets(%arg12 : memref<80xi32, #tpu.memory_space<vmem>>) semaphore(%arg25 : memref<!tpu.dma_semaphore, #tpu.memory_space<semaphore_mem>>)
        %dma_start3A_664 = arith.constant 0 : i32
        %dma_start3A_665 = arith.constant 256 : i32
        %dma_start3A_666 = tpu.memref_slice %arg21[%dma_start3A_664, %dma_start3A_665] : memref<80x651xf32, #tpu.memory_space<vmem>> -> memref<80x128xf32, #tpu.memory_space<vmem>>
        %dma_start3A_667 = arith.constant 0 : i32
        %dma_start3A_668 = arith.constant 0 : i32
        %dma_start3A_669 = tpu.memref_slice %arg5[%dma_start3A_667, %dma_start3A_668] : memref<10x128xf32, #tpu.memory_space<hbm>> -> memref<10x128xf32, #tpu.memory_space<hbm>>
        tpu.enqueue_indirect_dma source(%dma_start3A_669 : memref<10x128xf32, #tpu.memory_space<hbm>>) target(%dma_start3A_666 : memref<80x128xf32, #tpu.memory_space<vmem>>) offsets(%arg13 : memref<80xi32, #tpu.memory_space<vmem>>) semaphore(%arg25 : memref<!tpu.dma_semaphore, #tpu.memory_space<semaphore_mem>>)
        %dma_start3A_670 = arith.constant 0 : i32
        %dma_start3A_671 = arith.constant 384 : i32
        %dma_start3A_672 = tpu.memref_slice %arg21[%dma_start3A_670, %dma_start3A_671] : memref<80x651xf32, #tpu.memory_space<vmem>> -> memref<80x128xf32, #tpu.memory_space<vmem>>
        %dma_start3A_673 = arith.constant 0 : i32
        %dma_start3A_674 = arith.constant 0 : i32
        %dma_start3A_675 = tpu.memref_slice %arg6[%dma_start3A_673, %dma_start3A_674] : memref<10x128xf32, #tpu.memory_space<hbm>> -> memref<10x128xf32, #tpu.memory_space<hbm>>
        tpu.enqueue_indirect_dma source(%dma_start3A_675 : memref<10x128xf32, #tpu.memory_space<hbm>>) target(%dma_start3A_672 : memref<80x128xf32, #tpu.memory_space<vmem>>) offsets(%arg14 : memref<80xi32, #tpu.memory_space<vmem>>) semaphore(%arg25 : memref<!tpu.dma_semaphore, #tpu.memory_space<semaphore_mem>>)
        %dma_start3A_676 = arith.constant 0 : i32
        %dma_start3A_677 = arith.constant 512 : i32
        %dma_start3A_678 = tpu.memref_slice %arg21[%dma_start3A_676, %dma_start3A_677] : memref<80x651xf32, #tpu.memory_space<vmem>> -> memref<80x128xf32, #tpu.memory_space<vmem>>
        %dma_start3A_679 = arith.constant 0 : i32
        %dma_start3A_680 = arith.constant 0 : i32
        %dma_start3A_681 = tpu.memref_slice %arg7[%dma_start3A_679, %dma_start3A_680] : memref<10x128xf32, #tpu.memory_space<hbm>> -> memref<10x128xf32, #tpu.memory_space<hbm>>
        tpu.enqueue_indirect_dma source(%dma_start3A_681 : memref<10x128xf32, #tpu.memory_space<hbm>>) target(%dma_start3A_678 : memref<80x128xf32, #tpu.memory_space<vmem>>) offsets(%arg15 : memref<80xi32, #tpu.memory_space<vmem>>) semaphore(%arg25 : memref<!tpu.dma_semaphore, #tpu.memory_space<semaphore_mem>>)
      } else {
      }
      %mul3A_37 = arith.constant 2 : i32
      %mul3A_38 = arith.muli %mul3A_37, %scan3A_20 : i32
      %add3A_39 = arith.constant 1 : i32
      %add3A_40 = arith.addi %mul3A_38, %add3A_39 : i32
      %mul3A_41 = arith.constant 32 : i32
      %mul3A_42 = arith.muli %add3A_40, %mul3A_41 : i32
      %add3A_43 = arith.addi %add3A, %mul3A_42 : i32
      %ge3A_44 = arith.constant 1 : i32
      %ge3A_45 = arith.cmpi sge, %add3A_40, %ge3A_44 : i32
      %sub3A_46 = arith.constant 32 : i32
      %sub3A_47 = arith.subi %add3A_43, %sub3A_46 : i32
      %lt3A_48 = arith.constant 1250 : i32
      %lt3A_49 = arith.cmpi slt, %sub3A_47, %lt3A_48 : i32
      %and3A_50 = arith.andi %ge3A_45, %lt3A_49 : i1
      %convert_element_type3A_51 = arith.extui %and3A_50 : i1 to i32
      %cond3A_52 = arith.constant 0 : i32
      %cond3A_53 = arith.cmpi ne, %convert_element_type3A_51, %cond3A_52 : i32
      scf.if %cond3A_53 {
        %dma_wait3A_59 = arith.constant 0 : i32
        %dma_wait3A_60 = arith.constant 0 : i32
        %dma_wait3A_61 = tpu.memref_slice %arg21[%dma_wait3A_59, %dma_wait3A_60] : memref<80x651xf32, #tpu.memory_space<vmem>> -> memref<80x128xf32, #tpu.memory_space<vmem>>
        %dma_wait3A_62 = arith.constant 0 : i32
        %dma_wait3A_63 = arith.constant 0 : i32
        %dma_wait3A_64 = tpu.memref_slice %arg3[%dma_wait3A_62, %dma_wait3A_63] : memref<100x128xf32, #tpu.memory_space<hbm>> -> memref<100x128xf32, #tpu.memory_space<hbm>>
        tpu.wait_indirect_dma semaphore(%arg25 : memref<!tpu.dma_semaphore, #tpu.memory_space<semaphore_mem>>) src(%dma_wait3A_64 : memref<100x128xf32, #tpu.memory_space<hbm>>) dst(%dma_wait3A_61 : memref<80x128xf32, #tpu.memory_space<vmem>>)
        %dma_wait3A_65 = arith.constant 0 : i32
        %dma_wait3A_66 = arith.constant 128 : i32
        %dma_wait3A_67 = tpu.memref_slice %arg21[%dma_wait3A_65, %dma_wait3A_66] : memref<80x651xf32, #tpu.memory_space<vmem>> -> memref<80x128xf32, #tpu.memory_space<vmem>>
        %dma_wait3A_68 = arith.constant 0 : i32
        %dma_wait3A_69 = arith.constant 0 : i32
        %dma_wait3A_70 = tpu.memref_slice %arg4[%dma_wait3A_68, %dma_wait3A_69] : memref<10x128xf32, #tpu.memory_space<hbm>> -> memref<10x128xf32, #tpu.memory_space<hbm>>
        tpu.wait_indirect_dma semaphore(%arg25 : memref<!tpu.dma_semaphore, #tpu.memory_space<semaphore_mem>>) src(%dma_wait3A_70 : memref<10x128xf32, #tpu.memory_space<hbm>>) dst(%dma_wait3A_67 : memref<80x128xf32, #tpu.memory_space<vmem>>)
        %dma_wait3A_71 = arith.constant 0 : i32
        %dma_wait3A_72 = arith.constant 256 : i32
        %dma_wait3A_73 = tpu.memref_slice %arg21[%dma_wait3A_71, %dma_wait3A_72] : memref<80x651xf32, #tpu.memory_space<vmem>> -> memref<80x128xf32, #tpu.memory_space<vmem>>
        %dma_wait3A_74 = arith.constant 0 : i32
        %dma_wait3A_75 = arith.constant 0 : i32
        %dma_wait3A_76 = tpu.memref_slice %arg5[%dma_wait3A_74, %dma_wait3A_75] : memref<10x128xf32, #tpu.memory_space<hbm>> -> memref<10x128xf32, #tpu.memory_space<hbm>>
        tpu.wait_indirect_dma semaphore(%arg25 : memref<!tpu.dma_semaphore, #tpu.memory_space<semaphore_mem>>) src(%dma_wait3A_76 : memref<10x128xf32, #tpu.memory_space<hbm>>) dst(%dma_wait3A_73 : memref<80x128xf32, #tpu.memory_space<vmem>>)
        %dma_wait3A_77 = arith.constant 0 : i32
        %dma_wait3A_78 = arith.constant 384 : i32
        %dma_wait3A_79 = tpu.memref_slice %arg21[%dma_wait3A_77, %dma_wait3A_78] : memref<80x651xf32, #tpu.memory_space<vmem>> -> memref<80x128xf32, #tpu.memory_space<vmem>>
        %dma_wait3A_80 = arith.constant 0 : i32
        %dma_wait3A_81 = arith.constant 0 : i32
        %dma_wait3A_82 = tpu.memref_slice %arg6[%dma_wait3A_80, %dma_wait3A_81] : memref<10x128xf32, #tpu.memory_space<hbm>> -> memref<10x128xf32, #tpu.memory_space<hbm>>
        tpu.wait_indirect_dma semaphore(%arg25 : memref<!tpu.dma_semaphore, #tpu.memory_space<semaphore_mem>>) src(%dma_wait3A_82 : memref<10x128xf32, #tpu.memory_space<hbm>>) dst(%dma_wait3A_79 : memref<80x128xf32, #tpu.memory_space<vmem>>)
        %dma_wait3A_83 = arith.constant 0 : i32
        %dma_wait3A_84 = arith.constant 512 : i32
        %dma_wait3A_85 = tpu.memref_slice %arg21[%dma_wait3A_83, %dma_wait3A_84] : memref<80x651xf32, #tpu.memory_space<vmem>> -> memref<80x128xf32, #tpu.memory_space<vmem>>
        %dma_wait3A_86 = arith.constant 0 : i32
        %dma_wait3A_87 = arith.constant 0 : i32
        %dma_wait3A_88 = tpu.memref_slice %arg7[%dma_wait3A_86, %dma_wait3A_87] : memref<10x128xf32, #tpu.memory_space<hbm>> -> memref<10x128xf32, #tpu.memory_space<hbm>>
        tpu.wait_indirect_dma semaphore(%arg25 : memref<!tpu.dma_semaphore, #tpu.memory_space<semaphore_mem>>) src(%dma_wait3A_88 : memref<10x128xf32, #tpu.memory_space<hbm>>) dst(%dma_wait3A_85 : memref<80x128xf32, #tpu.memory_space<vmem>>)
        %sub3A_89 = arith.constant 32 : i32
        %sub3A_90 = arith.subi %add3A_43, %sub3A_89 : i32
        %mul3A_91 = arith.constant 80 : i32
        %mul3A_92 = arith.muli %sub3A_90, %mul3A_91 : i32
        %dma_start3A_93 = arith.constant 0 : i32
        %dma_start3A_94 = tpu.memref_slice %arg8[%mul3A_92, %dma_start3A_93] : memref<100000x651xf32, #tpu.memory_space<hbm>> -> memref<80x651xf32, #tpu.memory_space<hbm>>
        %dma_start3A_95 = arith.constant 0 : i32
        %dma_start3A_96 = tpu.memref_slice %arg8[%mul3A_92, %dma_start3A_95] : memref<100000x651xf32, #tpu.memory_space<hbm>> -> memref<80x651xf32, #tpu.memory_space<hbm>>
        tpu.enqueue_dma source(%arg21 : memref<80x651xf32, #tpu.memory_space<vmem>>) target(%dma_start3A_96 : memref<80x651xf32, #tpu.memory_space<hbm>>) target_semaphore(%arg27 : memref<!tpu.dma_semaphore, #tpu.memory_space<semaphore_mem>>)
      } else {
      }
      %lt3A_54 = arith.constant 1250 : i32
      %lt3A_55 = arith.cmpi slt, %add3A_43, %lt3A_54 : i32
      %convert_element_type3A_56 = arith.extui %lt3A_55 : i1 to i32
      %cond3A_57 = arith.constant 0 : i32
      %cond3A_58 = arith.cmpi ne, %convert_element_type3A_56, %cond3A_57 : i32
      scf.if %cond3A_58 {
        %mul3A_59 = arith.constant 1280 : i32
        %mul3A_60 = arith.muli %add3A_43, %mul3A_59 : i32
        %dma_wait3A_61 = tpu.memref_slice %arg2[%mul3A_60] : memref<1600000xf32, #tpu.memory_space<hbm>> -> memref<1280xf32, #tpu.memory_space<hbm>>
        %dma_wait3A_62 = tpu.memref_slice %arg2[%mul3A_60] : memref<1600000xf32, #tpu.memory_space<hbm>> -> memref<1280xf32, #tpu.memory_space<hbm>>
        tpu.wait_dma2 semaphore(%arg24 : memref<!tpu.dma_semaphore, #tpu.memory_space<semaphore_mem>>) src(%dma_wait3A_62 : memref<1280xf32, #tpu.memory_space<hbm>>) dst(%arg10 : memref<1280xf32, #tpu.memory_space<vmem>>)
        %add3A_63 = arith.constant 32 : i32
        %add3A_64 = arith.addi %add3A_43, %add3A_63 : i32
        %lt3A_65 = arith.constant 1250 : i32
        %lt3A_66 = arith.cmpi slt, %add3A_64, %lt3A_65 : i32
        %convert_element_type3A_67 = arith.extui %lt3A_66 : i1 to i32
        %cond3A_68 = arith.constant 0 : i32
        %cond3A_69 = arith.cmpi ne, %convert_element_type3A_67, %cond3A_68 : i32
        scf.if %cond3A_69 {
          %add3A_682 = arith.constant 32 : i32
          %add3A_683 = arith.addi %add3A_43, %add3A_682 : i32
          %mul3A_684 = arith.constant 1280 : i32
          %mul3A_685 = arith.muli %add3A_683, %mul3A_684 : i32
          %dma_start3A_686 = tpu.memref_slice %arg2[%mul3A_685] : memref<1600000xf32, #tpu.memory_space<hbm>> -> memref<1280xf32, #tpu.memory_space<hbm>>
          %dma_start3A_687 = tpu.memref_slice %arg2[%mul3A_685] : memref<1600000xf32, #tpu.memory_space<hbm>> -> memref<1280xf32, #tpu.memory_space<hbm>>
          tpu.enqueue_dma source(%dma_start3A_687 : memref<1280xf32, #tpu.memory_space<hbm>>) target(%arg9 : memref<1280xf32, #tpu.memory_space<vmem>>) target_semaphore(%arg23 : memref<!tpu.dma_semaphore, #tpu.memory_space<semaphore_mem>>)
        } else {
        }
        %mul3A_70 = arith.constant 16 : i32
        %mul3A_71 = vector.broadcast %mul3A_70 : i32 to vector<16xi32>
        %mul3A_72 = arith.muli %iota3A, %mul3A_71 : vector<16xi32>
        %add3A_73 = arith.constant 0 : i32
        %add3A_74 = vector.broadcast %add3A_73 : i32 to vector<16xi32>
        %add3A_75 = arith.addi %mul3A_72, %add3A_74 : vector<16xi32>
        %add3A_76 = arith.constant 0 : i32
        %add3A_77 = vector.broadcast %add3A_76 : i32 to vector<16xi32>
        %add3A_78 = arith.addi %add3A_75, %add3A_77 : vector<16xi32>
        %gather3A = tpu.vector_load_idx %arg10[%add3A_78] : memref<1280xf32, #tpu.memory_space<vmem>>[vector<16xi32>], vector<16xf32>,
        %convert_element_type3A_79 = arith.fptosi %gather3A : vector<16xf32> to vector<16xi32>
        %swap3A = arith.constant 0 : index
        %swap3A_80 = tpu.vector_load %arg16[%swap3A] {strides = array<i32>} : memref<80xi32, #tpu.memory_space<vmem>>, vector<16xi32>,
        tpu.vector_store %arg16[%swap3A], %convert_element_type3A_79 {strides = array<i32>} : memref<80xi32, #tpu.memory_space<vmem>>, vector<16xi32>,
        %add3A_81 = arith.constant 1 : i32
        %add3A_82 = vector.broadcast %add3A_81 : i32 to vector<16xi32>
        %add3A_83 = arith.addi %add3A_75, %add3A_82 : vector<16xi32>
        %gather3A_84 = tpu.vector_load_idx %arg10[%add3A_83] : memref<1280xf32, #tpu.memory_space<vmem>>[vector<16xi32>], vector<16xf32>,
        %convert_element_type3A_85 = arith.fptosi %gather3A_84 : vector<16xf32> to vector<16xi32>
        %swap3A_86 = arith.constant 0 : index
        %swap3A_87 = tpu.vector_load %arg17[%swap3A_86] {strides = array<i32>} : memref<80xi32, #tpu.memory_space<vmem>>, vector<16xi32>,
        tpu.vector_store %arg17[%swap3A_86], %convert_element_type3A_85 {strides = array<i32>} : memref<80xi32, #tpu.memory_space<vmem>>, vector<16xi32>,
        %add3A_88 = arith.constant 2 : i32
        %add3A_89 = vector.broadcast %add3A_88 : i32 to vector<16xi32>
        %add3A_90 = arith.addi %add3A_75, %add3A_89 : vector<16xi32>
        %gather3A_91 = tpu.vector_load_idx %arg10[%add3A_90] : memref<1280xf32, #tpu.memory_space<vmem>>[vector<16xi32>], vector<16xf32>,
        %convert_element_type3A_92 = arith.fptosi %gather3A_91 : vector<16xf32> to vector<16xi32>
        %swap3A_93 = arith.constant 0 : index
        %swap3A_94 = tpu.vector_load %arg18[%swap3A_93] {strides = array<i32>} : memref<80xi32, #tpu.memory_space<vmem>>, vector<16xi32>,
        tpu.vector_store %arg18[%swap3A_93], %convert_element_type3A_92 {strides = array<i32>} : memref<80xi32, #tpu.memory_space<vmem>>, vector<16xi32>,
        %add3A_95 = arith.constant 3 : i32
        %add3A_96 = vector.broadcast %add3A_95 : i32 to vector<16xi32>
        %add3A_97 = arith.addi %add3A_75, %add3A_96 : vector<16xi32>
        %gather3A_98 = tpu.vector_load_idx %arg10[%add3A_97] : memref<1280xf32, #tpu.memory_space<vmem>>[vector<16xi32>], vector<16xf32>,
        %convert_element_type3A_99 = arith.fptosi %gather3A_98 : vector<16xf32> to vector<16xi32>
        %swap3A_100 = arith.constant 0 : index
        %swap3A_101 = tpu.vector_load %arg19[%swap3A_100] {strides = array<i32>} : memref<80xi32, #tpu.memory_space<vmem>>, vector<16xi32>,
        tpu.vector_store %arg19[%swap3A_100], %convert_element_type3A_99 {strides = array<i32>} : memref<80xi32, #tpu.memory_space<vmem>>, vector<16xi32>,
        %add3A_102 = arith.constant 4 : i32
        %add3A_103 = vector.broadcast %add3A_102 : i32 to vector<16xi32>
        %add3A_104 = arith.addi %add3A_75, %add3A_103 : vector<16xi32>
        %gather3A_105 = tpu.vector_load_idx %arg10[%add3A_104] : memref<1280xf32, #tpu.memory_space<vmem>>[vector<16xi32>], vector<16xf32>,
        %convert_element_type3A_106 = arith.fptosi %gather3A_105 : vector<16xf32> to vector<16xi32>
        %swap3A_107 = arith.constant 0 : index
        %swap3A_108 = tpu.vector_load %arg20[%swap3A_107] {strides = array<i32>} : memref<80xi32, #tpu.memory_space<vmem>>, vector<16xi32>,
        tpu.vector_store %arg20[%swap3A_107], %convert_element_type3A_106 {strides = array<i32>} : memref<80xi32, #tpu.memory_space<vmem>>, vector<16xi32>,
        %mul3A_109 = arith.constant 16 : i32
        %mul3A_110 = vector.broadcast %mul3A_109 : i32 to vector<16xi32>
        %mul3A_111 = arith.muli %iota3A, %mul3A_110 : vector<16xi32>
        %add3A_112 = arith.constant 256 : i32
        %add3A_113 = vector.broadcast %add3A_112 : i32 to vector<16xi32>
        %add3A_114 = arith.addi %mul3A_111, %add3A_113 : vector<16xi32>
        %add3A_115 = arith.constant 0 : i32
        %add3A_116 = vector.broadcast %add3A_115 : i32 to vector<16xi32>
        %add3A_117 = arith.addi %add3A_114, %add3A_116 : vector<16xi32>
        %gather3A_118 = tpu.vector_load_idx %arg10[%add3A_117] : memref<1280xf32, #tpu.memory_space<vmem>>[vector<16xi32>], vector<16xf32>,
        %convert_element_type3A_119 = arith.fptosi %gather3A_118 : vector<16xf32> to vector<16xi32>
        %swap3A_120 = arith.constant 16 : index
        %swap3A_121 = tpu.vector_load %arg16[%swap3A_120] {strides = array<i32>} : memref<80xi32, #tpu.memory_space<vmem>>, vector<16xi32>,
        tpu.vector_store %arg16[%swap3A_120], %convert_element_type3A_119 {strides = array<i32>} : memref<80xi32, #tpu.memory_space<vmem>>, vector<16xi32>,
        %add3A_122 = arith.constant 1 : i32
        %add3A_123 = vector.broadcast %add3A_122 : i32 to vector<16xi32>
        %add3A_124 = arith.addi %add3A_114, %add3A_123 : vector<16xi32>
        %gather3A_125 = tpu.vector_load_idx %arg10[%add3A_124] : memref<1280xf32, #tpu.memory_space<vmem>>[vector<16xi32>], vector<16xf32>,
        %convert_element_type3A_126 = arith.fptosi %gather3A_125 : vector<16xf32> to vector<16xi32>
        %swap3A_127 = arith.constant 16 : index
        %swap3A_128 = tpu.vector_load %arg17[%swap3A_127] {strides = array<i32>} : memref<80xi32, #tpu.memory_space<vmem>>, vector<16xi32>,
        tpu.vector_store %arg17[%swap3A_127], %convert_element_type3A_126 {strides = array<i32>} : memref<80xi32, #tpu.memory_space<vmem>>, vector<16xi32>,
        %add3A_129 = arith.constant 2 : i32
        %add3A_130 = vector.broadcast %add3A_129 : i32 to vector<16xi32>
        %add3A_131 = arith.addi %add3A_114, %add3A_130 : vector<16xi32>
        %gather3A_132 = tpu.vector_load_idx %arg10[%add3A_131] : memref<1280xf32, #tpu.memory_space<vmem>>[vector<16xi32>], vector<16xf32>,
        %convert_element_type3A_133 = arith.fptosi %gather3A_132 : vector<16xf32> to vector<16xi32>
        %swap3A_134 = arith.constant 16 : index
        %swap3A_135 = tpu.vector_load %arg18[%swap3A_134] {strides = array<i32>} : memref<80xi32, #tpu.memory_space<vmem>>, vector<16xi32>,
        tpu.vector_store %arg18[%swap3A_134], %convert_element_type3A_133 {strides = array<i32>} : memref<80xi32, #tpu.memory_space<vmem>>, vector<16xi32>,
        %add3A_136 = arith.constant 3 : i32
        %add3A_137 = vector.broadcast %add3A_136 : i32 to vector<16xi32>
        %add3A_138 = arith.addi %add3A_114, %add3A_137 : vector<16xi32>
        %gather3A_139 = tpu.vector_load_idx %arg10[%add3A_138] : memref<1280xf32, #tpu.memory_space<vmem>>[vector<16xi32>], vector<16xf32>,
        %convert_element_type3A_140 = arith.fptosi %gather3A_139 : vector<16xf32> to vector<16xi32>
        %swap3A_141 = arith.constant 16 : index
        %swap3A_142 = tpu.vector_load %arg19[%swap3A_141] {strides = array<i32>} : memref<80xi32, #tpu.memory_space<vmem>>, vector<16xi32>,
        tpu.vector_store %arg19[%swap3A_141], %convert_element_type3A_140 {strides = array<i32>} : memref<80xi32, #tpu.memory_space<vmem>>, vector<16xi32>,
        %add3A_143 = arith.constant 4 : i32
        %add3A_144 = vector.broadcast %add3A_143 : i32 to vector<16xi32>
        %add3A_145 = arith.addi %add3A_114, %add3A_144 : vector<16xi32>
        %gather3A_146 = tpu.vector_load_idx %arg10[%add3A_145] : memref<1280xf32, #tpu.memory_space<vmem>>[vector<16xi32>], vector<16xf32>,
        %convert_element_type3A_147 = arith.fptosi %gather3A_146 : vector<16xf32> to vector<16xi32>
        %swap3A_148 = arith.constant 16 : index
        %swap3A_149 = tpu.vector_load %arg20[%swap3A_148] {strides = array<i32>} : memref<80xi32, #tpu.memory_space<vmem>>, vector<16xi32>,
        tpu.vector_store %arg20[%swap3A_148], %convert_element_type3A_147 {strides = array<i32>} : memref<80xi32, #tpu.memory_space<vmem>>, vector<16xi32>,
        %mul3A_150 = arith.constant 16 : i32
        %mul3A_151 = vector.broadcast %mul3A_150 : i32 to vector<16xi32>
        %mul3A_152 = arith.muli %iota3A, %mul3A_151 : vector<16xi32>
        %add3A_153 = arith.constant 512 : i32
        %add3A_154 = vector.broadcast %add3A_153 : i32 to vector<16xi32>
        %add3A_155 = arith.addi %mul3A_152, %add3A_154 : vector<16xi32>
        %add3A_156 = arith.constant 0 : i32
        %add3A_157 = vector.broadcast %add3A_156 : i32 to vector<16xi32>
        %add3A_158 = arith.addi %add3A_155, %add3A_157 : vector<16xi32>
        %gather3A_159 = tpu.vector_load_idx %arg10[%add3A_158] : memref<1280xf32, #tpu.memory_space<vmem>>[vector<16xi32>], vector<16xf32>,
        %convert_element_type3A_160 = arith.fptosi %gather3A_159 : vector<16xf32> to vector<16xi32>
        %swap3A_161 = arith.constant 32 : index
        %swap3A_162 = tpu.vector_load %arg16[%swap3A_161] {strides = array<i32>} : memref<80xi32, #tpu.memory_space<vmem>>, vector<16xi32>,
        tpu.vector_store %arg16[%swap3A_161], %convert_element_type3A_160 {strides = array<i32>} : memref<80xi32, #tpu.memory_space<vmem>>, vector<16xi32>,
        %add3A_163 = arith.constant 1 : i32
        %add3A_164 = vector.broadcast %add3A_163 : i32 to vector<16xi32>
        %add3A_165 = arith.addi %add3A_155, %add3A_164 : vector<16xi32>
        %gather3A_166 = tpu.vector_load_idx %arg10[%add3A_165] : memref<1280xf32, #tpu.memory_space<vmem>>[vector<16xi32>], vector<16xf32>,
        %convert_element_type3A_167 = arith.fptosi %gather3A_166 : vector<16xf32> to vector<16xi32>
        %swap3A_168 = arith.constant 32 : index
        %swap3A_169 = tpu.vector_load %arg17[%swap3A_168] {strides = array<i32>} : memref<80xi32, #tpu.memory_space<vmem>>, vector<16xi32>,
        tpu.vector_store %arg17[%swap3A_168], %convert_element_type3A_167 {strides = array<i32>} : memref<80xi32, #tpu.memory_space<vmem>>, vector<16xi32>,
        %add3A_170 = arith.constant 2 : i32
        %add3A_171 = vector.broadcast %add3A_170 : i32 to vector<16xi32>
        %add3A_172 = arith.addi %add3A_155, %add3A_171 : vector<16xi32>
        %gather3A_173 = tpu.vector_load_idx %arg10[%add3A_172] : memref<1280xf32, #tpu.memory_space<vmem>>[vector<16xi32>], vector<16xf32>,
        %convert_element_type3A_174 = arith.fptosi %gather3A_173 : vector<16xf32> to vector<16xi32>
        %swap3A_175 = arith.constant 32 : index
        %swap3A_176 = tpu.vector_load %arg18[%swap3A_175] {strides = array<i32>} : memref<80xi32, #tpu.memory_space<vmem>>, vector<16xi32>,
        tpu.vector_store %arg18[%swap3A_175], %convert_element_type3A_174 {strides = array<i32>} : memref<80xi32, #tpu.memory_space<vmem>>, vector<16xi32>,
        %add3A_177 = arith.constant 3 : i32
        %add3A_178 = vector.broadcast %add3A_177 : i32 to vector<16xi32>
        %add3A_179 = arith.addi %add3A_155, %add3A_178 : vector<16xi32>
        %gather3A_180 = tpu.vector_load_idx %arg10[%add3A_179] : memref<1280xf32, #tpu.memory_space<vmem>>[vector<16xi32>], vector<16xf32>,
        %convert_element_type3A_181 = arith.fptosi %gather3A_180 : vector<16xf32> to vector<16xi32>
        %swap3A_182 = arith.constant 32 : index
        %swap3A_183 = tpu.vector_load %arg19[%swap3A_182] {strides = array<i32>} : memref<80xi32, #tpu.memory_space<vmem>>, vector<16xi32>,
        tpu.vector_store %arg19[%swap3A_182], %convert_element_type3A_181 {strides = array<i32>} : memref<80xi32, #tpu.memory_space<vmem>>, vector<16xi32>,
        %add3A_184 = arith.constant 4 : i32
        %add3A_185 = vector.broadcast %add3A_184 : i32 to vector<16xi32>
        %add3A_186 = arith.addi %add3A_155, %add3A_185 : vector<16xi32>
        %gather3A_187 = tpu.vector_load_idx %arg10[%add3A_186] : memref<1280xf32, #tpu.memory_space<vmem>>[vector<16xi32>], vector<16xf32>,
        %convert_element_type3A_188 = arith.fptosi %gather3A_187 : vector<16xf32> to vector<16xi32>
        %swap3A_189 = arith.constant 32 : index
        %swap3A_190 = tpu.vector_load %arg20[%swap3A_189] {strides = array<i32>} : memref<80xi32, #tpu.memory_space<vmem>>, vector<16xi32>,
        tpu.vector_store %arg20[%swap3A_189], %convert_element_type3A_188 {strides = array<i32>} : memref<80xi32, #tpu.memory_space<vmem>>, vector<16xi32>,
        %mul3A_191 = arith.constant 16 : i32
        %mul3A_192 = vector.broadcast %mul3A_191 : i32 to vector<16xi32>
        %mul3A_193 = arith.muli %iota3A, %mul3A_192 : vector<16xi32>
        %add3A_194 = arith.constant 768 : i32
        %add3A_195 = vector.broadcast %add3A_194 : i32 to vector<16xi32>
        %add3A_196 = arith.addi %mul3A_193, %add3A_195 : vector<16xi32>
        %add3A_197 = arith.constant 0 : i32
        %add3A_198 = vector.broadcast %add3A_197 : i32 to vector<16xi32>
        %add3A_199 = arith.addi %add3A_196, %add3A_198 : vector<16xi32>
        %gather3A_200 = tpu.vector_load_idx %arg10[%add3A_199] : memref<1280xf32, #tpu.memory_space<vmem>>[vector<16xi32>], vector<16xf32>,
        %convert_element_type3A_201 = arith.fptosi %gather3A_200 : vector<16xf32> to vector<16xi32>
        %swap3A_202 = arith.constant 48 : index
        %swap3A_203 = tpu.vector_load %arg16[%swap3A_202] {strides = array<i32>} : memref<80xi32, #tpu.memory_space<vmem>>, vector<16xi32>,
        tpu.vector_store %arg16[%swap3A_202], %convert_element_type3A_201 {strides = array<i32>} : memref<80xi32, #tpu.memory_space<vmem>>, vector<16xi32>,
        %add3A_204 = arith.constant 1 : i32
        %add3A_205 = vector.broadcast %add3A_204 : i32 to vector<16xi32>
        %add3A_206 = arith.addi %add3A_196, %add3A_205 : vector<16xi32>
        %gather3A_207 = tpu.vector_load_idx %arg10[%add3A_206] : memref<1280xf32, #tpu.memory_space<vmem>>[vector<16xi32>], vector<16xf32>,
        %convert_element_type3A_208 = arith.fptosi %gather3A_207 : vector<16xf32> to vector<16xi32>
        %swap3A_209 = arith.constant 48 : index
        %swap3A_210 = tpu.vector_load %arg17[%swap3A_209] {strides = array<i32>} : memref<80xi32, #tpu.memory_space<vmem>>, vector<16xi32>,
        tpu.vector_store %arg17[%swap3A_209], %convert_element_type3A_208 {strides = array<i32>} : memref<80xi32, #tpu.memory_space<vmem>>, vector<16xi32>,
        %add3A_211 = arith.constant 2 : i32
        %add3A_212 = vector.broadcast %add3A_211 : i32 to vector<16xi32>
        %add3A_213 = arith.addi %add3A_196, %add3A_212 : vector<16xi32>
        %gather3A_214 = tpu.vector_load_idx %arg10[%add3A_213] : memref<1280xf32, #tpu.memory_space<vmem>>[vector<16xi32>], vector<16xf32>,
        %convert_element_type3A_215 = arith.fptosi %gather3A_214 : vector<16xf32> to vector<16xi32>
        %swap3A_216 = arith.constant 48 : index
        %swap3A_217 = tpu.vector_load %arg18[%swap3A_216] {strides = array<i32>} : memref<80xi32, #tpu.memory_space<vmem>>, vector<16xi32>,
        tpu.vector_store %arg18[%swap3A_216], %convert_element_type3A_215 {strides = array<i32>} : memref<80xi32, #tpu.memory_space<vmem>>, vector<16xi32>,
        %add3A_218 = arith.constant 3 : i32
        %add3A_219 = vector.broadcast %add3A_218 : i32 to vector<16xi32>
        %add3A_220 = arith.addi %add3A_196, %add3A_219 : vector<16xi32>
        %gather3A_221 = tpu.vector_load_idx %arg10[%add3A_220] : memref<1280xf32, #tpu.memory_space<vmem>>[vector<16xi32>], vector<16xf32>,
        %convert_element_type3A_222 = arith.fptosi %gather3A_221 : vector<16xf32> to vector<16xi32>
        %swap3A_223 = arith.constant 48 : index
        %swap3A_224 = tpu.vector_load %arg19[%swap3A_223] {strides = array<i32>} : memref<80xi32, #tpu.memory_space<vmem>>, vector<16xi32>,
        tpu.vector_store %arg19[%swap3A_223], %convert_element_type3A_222 {strides = array<i32>} : memref<80xi32, #tpu.memory_space<vmem>>, vector<16xi32>,
        %add3A_225 = arith.constant 4 : i32
        %add3A_226 = vector.broadcast %add3A_225 : i32 to vector<16xi32>
        %add3A_227 = arith.addi %add3A_196, %add3A_226 : vector<16xi32>
        %gather3A_228 = tpu.vector_load_idx %arg10[%add3A_227] : memref<1280xf32, #tpu.memory_space<vmem>>[vector<16xi32>], vector<16xf32>,
        %convert_element_type3A_229 = arith.fptosi %gather3A_228 : vector<16xf32> to vector<16xi32>
        %swap3A_230 = arith.constant 48 : index
        %swap3A_231 = tpu.vector_load %arg20[%swap3A_230] {strides = array<i32>} : memref<80xi32, #tpu.memory_space<vmem>>, vector<16xi32>,
        tpu.vector_store %arg20[%swap3A_230], %convert_element_type3A_229 {strides = array<i32>} : memref<80xi32, #tpu.memory_space<vmem>>, vector<16xi32>,
        %mul3A_232 = arith.constant 16 : i32
        %mul3A_233 = vector.broadcast %mul3A_232 : i32 to vector<16xi32>
        %mul3A_234 = arith.muli %iota3A, %mul3A_233 : vector<16xi32>
        %add3A_235 = arith.constant 1024 : i32
        %add3A_236 = vector.broadcast %add3A_235 : i32 to vector<16xi32>
        %add3A_237 = arith.addi %mul3A_234, %add3A_236 : vector<16xi32>
        %add3A_238 = arith.constant 0 : i32
        %add3A_239 = vector.broadcast %add3A_238 : i32 to vector<16xi32>
        %add3A_240 = arith.addi %add3A_237, %add3A_239 : vector<16xi32>
        %gather3A_241 = tpu.vector_load_idx %arg10[%add3A_240] : memref<1280xf32, #tpu.memory_space<vmem>>[vector<16xi32>], vector<16xf32>,
        %convert_element_type3A_242 = arith.fptosi %gather3A_241 : vector<16xf32> to vector<16xi32>
        %swap3A_243 = arith.constant 64 : index
        %swap3A_244 = tpu.vector_load %arg16[%swap3A_243] {strides = array<i32>} : memref<80xi32, #tpu.memory_space<vmem>>, vector<16xi32>,
        tpu.vector_store %arg16[%swap3A_243], %convert_element_type3A_242 {strides = array<i32>} : memref<80xi32, #tpu.memory_space<vmem>>, vector<16xi32>,
        %add3A_245 = arith.constant 1 : i32
        %add3A_246 = vector.broadcast %add3A_245 : i32 to vector<16xi32>
        %add3A_247 = arith.addi %add3A_237, %add3A_246 : vector<16xi32>
        %gather3A_248 = tpu.vector_load_idx %arg10[%add3A_247] : memref<1280xf32, #tpu.memory_space<vmem>>[vector<16xi32>], vector<16xf32>,
        %convert_element_type3A_249 = arith.fptosi %gather3A_248 : vector<16xf32> to vector<16xi32>
        %swap3A_250 = arith.constant 64 : index
        %swap3A_251 = tpu.vector_load %arg17[%swap3A_250] {strides = array<i32>} : memref<80xi32, #tpu.memory_space<vmem>>, vector<16xi32>,
        tpu.vector_store %arg17[%swap3A_250], %convert_element_type3A_249 {strides = array<i32>} : memref<80xi32, #tpu.memory_space<vmem>>, vector<16xi32>,
        %add3A_252 = arith.constant 2 : i32
        %add3A_253 = vector.broadcast %add3A_252 : i32 to vector<16xi32>
        %add3A_254 = arith.addi %add3A_237, %add3A_253 : vector<16xi32>
        %gather3A_255 = tpu.vector_load_idx %arg10[%add3A_254] : memref<1280xf32, #tpu.memory_space<vmem>>[vector<16xi32>], vector<16xf32>,
        %convert_element_type3A_256 = arith.fptosi %gather3A_255 : vector<16xf32> to vector<16xi32>
        %swap3A_257 = arith.constant 64 : index
        %swap3A_258 = tpu.vector_load %arg18[%swap3A_257] {strides = array<i32>} : memref<80xi32, #tpu.memory_space<vmem>>, vector<16xi32>,
        tpu.vector_store %arg18[%swap3A_257], %convert_element_type3A_256 {strides = array<i32>} : memref<80xi32, #tpu.memory_space<vmem>>, vector<16xi32>,
        %add3A_259 = arith.constant 3 : i32
        %add3A_260 = vector.broadcast %add3A_259 : i32 to vector<16xi32>
        %add3A_261 = arith.addi %add3A_237, %add3A_260 : vector<16xi32>
        %gather3A_262 = tpu.vector_load_idx %arg10[%add3A_261] : memref<1280xf32, #tpu.memory_space<vmem>>[vector<16xi32>], vector<16xf32>,
        %convert_element_type3A_263 = arith.fptosi %gather3A_262 : vector<16xf32> to vector<16xi32>
        %swap3A_264 = arith.constant 64 : index
        %swap3A_265 = tpu.vector_load %arg19[%swap3A_264] {strides = array<i32>} : memref<80xi32, #tpu.memory_space<vmem>>, vector<16xi32>,
        tpu.vector_store %arg19[%swap3A_264], %convert_element_type3A_263 {strides = array<i32>} : memref<80xi32, #tpu.memory_space<vmem>>, vector<16xi32>,
        %add3A_266 = arith.constant 4 : i32
        %add3A_267 = vector.broadcast %add3A_266 : i32 to vector<16xi32>
        %add3A_268 = arith.addi %add3A_237, %add3A_267 : vector<16xi32>
        %gather3A_269 = tpu.vector_load_idx %arg10[%add3A_268] : memref<1280xf32, #tpu.memory_space<vmem>>[vector<16xi32>], vector<16xf32>,
        %convert_element_type3A_270 = arith.fptosi %gather3A_269 : vector<16xf32> to vector<16xi32>
        %swap3A_271 = arith.constant 64 : index
        %swap3A_272 = tpu.vector_load %arg20[%swap3A_271] {strides = array<i32>} : memref<80xi32, #tpu.memory_space<vmem>>, vector<16xi32>,
        tpu.vector_store %arg20[%swap3A_271], %convert_element_type3A_270 {strides = array<i32>} : memref<80xi32, #tpu.memory_space<vmem>>, vector<16xi32>,
        %ge3A_273 = arith.constant 1 : i32
        %ge3A_274 = arith.cmpi sge, %scan3A_20, %ge3A_273 : i32
        %convert_element_type3A_275 = arith.extui %ge3A_274 : i1 to i32
        %cond3A_276 = arith.constant 0 : i32
        %cond3A_277 = arith.cmpi ne, %convert_element_type3A_275, %cond3A_276 : i32
        scf.if %cond3A_277 {
          %mul3A_682 = arith.constant 80 : i32
          %mul3A_683 = arith.muli %add3A_43, %mul3A_682 : i32
          %dma_wait3A_684 = arith.constant 0 : i32
          %dma_wait3A_685 = tpu.memref_slice %arg8[%mul3A_683, %dma_wait3A_684] : memref<100000x651xf32, #tpu.memory_space<hbm>> -> memref<80x651xf32, #tpu.memory_space<hbm>>
          %dma_wait3A_686 = arith.constant 0 : i32
          %dma_wait3A_687 = tpu.memref_slice %arg8[%mul3A_683, %dma_wait3A_686] : memref<100000x651xf32, #tpu.memory_space<hbm>> -> memref<80x651xf32, #tpu.memory_space<hbm>>
          tpu.wait_dma2 semaphore(%arg28 : memref<!tpu.dma_semaphore, #tpu.memory_space<semaphore_mem>>) src(%arg22 : memref<80x651xf32, #tpu.memory_space<vmem>>) dst(%dma_wait3A_687 : memref<80x651xf32, #tpu.memory_space<hbm>>)
        } else {
        }
        %add3A_278 = arith.constant 0 : i32
        %add3A_279 = vector.broadcast %add3A_278 : i32 to vector<16xi32>
        %add3A_280 = arith.addi %iota3A, %add3A_279 : vector<16xi32>
        %mul3A_281 = arith.constant 16 : i32
        %mul3A_282 = vector.broadcast %mul3A_281 : i32 to vector<16xi32>
        %mul3A_283 = arith.muli %iota3A, %mul3A_282 : vector<16xi32>
        %add3A_284 = arith.constant 0 : i32
        %add3A_285 = vector.broadcast %add3A_284 : i32 to vector<16xi32>
        %add3A_286 = arith.addi %mul3A_283, %add3A_285 : vector<16xi32>
        %add3A_287 = arith.constant 5 : i32
        %add3A_288 = vector.broadcast %add3A_287 : i32 to vector<16xi32>
        %add3A_289 = arith.addi %add3A_286, %add3A_288 : vector<16xi32>
        %gather3A_290 = tpu.vector_load_idx %arg10[%add3A_289] : memref<1280xf32, #tpu.memory_space<vmem>>[vector<16xi32>], vector<16xf32>,
        %broadcast_in_dim3A = arith.constant 640 : i32
        %broadcast_in_dim3A_291 = vector.broadcast %broadcast_in_dim3A : i32 to vector<16xi32>
        tpu.vector_store_idx %arg22[%add3A_280, %broadcast_in_dim3A_291], %gather3A_290 : memref<80x651xf32, #tpu.memory_space<vmem>>[vector<16xi32>, vector<16xi32>], vector<16xf32>,
        %add3A_292 = arith.constant 6 : i32
        %add3A_293 = vector.broadcast %add3A_292 : i32 to vector<16xi32>
        %add3A_294 = arith.addi %add3A_286, %add3A_293 : vector<16xi32>
        %gather3A_295 = tpu.vector_load_idx %arg10[%add3A_294] : memref<1280xf32, #tpu.memory_space<vmem>>[vector<16xi32>], vector<16xf32>,
        %broadcast_in_dim3A_296 = arith.constant 641 : i32
        %broadcast_in_dim3A_297 = vector.broadcast %broadcast_in_dim3A_296 : i32 to vector<16xi32>
        tpu.vector_store_idx %arg22[%add3A_280, %broadcast_in_dim3A_297], %gather3A_295 : memref<80x651xf32, #tpu.memory_space<vmem>>[vector<16xi32>, vector<16xi32>], vector<16xf32>,
        %add3A_298 = arith.constant 7 : i32
        %add3A_299 = vector.broadcast %add3A_298 : i32 to vector<16xi32>
        %add3A_300 = arith.addi %add3A_286, %add3A_299 : vector<16xi32>
        %gather3A_301 = tpu.vector_load_idx %arg10[%add3A_300] : memref<1280xf32, #tpu.memory_space<vmem>>[vector<16xi32>], vector<16xf32>,
        %broadcast_in_dim3A_302 = arith.constant 642 : i32
        %broadcast_in_dim3A_303 = vector.broadcast %broadcast_in_dim3A_302 : i32 to vector<16xi32>
        tpu.vector_store_idx %arg22[%add3A_280, %broadcast_in_dim3A_303], %gather3A_301 : memref<80x651xf32, #tpu.memory_space<vmem>>[vector<16xi32>, vector<16xi32>], vector<16xf32>,
        %add3A_304 = arith.constant 8 : i32
        %add3A_305 = vector.broadcast %add3A_304 : i32 to vector<16xi32>
        %add3A_306 = arith.addi %add3A_286, %add3A_305 : vector<16xi32>
        %gather3A_307 = tpu.vector_load_idx %arg10[%add3A_306] : memref<1280xf32, #tpu.memory_space<vmem>>[vector<16xi32>], vector<16xf32>,
        %broadcast_in_dim3A_308 = arith.constant 643 : i32
        %broadcast_in_dim3A_309 = vector.broadcast %broadcast_in_dim3A_308 : i32 to vector<16xi32>
        tpu.vector_store_idx %arg22[%add3A_280, %broadcast_in_dim3A_309], %gather3A_307 : memref<80x651xf32, #tpu.memory_space<vmem>>[vector<16xi32>, vector<16xi32>], vector<16xf32>,
        %add3A_310 = arith.constant 9 : i32
        %add3A_311 = vector.broadcast %add3A_310 : i32 to vector<16xi32>
        %add3A_312 = arith.addi %add3A_286, %add3A_311 : vector<16xi32>
        %gather3A_313 = tpu.vector_load_idx %arg10[%add3A_312] : memref<1280xf32, #tpu.memory_space<vmem>>[vector<16xi32>], vector<16xf32>,
        %broadcast_in_dim3A_314 = arith.constant 644 : i32
        %broadcast_in_dim3A_315 = vector.broadcast %broadcast_in_dim3A_314 : i32 to vector<16xi32>
        tpu.vector_store_idx %arg22[%add3A_280, %broadcast_in_dim3A_315], %gather3A_313 : memref<80x651xf32, #tpu.memory_space<vmem>>[vector<16xi32>, vector<16xi32>], vector<16xf32>,
        %add3A_316 = arith.constant 10 : i32
        %add3A_317 = vector.broadcast %add3A_316 : i32 to vector<16xi32>
        %add3A_318 = arith.addi %add3A_286, %add3A_317 : vector<16xi32>
        %gather3A_319 = tpu.vector_load_idx %arg10[%add3A_318] : memref<1280xf32, #tpu.memory_space<vmem>>[vector<16xi32>], vector<16xf32>,
        %broadcast_in_dim3A_320 = arith.constant 645 : i32
        %broadcast_in_dim3A_321 = vector.broadcast %broadcast_in_dim3A_320 : i32 to vector<16xi32>
        tpu.vector_store_idx %arg22[%add3A_280, %broadcast_in_dim3A_321], %gather3A_319 : memref<80x651xf32, #tpu.memory_space<vmem>>[vector<16xi32>, vector<16xi32>], vector<16xf32>,
        %add3A_322 = arith.constant 11 : i32
        %add3A_323 = vector.broadcast %add3A_322 : i32 to vector<16xi32>
        %add3A_324 = arith.addi %add3A_286, %add3A_323 : vector<16xi32>
        %gather3A_325 = tpu.vector_load_idx %arg10[%add3A_324] : memref<1280xf32, #tpu.memory_space<vmem>>[vector<16xi32>], vector<16xf32>,
        %broadcast_in_dim3A_326 = arith.constant 646 : i32
        %broadcast_in_dim3A_327 = vector.broadcast %broadcast_in_dim3A_326 : i32 to vector<16xi32>
        tpu.vector_store_idx %arg22[%add3A_280, %broadcast_in_dim3A_327], %gather3A_325 : memref<80x651xf32, #tpu.memory_space<vmem>>[vector<16xi32>, vector<16xi32>], vector<16xf32>,
        %add3A_328 = arith.constant 12 : i32
        %add3A_329 = vector.broadcast %add3A_328 : i32 to vector<16xi32>
        %add3A_330 = arith.addi %add3A_286, %add3A_329 : vector<16xi32>
        %gather3A_331 = tpu.vector_load_idx %arg10[%add3A_330] : memref<1280xf32, #tpu.memory_space<vmem>>[vector<16xi32>], vector<16xf32>,
        %broadcast_in_dim3A_332 = arith.constant 647 : i32
        %broadcast_in_dim3A_333 = vector.broadcast %broadcast_in_dim3A_332 : i32 to vector<16xi32>
        tpu.vector_store_idx %arg22[%add3A_280, %broadcast_in_dim3A_333], %gather3A_331 : memref<80x651xf32, #tpu.memory_space<vmem>>[vector<16xi32>, vector<16xi32>], vector<16xf32>,
        %add3A_334 = arith.constant 13 : i32
        %add3A_335 = vector.broadcast %add3A_334 : i32 to vector<16xi32>
        %add3A_336 = arith.addi %add3A_286, %add3A_335 : vector<16xi32>
        %gather3A_337 = tpu.vector_load_idx %arg10[%add3A_336] : memref<1280xf32, #tpu.memory_space<vmem>>[vector<16xi32>], vector<16xf32>,
        %broadcast_in_dim3A_338 = arith.constant 648 : i32
        %broadcast_in_dim3A_339 = vector.broadcast %broadcast_in_dim3A_338 : i32 to vector<16xi32>
        tpu.vector_store_idx %arg22[%add3A_280, %broadcast_in_dim3A_339], %gather3A_337 : memref<80x651xf32, #tpu.memory_space<vmem>>[vector<16xi32>, vector<16xi32>], vector<16xf32>,
        %add3A_340 = arith.constant 14 : i32
        %add3A_341 = vector.broadcast %add3A_340 : i32 to vector<16xi32>
        %add3A_342 = arith.addi %add3A_286, %add3A_341 : vector<16xi32>
        %gather3A_343 = tpu.vector_load_idx %arg10[%add3A_342] : memref<1280xf32, #tpu.memory_space<vmem>>[vector<16xi32>], vector<16xf32>,
        %broadcast_in_dim3A_344 = arith.constant 649 : i32
        %broadcast_in_dim3A_345 = vector.broadcast %broadcast_in_dim3A_344 : i32 to vector<16xi32>
        tpu.vector_store_idx %arg22[%add3A_280, %broadcast_in_dim3A_345], %gather3A_343 : memref<80x651xf32, #tpu.memory_space<vmem>>[vector<16xi32>, vector<16xi32>], vector<16xf32>,
        %add3A_346 = arith.constant 15 : i32
        %add3A_347 = vector.broadcast %add3A_346 : i32 to vector<16xi32>
        %add3A_348 = arith.addi %add3A_286, %add3A_347 : vector<16xi32>
        %gather3A_349 = tpu.vector_load_idx %arg10[%add3A_348] : memref<1280xf32, #tpu.memory_space<vmem>>[vector<16xi32>], vector<16xf32>,
        %broadcast_in_dim3A_350 = arith.constant 650 : i32
        %broadcast_in_dim3A_351 = vector.broadcast %broadcast_in_dim3A_350 : i32 to vector<16xi32>
        tpu.vector_store_idx %arg22[%add3A_280, %broadcast_in_dim3A_351], %gather3A_349 : memref<80x651xf32, #tpu.memory_space<vmem>>[vector<16xi32>, vector<16xi32>], vector<16xf32>,
        %add3A_352 = arith.constant 16 : i32
        %add3A_353 = vector.broadcast %add3A_352 : i32 to vector<16xi32>
        %add3A_354 = arith.addi %iota3A, %add3A_353 : vector<16xi32>
        %mul3A_355 = arith.constant 16 : i32
        %mul3A_356 = vector.broadcast %mul3A_355 : i32 to vector<16xi32>
        %mul3A_357 = arith.muli %iota3A, %mul3A_356 : vector<16xi32>
        %add3A_358 = arith.constant 256 : i32
        %add3A_359 = vector.broadcast %add3A_358 : i32 to vector<16xi32>
        %add3A_360 = arith.addi %mul3A_357, %add3A_359 : vector<16xi32>
        %add3A_361 = arith.constant 5 : i32
        %add3A_362 = vector.broadcast %add3A_361 : i32 to vector<16xi32>
        %add3A_363 = arith.addi %add3A_360, %add3A_362 : vector<16xi32>
        %gather3A_364 = tpu.vector_load_idx %arg10[%add3A_363] : memref<1280xf32, #tpu.memory_space<vmem>>[vector<16xi32>], vector<16xf32>,
        %broadcast_in_dim3A_365 = arith.constant 640 : i32
        %broadcast_in_dim3A_366 = vector.broadcast %broadcast_in_dim3A_365 : i32 to vector<16xi32>
        tpu.vector_store_idx %arg22[%add3A_354, %broadcast_in_dim3A_366], %gather3A_364 : memref<80x651xf32, #tpu.memory_space<vmem>>[vector<16xi32>, vector<16xi32>], vector<16xf32>,
        %add3A_367 = arith.constant 6 : i32
        %add3A_368 = vector.broadcast %add3A_367 : i32 to vector<16xi32>
        %add3A_369 = arith.addi %add3A_360, %add3A_368 : vector<16xi32>
        %gather3A_370 = tpu.vector_load_idx %arg10[%add3A_369] : memref<1280xf32, #tpu.memory_space<vmem>>[vector<16xi32>], vector<16xf32>,
        %broadcast_in_dim3A_371 = arith.constant 641 : i32
        %broadcast_in_dim3A_372 = vector.broadcast %broadcast_in_dim3A_371 : i32 to vector<16xi32>
        tpu.vector_store_idx %arg22[%add3A_354, %broadcast_in_dim3A_372], %gather3A_370 : memref<80x651xf32, #tpu.memory_space<vmem>>[vector<16xi32>, vector<16xi32>], vector<16xf32>,
        %add3A_373 = arith.constant 7 : i32
        %add3A_374 = vector.broadcast %add3A_373 : i32 to vector<16xi32>
        %add3A_375 = arith.addi %add3A_360, %add3A_374 : vector<16xi32>
        %gather3A_376 = tpu.vector_load_idx %arg10[%add3A_375] : memref<1280xf32, #tpu.memory_space<vmem>>[vector<16xi32>], vector<16xf32>,
        %broadcast_in_dim3A_377 = arith.constant 642 : i32
        %broadcast_in_dim3A_378 = vector.broadcast %broadcast_in_dim3A_377 : i32 to vector<16xi32>
        tpu.vector_store_idx %arg22[%add3A_354, %broadcast_in_dim3A_378], %gather3A_376 : memref<80x651xf32, #tpu.memory_space<vmem>>[vector<16xi32>, vector<16xi32>], vector<16xf32>,
        %add3A_379 = arith.constant 8 : i32
        %add3A_380 = vector.broadcast %add3A_379 : i32 to vector<16xi32>
        %add3A_381 = arith.addi %add3A_360, %add3A_380 : vector<16xi32>
        %gather3A_382 = tpu.vector_load_idx %arg10[%add3A_381] : memref<1280xf32, #tpu.memory_space<vmem>>[vector<16xi32>], vector<16xf32>,
        %broadcast_in_dim3A_383 = arith.constant 643 : i32
        %broadcast_in_dim3A_384 = vector.broadcast %broadcast_in_dim3A_383 : i32 to vector<16xi32>
        tpu.vector_store_idx %arg22[%add3A_354, %broadcast_in_dim3A_384], %gather3A_382 : memref<80x651xf32, #tpu.memory_space<vmem>>[vector<16xi32>, vector<16xi32>], vector<16xf32>,
        %add3A_385 = arith.constant 9 : i32
        %add3A_386 = vector.broadcast %add3A_385 : i32 to vector<16xi32>
        %add3A_387 = arith.addi %add3A_360, %add3A_386 : vector<16xi32>
        %gather3A_388 = tpu.vector_load_idx %arg10[%add3A_387] : memref<1280xf32, #tpu.memory_space<vmem>>[vector<16xi32>], vector<16xf32>,
        %broadcast_in_dim3A_389 = arith.constant 644 : i32
        %broadcast_in_dim3A_390 = vector.broadcast %broadcast_in_dim3A_389 : i32 to vector<16xi32>
        tpu.vector_store_idx %arg22[%add3A_354, %broadcast_in_dim3A_390], %gather3A_388 : memref<80x651xf32, #tpu.memory_space<vmem>>[vector<16xi32>, vector<16xi32>], vector<16xf32>,
        %add3A_391 = arith.constant 10 : i32
        %add3A_392 = vector.broadcast %add3A_391 : i32 to vector<16xi32>
        %add3A_393 = arith.addi %add3A_360, %add3A_392 : vector<16xi32>
        %gather3A_394 = tpu.vector_load_idx %arg10[%add3A_393] : memref<1280xf32, #tpu.memory_space<vmem>>[vector<16xi32>], vector<16xf32>,
        %broadcast_in_dim3A_395 = arith.constant 645 : i32
        %broadcast_in_dim3A_396 = vector.broadcast %broadcast_in_dim3A_395 : i32 to vector<16xi32>
        tpu.vector_store_idx %arg22[%add3A_354, %broadcast_in_dim3A_396], %gather3A_394 : memref<80x651xf32, #tpu.memory_space<vmem>>[vector<16xi32>, vector<16xi32>], vector<16xf32>,
        %add3A_397 = arith.constant 11 : i32
        %add3A_398 = vector.broadcast %add3A_397 : i32 to vector<16xi32>
        %add3A_399 = arith.addi %add3A_360, %add3A_398 : vector<16xi32>
        %gather3A_400 = tpu.vector_load_idx %arg10[%add3A_399] : memref<1280xf32, #tpu.memory_space<vmem>>[vector<16xi32>], vector<16xf32>,
        %broadcast_in_dim3A_401 = arith.constant 646 : i32
        %broadcast_in_dim3A_402 = vector.broadcast %broadcast_in_dim3A_401 : i32 to vector<16xi32>
        tpu.vector_store_idx %arg22[%add3A_354, %broadcast_in_dim3A_402], %gather3A_400 : memref<80x651xf32, #tpu.memory_space<vmem>>[vector<16xi32>, vector<16xi32>], vector<16xf32>,
        %add3A_403 = arith.constant 12 : i32
        %add3A_404 = vector.broadcast %add3A_403 : i32 to vector<16xi32>
        %add3A_405 = arith.addi %add3A_360, %add3A_404 : vector<16xi32>
        %gather3A_406 = tpu.vector_load_idx %arg10[%add3A_405] : memref<1280xf32, #tpu.memory_space<vmem>>[vector<16xi32>], vector<16xf32>,
        %broadcast_in_dim3A_407 = arith.constant 647 : i32
        %broadcast_in_dim3A_408 = vector.broadcast %broadcast_in_dim3A_407 : i32 to vector<16xi32>
        tpu.vector_store_idx %arg22[%add3A_354, %broadcast_in_dim3A_408], %gather3A_406 : memref<80x651xf32, #tpu.memory_space<vmem>>[vector<16xi32>, vector<16xi32>], vector<16xf32>,
        %add3A_409 = arith.constant 13 : i32
        %add3A_410 = vector.broadcast %add3A_409 : i32 to vector<16xi32>
        %add3A_411 = arith.addi %add3A_360, %add3A_410 : vector<16xi32>
        %gather3A_412 = tpu.vector_load_idx %arg10[%add3A_411] : memref<1280xf32, #tpu.memory_space<vmem>>[vector<16xi32>], vector<16xf32>,
        %broadcast_in_dim3A_413 = arith.constant 648 : i32
        %broadcast_in_dim3A_414 = vector.broadcast %broadcast_in_dim3A_413 : i32 to vector<16xi32>
        tpu.vector_store_idx %arg22[%add3A_354, %broadcast_in_dim3A_414], %gather3A_412 : memref<80x651xf32, #tpu.memory_space<vmem>>[vector<16xi32>, vector<16xi32>], vector<16xf32>,
        %add3A_415 = arith.constant 14 : i32
        %add3A_416 = vector.broadcast %add3A_415 : i32 to vector<16xi32>
        %add3A_417 = arith.addi %add3A_360, %add3A_416 : vector<16xi32>
        %gather3A_418 = tpu.vector_load_idx %arg10[%add3A_417] : memref<1280xf32, #tpu.memory_space<vmem>>[vector<16xi32>], vector<16xf32>,
        %broadcast_in_dim3A_419 = arith.constant 649 : i32
        %broadcast_in_dim3A_420 = vector.broadcast %broadcast_in_dim3A_419 : i32 to vector<16xi32>
        tpu.vector_store_idx %arg22[%add3A_354, %broadcast_in_dim3A_420], %gather3A_418 : memref<80x651xf32, #tpu.memory_space<vmem>>[vector<16xi32>, vector<16xi32>], vector<16xf32>,
        %add3A_421 = arith.constant 15 : i32
        %add3A_422 = vector.broadcast %add3A_421 : i32 to vector<16xi32>
        %add3A_423 = arith.addi %add3A_360, %add3A_422 : vector<16xi32>
        %gather3A_424 = tpu.vector_load_idx %arg10[%add3A_423] : memref<1280xf32, #tpu.memory_space<vmem>>[vector<16xi32>], vector<16xf32>,
        %broadcast_in_dim3A_425 = arith.constant 650 : i32
        %broadcast_in_dim3A_426 = vector.broadcast %broadcast_in_dim3A_425 : i32 to vector<16xi32>
        tpu.vector_store_idx %arg22[%add3A_354, %broadcast_in_dim3A_426], %gather3A_424 : memref<80x651xf32, #tpu.memory_space<vmem>>[vector<16xi32>, vector<16xi32>], vector<16xf32>,
        %add3A_427 = arith.constant 32 : i32
        %add3A_428 = vector.broadcast %add3A_427 : i32 to vector<16xi32>
        %add3A_429 = arith.addi %iota3A, %add3A_428 : vector<16xi32>
        %mul3A_430 = arith.constant 16 : i32
        %mul3A_431 = vector.broadcast %mul3A_430 : i32 to vector<16xi32>
        %mul3A_432 = arith.muli %iota3A, %mul3A_431 : vector<16xi32>
        %add3A_433 = arith.constant 512 : i32
        %add3A_434 = vector.broadcast %add3A_433 : i32 to vector<16xi32>
        %add3A_435 = arith.addi %mul3A_432, %add3A_434 : vector<16xi32>
        %add3A_436 = arith.constant 5 : i32
        %add3A_437 = vector.broadcast %add3A_436 : i32 to vector<16xi32>
        %add3A_438 = arith.addi %add3A_435, %add3A_437 : vector<16xi32>
        %gather3A_439 = tpu.vector_load_idx %arg10[%add3A_438] : memref<1280xf32, #tpu.memory_space<vmem>>[vector<16xi32>], vector<16xf32>,
        %broadcast_in_dim3A_440 = arith.constant 640 : i32
        %broadcast_in_dim3A_441 = vector.broadcast %broadcast_in_dim3A_440 : i32 to vector<16xi32>
        tpu.vector_store_idx %arg22[%add3A_429, %broadcast_in_dim3A_441], %gather3A_439 : memref<80x651xf32, #tpu.memory_space<vmem>>[vector<16xi32>, vector<16xi32>], vector<16xf32>,
        %add3A_442 = arith.constant 6 : i32
        %add3A_443 = vector.broadcast %add3A_442 : i32 to vector<16xi32>
        %add3A_444 = arith.addi %add3A_435, %add3A_443 : vector<16xi32>
        %gather3A_445 = tpu.vector_load_idx %arg10[%add3A_444] : memref<1280xf32, #tpu.memory_space<vmem>>[vector<16xi32>], vector<16xf32>,
        %broadcast_in_dim3A_446 = arith.constant 641 : i32
        %broadcast_in_dim3A_447 = vector.broadcast %broadcast_in_dim3A_446 : i32 to vector<16xi32>
        tpu.vector_store_idx %arg22[%add3A_429, %broadcast_in_dim3A_447], %gather3A_445 : memref<80x651xf32, #tpu.memory_space<vmem>>[vector<16xi32>, vector<16xi32>], vector<16xf32>,
        %add3A_448 = arith.constant 7 : i32
        %add3A_449 = vector.broadcast %add3A_448 : i32 to vector<16xi32>
        %add3A_450 = arith.addi %add3A_435, %add3A_449 : vector<16xi32>
        %gather3A_451 = tpu.vector_load_idx %arg10[%add3A_450] : memref<1280xf32, #tpu.memory_space<vmem>>[vector<16xi32>], vector<16xf32>,
        %broadcast_in_dim3A_452 = arith.constant 642 : i32
        %broadcast_in_dim3A_453 = vector.broadcast %broadcast_in_dim3A_452 : i32 to vector<16xi32>
        tpu.vector_store_idx %arg22[%add3A_429, %broadcast_in_dim3A_453], %gather3A_451 : memref<80x651xf32, #tpu.memory_space<vmem>>[vector<16xi32>, vector<16xi32>], vector<16xf32>,
        %add3A_454 = arith.constant 8 : i32
        %add3A_455 = vector.broadcast %add3A_454 : i32 to vector<16xi32>
        %add3A_456 = arith.addi %add3A_435, %add3A_455 : vector<16xi32>
        %gather3A_457 = tpu.vector_load_idx %arg10[%add3A_456] : memref<1280xf32, #tpu.memory_space<vmem>>[vector<16xi32>], vector<16xf32>,
        %broadcast_in_dim3A_458 = arith.constant 643 : i32
        %broadcast_in_dim3A_459 = vector.broadcast %broadcast_in_dim3A_458 : i32 to vector<16xi32>
        tpu.vector_store_idx %arg22[%add3A_429, %broadcast_in_dim3A_459], %gather3A_457 : memref<80x651xf32, #tpu.memory_space<vmem>>[vector<16xi32>, vector<16xi32>], vector<16xf32>,
        %add3A_460 = arith.constant 9 : i32
        %add3A_461 = vector.broadcast %add3A_460 : i32 to vector<16xi32>
        %add3A_462 = arith.addi %add3A_435, %add3A_461 : vector<16xi32>
        %gather3A_463 = tpu.vector_load_idx %arg10[%add3A_462] : memref<1280xf32, #tpu.memory_space<vmem>>[vector<16xi32>], vector<16xf32>,
        %broadcast_in_dim3A_464 = arith.constant 644 : i32
        %broadcast_in_dim3A_465 = vector.broadcast %broadcast_in_dim3A_464 : i32 to vector<16xi32>
        tpu.vector_store_idx %arg22[%add3A_429, %broadcast_in_dim3A_465], %gather3A_463 : memref<80x651xf32, #tpu.memory_space<vmem>>[vector<16xi32>, vector<16xi32>], vector<16xf32>,
        %add3A_466 = arith.constant 10 : i32
        %add3A_467 = vector.broadcast %add3A_466 : i32 to vector<16xi32>
        %add3A_468 = arith.addi %add3A_435, %add3A_467 : vector<16xi32>
        %gather3A_469 = tpu.vector_load_idx %arg10[%add3A_468] : memref<1280xf32, #tpu.memory_space<vmem>>[vector<16xi32>], vector<16xf32>,
        %broadcast_in_dim3A_470 = arith.constant 645 : i32
        %broadcast_in_dim3A_471 = vector.broadcast %broadcast_in_dim3A_470 : i32 to vector<16xi32>
        tpu.vector_store_idx %arg22[%add3A_429, %broadcast_in_dim3A_471], %gather3A_469 : memref<80x651xf32, #tpu.memory_space<vmem>>[vector<16xi32>, vector<16xi32>], vector<16xf32>,
        %add3A_472 = arith.constant 11 : i32
        %add3A_473 = vector.broadcast %add3A_472 : i32 to vector<16xi32>
        %add3A_474 = arith.addi %add3A_435, %add3A_473 : vector<16xi32>
        %gather3A_475 = tpu.vector_load_idx %arg10[%add3A_474] : memref<1280xf32, #tpu.memory_space<vmem>>[vector<16xi32>], vector<16xf32>,
        %broadcast_in_dim3A_476 = arith.constant 646 : i32
        %broadcast_in_dim3A_477 = vector.broadcast %broadcast_in_dim3A_476 : i32 to vector<16xi32>
        tpu.vector_store_idx %arg22[%add3A_429, %broadcast_in_dim3A_477], %gather3A_475 : memref<80x651xf32, #tpu.memory_space<vmem>>[vector<16xi32>, vector<16xi32>], vector<16xf32>,
        %add3A_478 = arith.constant 12 : i32
        %add3A_479 = vector.broadcast %add3A_478 : i32 to vector<16xi32>
        %add3A_480 = arith.addi %add3A_435, %add3A_479 : vector<16xi32>
        %gather3A_481 = tpu.vector_load_idx %arg10[%add3A_480] : memref<1280xf32, #tpu.memory_space<vmem>>[vector<16xi32>], vector<16xf32>,
        %broadcast_in_dim3A_482 = arith.constant 647 : i32
        %broadcast_in_dim3A_483 = vector.broadcast %broadcast_in_dim3A_482 : i32 to vector<16xi32>
        tpu.vector_store_idx %arg22[%add3A_429, %broadcast_in_dim3A_483], %gather3A_481 : memref<80x651xf32, #tpu.memory_space<vmem>>[vector<16xi32>, vector<16xi32>], vector<16xf32>,
        %add3A_484 = arith.constant 13 : i32
        %add3A_485 = vector.broadcast %add3A_484 : i32 to vector<16xi32>
        %add3A_486 = arith.addi %add3A_435, %add3A_485 : vector<16xi32>
        %gather3A_487 = tpu.vector_load_idx %arg10[%add3A_486] : memref<1280xf32, #tpu.memory_space<vmem>>[vector<16xi32>], vector<16xf32>,
        %broadcast_in_dim3A_488 = arith.constant 648 : i32
        %broadcast_in_dim3A_489 = vector.broadcast %broadcast_in_dim3A_488 : i32 to vector<16xi32>
        tpu.vector_store_idx %arg22[%add3A_429, %broadcast_in_dim3A_489], %gather3A_487 : memref<80x651xf32, #tpu.memory_space<vmem>>[vector<16xi32>, vector<16xi32>], vector<16xf32>,
        %add3A_490 = arith.constant 14 : i32
        %add3A_491 = vector.broadcast %add3A_490 : i32 to vector<16xi32>
        %add3A_492 = arith.addi %add3A_435, %add3A_491 : vector<16xi32>
        %gather3A_493 = tpu.vector_load_idx %arg10[%add3A_492] : memref<1280xf32, #tpu.memory_space<vmem>>[vector<16xi32>], vector<16xf32>,
        %broadcast_in_dim3A_494 = arith.constant 649 : i32
        %broadcast_in_dim3A_495 = vector.broadcast %broadcast_in_dim3A_494 : i32 to vector<16xi32>
        tpu.vector_store_idx %arg22[%add3A_429, %broadcast_in_dim3A_495], %gather3A_493 : memref<80x651xf32, #tpu.memory_space<vmem>>[vector<16xi32>, vector<16xi32>], vector<16xf32>,
        %add3A_496 = arith.constant 15 : i32
        %add3A_497 = vector.broadcast %add3A_496 : i32 to vector<16xi32>
        %add3A_498 = arith.addi %add3A_435, %add3A_497 : vector<16xi32>
        %gather3A_499 = tpu.vector_load_idx %arg10[%add3A_498] : memref<1280xf32, #tpu.memory_space<vmem>>[vector<16xi32>], vector<16xf32>,
        %broadcast_in_dim3A_500 = arith.constant 650 : i32
        %broadcast_in_dim3A_501 = vector.broadcast %broadcast_in_dim3A_500 : i32 to vector<16xi32>
        tpu.vector_store_idx %arg22[%add3A_429, %broadcast_in_dim3A_501], %gather3A_499 : memref<80x651xf32, #tpu.memory_space<vmem>>[vector<16xi32>, vector<16xi32>], vector<16xf32>,
        %add3A_502 = arith.constant 48 : i32
        %add3A_503 = vector.broadcast %add3A_502 : i32 to vector<16xi32>
        %add3A_504 = arith.addi %iota3A, %add3A_503 : vector<16xi32>
        %mul3A_505 = arith.constant 16 : i32
        %mul3A_506 = vector.broadcast %mul3A_505 : i32 to vector<16xi32>
        %mul3A_507 = arith.muli %iota3A, %mul3A_506 : vector<16xi32>
        %add3A_508 = arith.constant 768 : i32
        %add3A_509 = vector.broadcast %add3A_508 : i32 to vector<16xi32>
        %add3A_510 = arith.addi %mul3A_507, %add3A_509 : vector<16xi32>
        %add3A_511 = arith.constant 5 : i32
        %add3A_512 = vector.broadcast %add3A_511 : i32 to vector<16xi32>
        %add3A_513 = arith.addi %add3A_510, %add3A_512 : vector<16xi32>
        %gather3A_514 = tpu.vector_load_idx %arg10[%add3A_513] : memref<1280xf32, #tpu.memory_space<vmem>>[vector<16xi32>], vector<16xf32>,
        %broadcast_in_dim3A_515 = arith.constant 640 : i32
        %broadcast_in_dim3A_516 = vector.broadcast %broadcast_in_dim3A_515 : i32 to vector<16xi32>
        tpu.vector_store_idx %arg22[%add3A_504, %broadcast_in_dim3A_516], %gather3A_514 : memref<80x651xf32, #tpu.memory_space<vmem>>[vector<16xi32>, vector<16xi32>], vector<16xf32>,
        %add3A_517 = arith.constant 6 : i32
        %add3A_518 = vector.broadcast %add3A_517 : i32 to vector<16xi32>
        %add3A_519 = arith.addi %add3A_510, %add3A_518 : vector<16xi32>
        %gather3A_520 = tpu.vector_load_idx %arg10[%add3A_519] : memref<1280xf32, #tpu.memory_space<vmem>>[vector<16xi32>], vector<16xf32>,
        %broadcast_in_dim3A_521 = arith.constant 641 : i32
        %broadcast_in_dim3A_522 = vector.broadcast %broadcast_in_dim3A_521 : i32 to vector<16xi32>
        tpu.vector_store_idx %arg22[%add3A_504, %broadcast_in_dim3A_522], %gather3A_520 : memref<80x651xf32, #tpu.memory_space<vmem>>[vector<16xi32>, vector<16xi32>], vector<16xf32>,
        %add3A_523 = arith.constant 7 : i32
        %add3A_524 = vector.broadcast %add3A_523 : i32 to vector<16xi32>
        %add3A_525 = arith.addi %add3A_510, %add3A_524 : vector<16xi32>
        %gather3A_526 = tpu.vector_load_idx %arg10[%add3A_525] : memref<1280xf32, #tpu.memory_space<vmem>>[vector<16xi32>], vector<16xf32>,
        %broadcast_in_dim3A_527 = arith.constant 642 : i32
        %broadcast_in_dim3A_528 = vector.broadcast %broadcast_in_dim3A_527 : i32 to vector<16xi32>
        tpu.vector_store_idx %arg22[%add3A_504, %broadcast_in_dim3A_528], %gather3A_526 : memref<80x651xf32, #tpu.memory_space<vmem>>[vector<16xi32>, vector<16xi32>], vector<16xf32>,
        %add3A_529 = arith.constant 8 : i32
        %add3A_530 = vector.broadcast %add3A_529 : i32 to vector<16xi32>
        %add3A_531 = arith.addi %add3A_510, %add3A_530 : vector<16xi32>
        %gather3A_532 = tpu.vector_load_idx %arg10[%add3A_531] : memref<1280xf32, #tpu.memory_space<vmem>>[vector<16xi32>], vector<16xf32>,
        %broadcast_in_dim3A_533 = arith.constant 643 : i32
        %broadcast_in_dim3A_534 = vector.broadcast %broadcast_in_dim3A_533 : i32 to vector<16xi32>
        tpu.vector_store_idx %arg22[%add3A_504, %broadcast_in_dim3A_534], %gather3A_532 : memref<80x651xf32, #tpu.memory_space<vmem>>[vector<16xi32>, vector<16xi32>], vector<16xf32>,
        %add3A_535 = arith.constant 9 : i32
        %add3A_536 = vector.broadcast %add3A_535 : i32 to vector<16xi32>
        %add3A_537 = arith.addi %add3A_510, %add3A_536 : vector<16xi32>
        %gather3A_538 = tpu.vector_load_idx %arg10[%add3A_537] : memref<1280xf32, #tpu.memory_space<vmem>>[vector<16xi32>], vector<16xf32>,
        %broadcast_in_dim3A_539 = arith.constant 644 : i32
        %broadcast_in_dim3A_540 = vector.broadcast %broadcast_in_dim3A_539 : i32 to vector<16xi32>
        tpu.vector_store_idx %arg22[%add3A_504, %broadcast_in_dim3A_540], %gather3A_538 : memref<80x651xf32, #tpu.memory_space<vmem>>[vector<16xi32>, vector<16xi32>], vector<16xf32>,
        %add3A_541 = arith.constant 10 : i32
        %add3A_542 = vector.broadcast %add3A_541 : i32 to vector<16xi32>
        %add3A_543 = arith.addi %add3A_510, %add3A_542 : vector<16xi32>
        %gather3A_544 = tpu.vector_load_idx %arg10[%add3A_543] : memref<1280xf32, #tpu.memory_space<vmem>>[vector<16xi32>], vector<16xf32>,
        %broadcast_in_dim3A_545 = arith.constant 645 : i32
        %broadcast_in_dim3A_546 = vector.broadcast %broadcast_in_dim3A_545 : i32 to vector<16xi32>
        tpu.vector_store_idx %arg22[%add3A_504, %broadcast_in_dim3A_546], %gather3A_544 : memref<80x651xf32, #tpu.memory_space<vmem>>[vector<16xi32>, vector<16xi32>], vector<16xf32>,
        %add3A_547 = arith.constant 11 : i32
        %add3A_548 = vector.broadcast %add3A_547 : i32 to vector<16xi32>
        %add3A_549 = arith.addi %add3A_510, %add3A_548 : vector<16xi32>
        %gather3A_550 = tpu.vector_load_idx %arg10[%add3A_549] : memref<1280xf32, #tpu.memory_space<vmem>>[vector<16xi32>], vector<16xf32>,
        %broadcast_in_dim3A_551 = arith.constant 646 : i32
        %broadcast_in_dim3A_552 = vector.broadcast %broadcast_in_dim3A_551 : i32 to vector<16xi32>
        tpu.vector_store_idx %arg22[%add3A_504, %broadcast_in_dim3A_552], %gather3A_550 : memref<80x651xf32, #tpu.memory_space<vmem>>[vector<16xi32>, vector<16xi32>], vector<16xf32>,
        %add3A_553 = arith.constant 12 : i32
        %add3A_554 = vector.broadcast %add3A_553 : i32 to vector<16xi32>
        %add3A_555 = arith.addi %add3A_510, %add3A_554 : vector<16xi32>
        %gather3A_556 = tpu.vector_load_idx %arg10[%add3A_555] : memref<1280xf32, #tpu.memory_space<vmem>>[vector<16xi32>], vector<16xf32>,
        %broadcast_in_dim3A_557 = arith.constant 647 : i32
        %broadcast_in_dim3A_558 = vector.broadcast %broadcast_in_dim3A_557 : i32 to vector<16xi32>
        tpu.vector_store_idx %arg22[%add3A_504, %broadcast_in_dim3A_558], %gather3A_556 : memref<80x651xf32, #tpu.memory_space<vmem>>[vector<16xi32>, vector<16xi32>], vector<16xf32>,
        %add3A_559 = arith.constant 13 : i32
        %add3A_560 = vector.broadcast %add3A_559 : i32 to vector<16xi32>
        %add3A_561 = arith.addi %add3A_510, %add3A_560 : vector<16xi32>
        %gather3A_562 = tpu.vector_load_idx %arg10[%add3A_561] : memref<1280xf32, #tpu.memory_space<vmem>>[vector<16xi32>], vector<16xf32>,
        %broadcast_in_dim3A_563 = arith.constant 648 : i32
        %broadcast_in_dim3A_564 = vector.broadcast %broadcast_in_dim3A_563 : i32 to vector<16xi32>
        tpu.vector_store_idx %arg22[%add3A_504, %broadcast_in_dim3A_564], %gather3A_562 : memref<80x651xf32, #tpu.memory_space<vmem>>[vector<16xi32>, vector<16xi32>], vector<16xf32>,
        %add3A_565 = arith.constant 14 : i32
        %add3A_566 = vector.broadcast %add3A_565 : i32 to vector<16xi32>
        %add3A_567 = arith.addi %add3A_510, %add3A_566 : vector<16xi32>
        %gather3A_568 = tpu.vector_load_idx %arg10[%add3A_567] : memref<1280xf32, #tpu.memory_space<vmem>>[vector<16xi32>], vector<16xf32>,
        %broadcast_in_dim3A_569 = arith.constant 649 : i32
        %broadcast_in_dim3A_570 = vector.broadcast %broadcast_in_dim3A_569 : i32 to vector<16xi32>
        tpu.vector_store_idx %arg22[%add3A_504, %broadcast_in_dim3A_570], %gather3A_568 : memref<80x651xf32, #tpu.memory_space<vmem>>[vector<16xi32>, vector<16xi32>], vector<16xf32>,
        %add3A_571 = arith.constant 15 : i32
        %add3A_572 = vector.broadcast %add3A_571 : i32 to vector<16xi32>
        %add3A_573 = arith.addi %add3A_510, %add3A_572 : vector<16xi32>
        %gather3A_574 = tpu.vector_load_idx %arg10[%add3A_573] : memref<1280xf32, #tpu.memory_space<vmem>>[vector<16xi32>], vector<16xf32>,
        %broadcast_in_dim3A_575 = arith.constant 650 : i32
        %broadcast_in_dim3A_576 = vector.broadcast %broadcast_in_dim3A_575 : i32 to vector<16xi32>
        tpu.vector_store_idx %arg22[%add3A_504, %broadcast_in_dim3A_576], %gather3A_574 : memref<80x651xf32, #tpu.memory_space<vmem>>[vector<16xi32>, vector<16xi32>], vector<16xf32>,
        %add3A_577 = arith.constant 64 : i32
        %add3A_578 = vector.broadcast %add3A_577 : i32 to vector<16xi32>
        %add3A_579 = arith.addi %iota3A, %add3A_578 : vector<16xi32>
        %mul3A_580 = arith.constant 16 : i32
        %mul3A_581 = vector.broadcast %mul3A_580 : i32 to vector<16xi32>
        %mul3A_582 = arith.muli %iota3A, %mul3A_581 : vector<16xi32>
        %add3A_583 = arith.constant 1024 : i32
        %add3A_584 = vector.broadcast %add3A_583 : i32 to vector<16xi32>
        %add3A_585 = arith.addi %mul3A_582, %add3A_584 : vector<16xi32>
        %add3A_586 = arith.constant 5 : i32
        %add3A_587 = vector.broadcast %add3A_586 : i32 to vector<16xi32>
        %add3A_588 = arith.addi %add3A_585, %add3A_587 : vector<16xi32>
        %gather3A_589 = tpu.vector_load_idx %arg10[%add3A_588] : memref<1280xf32, #tpu.memory_space<vmem>>[vector<16xi32>], vector<16xf32>,
        %broadcast_in_dim3A_590 = arith.constant 640 : i32
        %broadcast_in_dim3A_591 = vector.broadcast %broadcast_in_dim3A_590 : i32 to vector<16xi32>
        tpu.vector_store_idx %arg22[%add3A_579, %broadcast_in_dim3A_591], %gather3A_589 : memref<80x651xf32, #tpu.memory_space<vmem>>[vector<16xi32>, vector<16xi32>], vector<16xf32>,
        %add3A_592 = arith.constant 6 : i32
        %add3A_593 = vector.broadcast %add3A_592 : i32 to vector<16xi32>
        %add3A_594 = arith.addi %add3A_585, %add3A_593 : vector<16xi32>
        %gather3A_595 = tpu.vector_load_idx %arg10[%add3A_594] : memref<1280xf32, #tpu.memory_space<vmem>>[vector<16xi32>], vector<16xf32>,
        %broadcast_in_dim3A_596 = arith.constant 641 : i32
        %broadcast_in_dim3A_597 = vector.broadcast %broadcast_in_dim3A_596 : i32 to vector<16xi32>
        tpu.vector_store_idx %arg22[%add3A_579, %broadcast_in_dim3A_597], %gather3A_595 : memref<80x651xf32, #tpu.memory_space<vmem>>[vector<16xi32>, vector<16xi32>], vector<16xf32>,
        %add3A_598 = arith.constant 7 : i32
        %add3A_599 = vector.broadcast %add3A_598 : i32 to vector<16xi32>
        %add3A_600 = arith.addi %add3A_585, %add3A_599 : vector<16xi32>
        %gather3A_601 = tpu.vector_load_idx %arg10[%add3A_600] : memref<1280xf32, #tpu.memory_space<vmem>>[vector<16xi32>], vector<16xf32>,
        %broadcast_in_dim3A_602 = arith.constant 642 : i32
        %broadcast_in_dim3A_603 = vector.broadcast %broadcast_in_dim3A_602 : i32 to vector<16xi32>
        tpu.vector_store_idx %arg22[%add3A_579, %broadcast_in_dim3A_603], %gather3A_601 : memref<80x651xf32, #tpu.memory_space<vmem>>[vector<16xi32>, vector<16xi32>], vector<16xf32>,
        %add3A_604 = arith.constant 8 : i32
        %add3A_605 = vector.broadcast %add3A_604 : i32 to vector<16xi32>
        %add3A_606 = arith.addi %add3A_585, %add3A_605 : vector<16xi32>
        %gather3A_607 = tpu.vector_load_idx %arg10[%add3A_606] : memref<1280xf32, #tpu.memory_space<vmem>>[vector<16xi32>], vector<16xf32>,
        %broadcast_in_dim3A_608 = arith.constant 643 : i32
        %broadcast_in_dim3A_609 = vector.broadcast %broadcast_in_dim3A_608 : i32 to vector<16xi32>
        tpu.vector_store_idx %arg22[%add3A_579, %broadcast_in_dim3A_609], %gather3A_607 : memref<80x651xf32, #tpu.memory_space<vmem>>[vector<16xi32>, vector<16xi32>], vector<16xf32>,
        %add3A_610 = arith.constant 9 : i32
        %add3A_611 = vector.broadcast %add3A_610 : i32 to vector<16xi32>
        %add3A_612 = arith.addi %add3A_585, %add3A_611 : vector<16xi32>
        %gather3A_613 = tpu.vector_load_idx %arg10[%add3A_612] : memref<1280xf32, #tpu.memory_space<vmem>>[vector<16xi32>], vector<16xf32>,
        %broadcast_in_dim3A_614 = arith.constant 644 : i32
        %broadcast_in_dim3A_615 = vector.broadcast %broadcast_in_dim3A_614 : i32 to vector<16xi32>
        tpu.vector_store_idx %arg22[%add3A_579, %broadcast_in_dim3A_615], %gather3A_613 : memref<80x651xf32, #tpu.memory_space<vmem>>[vector<16xi32>, vector<16xi32>], vector<16xf32>,
        %add3A_616 = arith.constant 10 : i32
        %add3A_617 = vector.broadcast %add3A_616 : i32 to vector<16xi32>
        %add3A_618 = arith.addi %add3A_585, %add3A_617 : vector<16xi32>
        %gather3A_619 = tpu.vector_load_idx %arg10[%add3A_618] : memref<1280xf32, #tpu.memory_space<vmem>>[vector<16xi32>], vector<16xf32>,
        %broadcast_in_dim3A_620 = arith.constant 645 : i32
        %broadcast_in_dim3A_621 = vector.broadcast %broadcast_in_dim3A_620 : i32 to vector<16xi32>
        tpu.vector_store_idx %arg22[%add3A_579, %broadcast_in_dim3A_621], %gather3A_619 : memref<80x651xf32, #tpu.memory_space<vmem>>[vector<16xi32>, vector<16xi32>], vector<16xf32>,
        %add3A_622 = arith.constant 11 : i32
        %add3A_623 = vector.broadcast %add3A_622 : i32 to vector<16xi32>
        %add3A_624 = arith.addi %add3A_585, %add3A_623 : vector<16xi32>
        %gather3A_625 = tpu.vector_load_idx %arg10[%add3A_624] : memref<1280xf32, #tpu.memory_space<vmem>>[vector<16xi32>], vector<16xf32>,
        %broadcast_in_dim3A_626 = arith.constant 646 : i32
        %broadcast_in_dim3A_627 = vector.broadcast %broadcast_in_dim3A_626 : i32 to vector<16xi32>
        tpu.vector_store_idx %arg22[%add3A_579, %broadcast_in_dim3A_627], %gather3A_625 : memref<80x651xf32, #tpu.memory_space<vmem>>[vector<16xi32>, vector<16xi32>], vector<16xf32>,
        %add3A_628 = arith.constant 12 : i32
        %add3A_629 = vector.broadcast %add3A_628 : i32 to vector<16xi32>
        %add3A_630 = arith.addi %add3A_585, %add3A_629 : vector<16xi32>
        %gather3A_631 = tpu.vector_load_idx %arg10[%add3A_630] : memref<1280xf32, #tpu.memory_space<vmem>>[vector<16xi32>], vector<16xf32>,
        %broadcast_in_dim3A_632 = arith.constant 647 : i32
        %broadcast_in_dim3A_633 = vector.broadcast %broadcast_in_dim3A_632 : i32 to vector<16xi32>
        tpu.vector_store_idx %arg22[%add3A_579, %broadcast_in_dim3A_633], %gather3A_631 : memref<80x651xf32, #tpu.memory_space<vmem>>[vector<16xi32>, vector<16xi32>], vector<16xf32>,
        %add3A_634 = arith.constant 13 : i32
        %add3A_635 = vector.broadcast %add3A_634 : i32 to vector<16xi32>
        %add3A_636 = arith.addi %add3A_585, %add3A_635 : vector<16xi32>
        %gather3A_637 = tpu.vector_load_idx %arg10[%add3A_636] : memref<1280xf32, #tpu.memory_space<vmem>>[vector<16xi32>], vector<16xf32>,
        %broadcast_in_dim3A_638 = arith.constant 648 : i32
        %broadcast_in_dim3A_639 = vector.broadcast %broadcast_in_dim3A_638 : i32 to vector<16xi32>
        tpu.vector_store_idx %arg22[%add3A_579, %broadcast_in_dim3A_639], %gather3A_637 : memref<80x651xf32, #tpu.memory_space<vmem>>[vector<16xi32>, vector<16xi32>], vector<16xf32>,
        %add3A_640 = arith.constant 14 : i32
        %add3A_641 = vector.broadcast %add3A_640 : i32 to vector<16xi32>
        %add3A_642 = arith.addi %add3A_585, %add3A_641 : vector<16xi32>
        %gather3A_643 = tpu.vector_load_idx %arg10[%add3A_642] : memref<1280xf32, #tpu.memory_space<vmem>>[vector<16xi32>], vector<16xf32>,
        %broadcast_in_dim3A_644 = arith.constant 649 : i32
        %broadcast_in_dim3A_645 = vector.broadcast %broadcast_in_dim3A_644 : i32 to vector<16xi32>
        tpu.vector_store_idx %arg22[%add3A_579, %broadcast_in_dim3A_645], %gather3A_643 : memref<80x651xf32, #tpu.memory_space<vmem>>[vector<16xi32>, vector<16xi32>], vector<16xf32>,
        %add3A_646 = arith.constant 15 : i32
        %add3A_647 = vector.broadcast %add3A_646 : i32 to vector<16xi32>
        %add3A_648 = arith.addi %add3A_585, %add3A_647 : vector<16xi32>
        %gather3A_649 = tpu.vector_load_idx %arg10[%add3A_648] : memref<1280xf32, #tpu.memory_space<vmem>>[vector<16xi32>], vector<16xf32>,
        %broadcast_in_dim3A_650 = arith.constant 650 : i32
        %broadcast_in_dim3A_651 = vector.broadcast %broadcast_in_dim3A_650 : i32 to vector<16xi32>
        tpu.vector_store_idx %arg22[%add3A_579, %broadcast_in_dim3A_651], %gather3A_649 : memref<80x651xf32, #tpu.memory_space<vmem>>[vector<16xi32>, vector<16xi32>], vector<16xf32>,
        %dma_start3A_652 = arith.constant 0 : i32
        %dma_start3A_653 = arith.constant 0 : i32
        %dma_start3A_654 = tpu.memref_slice %arg22[%dma_start3A_652, %dma_start3A_653] : memref<80x651xf32, #tpu.memory_space<vmem>> -> memref<80x128xf32, #tpu.memory_space<vmem>>
        %dma_start3A_655 = arith.constant 0 : i32
        %dma_start3A_656 = arith.constant 0 : i32
        %dma_start3A_657 = tpu.memref_slice %arg3[%dma_start3A_655, %dma_start3A_656] : memref<100x128xf32, #tpu.memory_space<hbm>> -> memref<100x128xf32, #tpu.memory_space<hbm>>
        tpu.enqueue_indirect_dma source(%dma_start3A_657 : memref<100x128xf32, #tpu.memory_space<hbm>>) target(%dma_start3A_654 : memref<80x128xf32, #tpu.memory_space<vmem>>) offsets(%arg16 : memref<80xi32, #tpu.memory_space<vmem>>) semaphore(%arg26 : memref<!tpu.dma_semaphore, #tpu.memory_space<semaphore_mem>>)
        %dma_start3A_658 = arith.constant 0 : i32
        %dma_start3A_659 = arith.constant 128 : i32
        %dma_start3A_660 = tpu.memref_slice %arg22[%dma_start3A_658, %dma_start3A_659] : memref<80x651xf32, #tpu.memory_space<vmem>> -> memref<80x128xf32, #tpu.memory_space<vmem>>
        %dma_start3A_661 = arith.constant 0 : i32
        %dma_start3A_662 = arith.constant 0 : i32
        %dma_start3A_663 = tpu.memref_slice %arg4[%dma_start3A_661, %dma_start3A_662] : memref<10x128xf32, #tpu.memory_space<hbm>> -> memref<10x128xf32, #tpu.memory_space<hbm>>
        tpu.enqueue_indirect_dma source(%dma_start3A_663 : memref<10x128xf32, #tpu.memory_space<hbm>>) target(%dma_start3A_660 : memref<80x128xf32, #tpu.memory_space<vmem>>) offsets(%arg17 : memref<80xi32, #tpu.memory_space<vmem>>) semaphore(%arg26 : memref<!tpu.dma_semaphore, #tpu.memory_space<semaphore_mem>>)
        %dma_start3A_664 = arith.constant 0 : i32
        %dma_start3A_665 = arith.constant 256 : i32
        %dma_start3A_666 = tpu.memref_slice %arg22[%dma_start3A_664, %dma_start3A_665] : memref<80x651xf32, #tpu.memory_space<vmem>> -> memref<80x128xf32, #tpu.memory_space<vmem>>
        %dma_start3A_667 = arith.constant 0 : i32
        %dma_start3A_668 = arith.constant 0 : i32
        %dma_start3A_669 = tpu.memref_slice %arg5[%dma_start3A_667, %dma_start3A_668] : memref<10x128xf32, #tpu.memory_space<hbm>> -> memref<10x128xf32, #tpu.memory_space<hbm>>
        tpu.enqueue_indirect_dma source(%dma_start3A_669 : memref<10x128xf32, #tpu.memory_space<hbm>>) target(%dma_start3A_666 : memref<80x128xf32, #tpu.memory_space<vmem>>) offsets(%arg18 : memref<80xi32, #tpu.memory_space<vmem>>) semaphore(%arg26 : memref<!tpu.dma_semaphore, #tpu.memory_space<semaphore_mem>>)
        %dma_start3A_670 = arith.constant 0 : i32
        %dma_start3A_671 = arith.constant 384 : i32
        %dma_start3A_672 = tpu.memref_slice %arg22[%dma_start3A_670, %dma_start3A_671] : memref<80x651xf32, #tpu.memory_space<vmem>> -> memref<80x128xf32, #tpu.memory_space<vmem>>
        %dma_start3A_673 = arith.constant 0 : i32
        %dma_start3A_674 = arith.constant 0 : i32
        %dma_start3A_675 = tpu.memref_slice %arg6[%dma_start3A_673, %dma_start3A_674] : memref<10x128xf32, #tpu.memory_space<hbm>> -> memref<10x128xf32, #tpu.memory_space<hbm>>
        tpu.enqueue_indirect_dma source(%dma_start3A_675 : memref<10x128xf32, #tpu.memory_space<hbm>>) target(%dma_start3A_672 : memref<80x128xf32, #tpu.memory_space<vmem>>) offsets(%arg19 : memref<80xi32, #tpu.memory_space<vmem>>) semaphore(%arg26 : memref<!tpu.dma_semaphore, #tpu.memory_space<semaphore_mem>>)
        %dma_start3A_676 = arith.constant 0 : i32
        %dma_start3A_677 = arith.constant 512 : i32
        %dma_start3A_678 = tpu.memref_slice %arg22[%dma_start3A_676, %dma_start3A_677] : memref<80x651xf32, #tpu.memory_space<vmem>> -> memref<80x128xf32, #tpu.memory_space<vmem>>
        %dma_start3A_679 = arith.constant 0 : i32
        %dma_start3A_680 = arith.constant 0 : i32
        %dma_start3A_681 = tpu.memref_slice %arg7[%dma_start3A_679, %dma_start3A_680] : memref<10x128xf32, #tpu.memory_space<hbm>> -> memref<10x128xf32, #tpu.memory_space<hbm>>
        tpu.enqueue_indirect_dma source(%dma_start3A_681 : memref<10x128xf32, #tpu.memory_space<hbm>>) target(%dma_start3A_678 : memref<80x128xf32, #tpu.memory_space<vmem>>) offsets(%arg20 : memref<80xi32, #tpu.memory_space<vmem>>) semaphore(%arg26 : memref<!tpu.dma_semaphore, #tpu.memory_space<semaphore_mem>>)
      } else {
      }
    }
    %scan3A_8 = arith.constant 21 : i32
    %mul3A_9 = arith.constant 80 : i32
    %mul3A_10 = arith.muli %add3A, %mul3A_9 : i32
    %dma_wait3A = arith.constant 0 : i32
    %dma_wait3A_11 = tpu.memref_slice %arg8[%mul3A_10, %dma_wait3A] : memref<100000x651xf32, #tpu.memory_space<hbm>> -> memref<80x651xf32, #tpu.memory_space<hbm>>
    %dma_wait3A_12 = arith.constant 0 : i32
    %dma_wait3A_13 = tpu.memref_slice %arg8[%mul3A_10, %dma_wait3A_12] : memref<100000x651xf32, #tpu.memory_space<hbm>> -> memref<80x651xf32, #tpu.memory_space<hbm>>
    tpu.wait_dma2 semaphore(%arg27 : memref<!tpu.dma_semaphore, #tpu.memory_space<semaphore_mem>>) src(%arg21 : memref<80x651xf32, #tpu.memory_space<vmem>>) dst(%dma_wait3A_13 : memref<80x651xf32, #tpu.memory_space<hbm>>)
    %mul3A_14 = arith.constant 80 : i32
    %mul3A_15 = arith.muli %add3A, %mul3A_14 : i32
    %dma_wait3A_16 = arith.constant 0 : i32
    %dma_wait3A_17 = tpu.memref_slice %arg8[%mul3A_15, %dma_wait3A_16] : memref<100000x651xf32, #tpu.memory_space<hbm>> -> memref<80x651xf32, #tpu.memory_space<hbm>>
    %dma_wait3A_18 = arith.constant 0 : i32
    %dma_wait3A_19 = tpu.memref_slice %arg8[%mul3A_15, %dma_wait3A_18] : memref<100000x651xf32, #tpu.memory_space<hbm>> -> memref<80x651xf32, #tpu.memory_space<hbm>>
    tpu.wait_dma2 semaphore(%arg28 : memref<!tpu.dma_semaphore, #tpu.memory_space<semaphore_mem>>) src(%arg22 : memref<80x651xf32, #tpu.memory_space<vmem>>) dst(%dma_wait3A_19 : memref<80x651xf32, #tpu.memory_space<hbm>>)
    return
  }
}

</mosaic_0001>

<sc_bundles>
// kernel: kernel.3.cloned.1.call-start
scs
__scs_entry_jumppad:
0x0: {  	(pc) =	sbr.rel $0x88, $3  }
0x1: {  	(tag) =	ssettag $0x0;
	lr =	simm.s32 $0x1  }
0x2: {  	[smem:$0x3F9B] =	sst lr;
	_ =	strace $0xD0000000  }
0x3: {  	_ = 	snop  }
0x4: {  	_ = 	snop  }
0x5: {  	_ = 	snop  }
0x6: {  	_ = 	snop  }
0x7: {  	_ = 	snop  }
__scs_overlays_trampoline_lowered:
0x8: {  	[smem:$0x3FAA] =	sst s0  }
0x9: {  	[smem:$0x3FAB] =	sst s1  }
0xa: {  	[smem:$0x3FAC] =	sst s2  }
0xb: {  	[smem:$0x3FAD] =	sst s3  }
0xc: {  	[smem:$0x3FAE] =	sst s4  }
0xd: {  	[smem:$0x3FAF] =	sst s5  }
0xe: {  	[smem:$0x3FB0] =	sst s6  }
0xf: {  	[smem:$0x3FB1] =	sst s7  }
0x10: {  	[smem:$0x3FB2] =	sst s8  }
0x11: {  	[smem:$0x3FB3] =	sst s9;
	s0 =	simm.s32 @!p0 $0x0  }
0x12: {  	s1 =	sld [smem:$0x3F99];
	s0 =	simm.s32 @p0 $0x1  }
0x13: {  	[smem:$0x3FB4] =	sst s0;
	s0 =	simm.s32 @!p1 $0x0  }
0x14: {  	s2 =	sld [smem:$0x3F98];
	s0 =	simm.s32 @p1 $0x1  }
0x15: {  	[smem:$0x3FB5] =	sst s0;
	s0 =	simm.s32 @!p2 $0x0  }
0x16: {  	s3 =	sld [smem:$0x3FDB];
	s0 =	simm.s32 @p2 $0x1  }
0x17: {  	s4 =	simm.s32 $0x1BF5;
	[smem:$0x3FB7] =	sst s0  }
0x18: {  	s0 =	sld [smem:$0x3F9A];
	_ =	swait.ge [sflag:s4], $0x0  }
0x19: {  	s7 =	sld [smem:$0x3F9B]  }
0x1a: {  	s8 =	sadd.s32 $0xFFFFE003, lr  }
0x1b: {  	s9 =	sadd.s32 $0xFFFFFEF7, lr;
	s5 =	simm.s32 $0xFFFFFFFF;
	p2 =	slt.u32 s8, $0xFFFFF086  }
0x1c: {  	p1 =	slt.u32 s9, $0xF7A;
	s5 =	simm.s32 @!p2 $0x0  }
0x1d: {  	s5 =	simm.s32 @p1 $0x1;
	p0 =	seq.s32 s7, s2  }
0x1e: {  	s7 =	smul.u32 @!p0 $0xF7A, s2;
	p2 =	seq.s32 @!p0 s5, $0x0  }
0x1f: {  	s9 =	smul.u32 $0xF7A, s1;
	s8 =	simm.s32 @!p0 $0x1BF5;
	p2 =	por !p2, p0  }
0x20: {  	[sflag:s8] =	ssyncset.s32 @!p0 $0xFFFFF086;
	s6 =	sadd.s32 @!p0 s3, s7;
	s7 =	simm.s32 @!p0 $0x108  }
0x21: {  	s3 =	sadd.s32 s3, s9;
	s6 =	sadd.s32 @!p0 $0x88, s6;
	s7 =	simm.s32 @p2 $0x1082  }
0x22: {  	[simem:s7], [sflag:s8] =	dma.local @!p0 [hbm:s6], $0xF7A  }
0x23: {  	s9 =	sor.u32 $0xD0000000, s2;
	s6 =	simm.s32 $0x108;
	_ =	swait.ge @!p0 [sflag:s8], $0x0  }
0x24: {  	s3 =	sadd.s32 $0x88, s3;
	s6 =	simm.s32 @!p1 $0x1082;
	[sflag:s4] =	ssyncset.s32 $0xFFFFF086  }
0x25: {  	[simem:s6], [sflag:s4] =	dma.local [hbm:s3], $0xF7A  }
0x26: {  	[smem:$0x3F9B] =	sst s1;
	(tag) =	ssettag s2;
	_ =	strace s9  }
0x27: {  	s1 =	sld [smem:$0x3FAB]  }
0x28: {  	s2 =	sld [smem:$0x3FAC]  }
0x29: {  	s4 =	sld [smem:$0x3FAE]  }
0x2a: {  	p0 =	seq.s32 s5, $0x0;
	s5 =	sld [smem:$0x3FAF]  }
0x2b: {  	s6 =	sld [smem:$0x3FB0]  }
0x2c: {  	s7 =	sld [smem:$0x3FB1]  }
0x2d: {  	s3 =	simm.s32 $0x108;
	s8 =	sld [smem:$0x3FB2]  }
0x2e: {  	s3 =	simm.s32 @!p0 $0x1082;
	s9 =	sld [smem:$0x3FB3]  }
0x2f: {  	lr =	sadd.s32 s0, s3;
	s0 =	sld [smem:$0x3FAA]  }
0x30: {  	s3 =	sld [smem:$0x3FAD]  }
0x31: {  	[smem:$0x3FB6] =	sst s10  }
0x32: {  	s10 =	sld [smem:$0x3FB4];
	_ =	sdelay $0x3  }
0x33: {  	p0 =	seq.s32 s10, $0x1;
	s10 =	sld [smem:$0x3FB6];
	_ =	sdelay $0x3  }
0x34: {  	[smem:$0x3FB6] =	sst s10  }
0x35: {  	s10 =	sld [smem:$0x3FB5];
	_ =	sdelay $0x3  }
0x36: {  	p1 =	seq.s32 s10, $0x1;
	s10 =	sld [smem:$0x3FB6];
	_ =	sdelay $0x3  }
0x37: {  	[smem:$0x3FB6] =	sst s10  }
0x38: {  	s10 =	sld [smem:$0x3FB7]  }
0x39: {  	_ = 	snop;
	(pc) =	sbr.ind lr, $3  }
0x3a: {  	_ = 	snop  }
0x3b: {  	_ = 	snop  }
0x3c: {  	p2 =	seq.s32 s10, $0x1;
	s10 =	sld [smem:$0x3FB6]  }
0x3d: {  	_ =	shalt  }
0x3e: {  	_ =	shalt  }
0x3f: {  	_ =	shalt  }
0x40: {  	_ =	shalt  }
0x41: {  	_ =	shalt  }
0x42: {  	_ =	shalt  }
0x43: {  	_ =	shalt  }
0x44: {  	_ =	shalt  }
0x45: {  	_ =	shalt  }
0x46: {  	_ =	shalt  }
0x47: {  	_ =	shalt  }
0x48: {  	_ =	shalt  }
0x49: {  	_ =	shalt  }
0x4a: {  	_ =	shalt  }
0x4b: {  	_ =	shalt  }
0x4c: {  	_ =	shalt  }
0x4d: {  	_ =	shalt  }
0x4e: {  	_ =	shalt  }
0x4f: {  	_ =	shalt  }
0x50: {  	_ =	shalt  }
0x51: {  	_ =	shalt  }
0x52: {  	_ =	shalt  }
0x53: {  	_ =	shalt  }
0x54: {  	_ =	shalt  }
0x55: {  	_ =	shalt  }
0x56: {  	_ =	shalt  }
0x57: {  	_ =	shalt  }
0x58: {  	_ =	shalt  }
0x59: {  	_ =	shalt  }
0x5a: {  	_ =	shalt  }
0x5b: {  	_ =	shalt  }
0x5c: {  	_ =	shalt  }
0x5d: {  	_ =	shalt  }
0x5e: {  	_ =	shalt  }
0x5f: {  	_ =	shalt  }
0x60: {  	_ =	shalt  }
0x61: {  	_ =	shalt  }
0x62: {  	_ =	shalt  }
0x63: {  	_ =	shalt  }
0x64: {  	_ =	shalt  }
0x65: {  	_ =	shalt  }
0x66: {  	_ =	shalt  }
0x67: {  	_ =	shalt  }
0x68: {  	_ =	shalt  }
0x69: {  	_ =	shalt  }
0x6a: {  	_ =	shalt  }
0x6b: {  	_ =	shalt  }
0x6c: {  	_ =	shalt  }
0x6d: {  	_ =	shalt  }
0x6e: {  	_ =	shalt  }
0x6f: {  	_ =	shalt  }
0x70: {  	_ =	shalt  }
0x71: {  	_ =	shalt  }
0x72: {  	_ =	shalt  }
0x73: {  	_ =	shalt  }
0x74: {  	_ =	shalt  }
0x75: {  	_ =	shalt  }
0x76: {  	_ =	shalt  }
0x77: {  	_ =	shalt  }
0x78: {  	_ =	shalt  }
0x79: {  	_ =	shalt  }
0x7a: {  	_ =	shalt  }
0x7b: {  	_ =	shalt  }
0x7c: {  	_ =	shalt  }
0x7d: {  	_ =	shalt  }
0x7e: {  	_ =	shalt  }
0x7f: {  	_ =	shalt  }
0x80: {  	_ =	shalt  }
0x81: {  	_ =	shalt  }
0x82: {  	_ =	shalt  }
0x83: {  	_ =	shalt  }
0x84: {  	_ =	shalt  }
0x85: {  	_ =	shalt  }
0x86: {  	_ =	shalt  }
0x87: {  	_ =	shalt  }
.Lfunc_end0:
.L_simem_size_0:
called_computation_lowered:
.L_overlay_start_0:
0x88: {  	s2 =	sld [smem:$0x3FD9]  }
0x89: {  	s3 =	sld [smem:$0x3FFE];
	_ =	sdelay $0x1  }
0x8a: {  	s1 =	srdreg.scid  }
0x8b: {  	s0 =	sand.u32 $0x1, s1  }
0x8c: {  	s17 =	sshll.u32 s0, $0xA;
	s2 =	sadd.s32 s3, s2  }
0x8d: {  	s2 =	sadd.s32 s2, s17  }
0x8e: {  	[smem:$0x3FC2] =	sst s2  }
0x8f: {  	_ = 	snop  }
0x90: {  	s2 =	sld [smem:$0x3FC8]  }
0x91: {  	s18 =	sld [smem:$0x3FC7]  }
0x92: {  	s4 =	sld [smem:$0x3FC6]  }
0x93: {  	s5 =	sld [smem:$0x3FC5]  }
0x94: {  	s6 =	sld [smem:$0x3FC4];
	(tm) =	ssettm $0x1  }
0x95: {  	s7 =	sld [smem:$0x3FFB];
	_ =	sdelay $0x3  }
0x96: {  	_ =	strace s7  }
0x97: {  	s7 =	sld [smem:$0x3FFC];
	_ =	sdelay $0x3  }
0x98: {  	_ =	strace s7  }
0x99: {  	s7 =	sld [smem:$0x3FFD];
	_ =	sdelay $0x3  }
0x9a: {  	_ =	strace s7  }
0x9b: {  	_ =	strace $0x8FFFFFFF  }
0x9c: {  	s19 =	sld [smem:$0x3FDB];
	_ =	sdelay $0x1  }
0x9d: {  	s8 =	simm.s32 $_scs_section_size  }
0x9e: {  	s9 =	simm.s32 $_size__tile_overlayer_lowered;
	s10 =	simm.s32 $_tile_overlayer_lowered  }
0x9f: {  	s22 =	simm.s32 $0x1BFF;
	s21 =	sshll.u32 s10, $0x1;
	s7 =	sadd.s32 s8, s19  }
0xa0: {  	s11 =	simm.s32 $0x0;
	s20 =	sshll.u32 s9, $0x1;
	s9 =	sadd.s32 s21, s7  }
0xa1: {  	[timem:s11], [sflag:s22] =	dma.local [hbm:s9], s20  }
0xa2: {  	_ =	swait.ge [sflag:s22], s20  }
0xa3: {  	s8 =	ssub.s32 $0x0, s20;
	[sflag:s22] =	ssyncset.done $0x0  }
0xa4: {  	[sflag:s22] =	ssyncadd.s32 s8;
	_ =	sdelay $0x1  }
0xa5: {  	s23 =	simm.s32 $0x1B8B  }
0xa6: {  	_ =	swait.ge [sflag:s23], $0x1  }
0xa7: {  	[sflag:s23] =	ssyncset.done $0x0  }
0xa8: {  	s25 =	simm.s32 $0x1B8E;
	s24 =	sld [smem:$0x3FFE];
	[sflag:s23] =	ssyncadd.s32 $0xFFFFFFFF  }
0xa9: {  	s26 =	simm.s32 $execute0_lowered;
	[smem:$0x3FD2] =	sst s25  }
0xaa: {  	s9 =	sshll.u32 s26, $0x1;
	_ =	strace $0x80000046;
	[dreg:$0x1] =	wrdreg $0xFFFFFFFF  }
0xab: {  	s28 =	simm.s32 $_size_execute0_lowered;
	s7 =	sadd.s32 s7, s9;
	[dreg:$0x0] =	wrdreg $0x0  }
0xac: {  	s9 =	sshll.u32 s28, $0x1;
	[dreg:$0x2] =	wrdreg s7  }
0xad: {  	[dreg:$0x3] =	wrdreg s9  }
0xae: {  	[dreg:$0x4] =	wrdreg $0xC0  }
0xaf: {  	_ =	task [dreg:s11], $0x5FFFF  }
0xb0: {  	[dreg:$0x1] =	wrdreg $0xFFFFFFFF  }
0xb1: {  	[dreg:$0x0] =	wrdreg $0x60  }
0xb2: {  	[dreg:$0x2] =	wrdreg s24  }
0xb3: {  	[dreg:$0x3] =	wrdreg s2  }
0xb4: {  	[dreg:$0x4] =	wrdreg s18  }
0xb5: {  	[dreg:$0x5] =	wrdreg s4  }
0xb6: {  	[dreg:$0x6] =	wrdreg s5  }
0xb7: {  	[dreg:$0x7] =	wrdreg s6  }
0xb8: {  	[dreg:$0x8] =	wrdreg $0x9  }
0xb9: {  	_ =	task.clear_ibuf [dreg:s11], $0x9FFFF;
	_ =	strace $0x90000046  }
0xba: {  	s29 =	simm.s32 $0x9;
	_ =	strace $0x80000048  }
0xbb: {  	_ =	swait.ge [sflag:s29], $0x1  }
0xbc: {  	[sflag:s29] =	ssyncadd.s32 $0xFFFFFFFF  }
0xbd: {  	_ =	strace $0x90000048  }
0xbe: {  	_ =	sfence  }
0xbf: {  	s30 =	sld [smem:$0x0];
	_ =	sdelay $0x2  }
0xc0: {  	s31 =	sshll.u32 s1, $0xD;
	s1 =	sshrl.u32 s1, $0x2  }
0xc1: {  	s3 =	sand.u32 $0x4000, s31;
	s1 =	sadd.s32 s1, s30  }
0xc2: {  	s0 =	sor.u32 s3, s0;
	s1 =	sshll.u32 s1, $0x11  }
0xc3: {  	s0 =	sor.u32 s1, s0  }
0xc4: {  	s0 =	sadd.s32 $0x8F2B, s0  }
0xc5: {  	[sflag:s0] =	ssyncadd.remote.s32 $0x1  }
0xc6: {  	_ =	sfence.sel $0xFFFF  }
0xc7: {  	[dreg:$0x0] =	wrdreg $0xFFFFFFFF;
	(pc) =	sbr.abs _section_cstart, $3  }
0xc8: {  	[dreg:$0x1] =	wrdreg $0xFFFFFFFF  }
0xc9: {  	_ =	task.clear_ibuf [dreg:s11], $0x2FFFF;
	_ =	strace $0x9FFFFFFF  }
0xca: {  	(tm) =	ssettm $0x7FFFFFFF  }
0xcb: {  	_ =	shalt  }
tec
execute0_lowered:
.L_overlay_start_1:
0x0: {  	(tag) =	ssettag $0x1  }
0x1: {  	v0 =	vimm.s32 $0x2F80;
	vm14 =	vcmask $0x300  }
0x2: {  	vm13 =	vcmask $0x704;
	v0 =	vsel vm14, $0x1400, v0  }
0x3: {  	vm12 =	vcmask $0xB08;
	v0 =	vsel vm13, $0x1480, v0  }
0x4: {  	vm11 =	vcmask $0xF0C;
	v0 =	vsel vm12, $0x1500, v0  }
0x5: {  	vm10 =	vcmask $0x1310;
	v0 =	vsel vm11, $0x1580, v0  }
0x6: {  	vm9 =	vcmask $0x1714;
	v1 =	vsel vm10, $0x1600, v0  }
0x7: {  	vm8 =	vcmask $0x1B18;
	v2 =	vsel vm9, $0x1680, v1  }
0x8: {  	vm7 =	vcmask $0x1F1C;
	v0 =	vlaneseq.u32;
	v2 =	vsel vm8, $0x1700, v2  }
0x9: {  	vm6 =	vcmask $0x2320;
	v1 =	vmul.u32 $0x10, v0;
	v2 =	vsel vm7, $0x1780, v2  }
0xa: {  	vm5 =	vcmask $0x2724;
	v2 =	vsel vm6, $0x2C00, v2  }
0xb: {  	vm4 =	vcmask $0x2B28;
	v3 =	vor.u32 $0x1, v1;
	v2 =	vsel vm5, $0x2C80, v2  }
0xc: {  	vm3 =	vcmask $0x2F2C;
	[tilespmem:$0x1FD60] =	vst v3;
	v3 =	vor.u32 $0x2, v1;
	v2 =	vsel vm4, $0x2D00, v2  }
0xd: {  	vm2 =	vcmask $0x3330;
	[tilespmem:$0x1FD70] =	vst v3;
	v3 =	vor.u32 $0x3, v1;
	v2 =	vsel vm3, $0x2D80, v2  }
0xe: {  	vm1 =	vcmask $0x3734;
	[tilespmem:$0x1FD80] =	vst v3;
	v3 =	vor.u32 $0x4, v1;
	v2 =	vsel vm2, $0x2E00, v2  }
0xf: {  	vm0 =	vcmask $0x3B38;
	[tilespmem:$0x1FD90] =	vst v3;
	v3 =	vor.u32 $0x100, v1;
	v2 =	vsel vm1, $0x2E80, v2  }
0x10: {  	[tilespmem:$0x1FDA0] =	vst v3;
	v2 =	vsel vm0, $0x2F00, v2  }
0x11: {  	v3 =	vor.u32 $0x101, v1;
	[tilespmem:$0x1FDD0] =	vst v2;
	v2 =	vimm.s32 $0x2F81  }
0x12: {  	[tilespmem:$0x1FDB0] =	vst v3;
	v3 =	vor.u32 $0x102, v1;
	v2 =	vsel vm14, $0x1401, v2  }
0x13: {  	[tilespmem:$0x1FDC0] =	vst v3;
	v3 =	vimm.s32 $0x2F82;
	v2 =	vsel vm13, $0x1481, v2  }
0x14: {  	v4 =	vimm.s32 $0x2F83;
	v3 =	vsel vm14, $0x1402, v3;
	v2 =	vsel vm12, $0x1501, v2  }
0x15: {  	v4 =	vsel vm14, $0x1403, v4;
	v3 =	vsel vm13, $0x1482, v3;
	v2 =	vsel vm11, $0x1581, v2  }
0x16: {  	v4 =	vsel vm13, $0x1483, v4;
	v3 =	vsel vm12, $0x1502, v3;
	v2 =	vsel vm10, $0x1601, v2  }
0x17: {  	v4 =	vsel vm12, $0x1503, v4;
	v3 =	vsel vm11, $0x1582, v3;
	v2 =	vsel vm9, $0x1681, v2  }
0x18: {  	v4 =	vsel vm11, $0x1583, v4;
	v3 =	vsel vm10, $0x1602, v3;
	v2 =	vsel vm8, $0x1701, v2  }
0x19: {  	v4 =	vsel vm10, $0x1603, v4;
	v3 =	vsel vm9, $0x1682, v3;
	v2 =	vsel vm7, $0x1781, v2  }
0x1a: {  	v4 =	vsel vm9, $0x1683, v4;
	v3 =	vsel vm8, $0x1702, v3;
	v2 =	vsel vm6, $0x2C01, v2  }
0x1b: {  	v4 =	vsel vm8, $0x1703, v4;
	v3 =	vsel vm7, $0x1782, v3;
	v2 =	vsel vm5, $0x2C81, v2  }
0x1c: {  	v4 =	vsel vm7, $0x1783, v4;
	v3 =	vsel vm6, $0x2C02, v3;
	v2 =	vsel vm4, $0x2D01, v2  }
0x1d: {  	v4 =	vsel vm6, $0x2C03, v4;
	v3 =	vsel vm5, $0x2C82, v3;
	v2 =	vsel vm3, $0x2D81, v2  }
0x1e: {  	v4 =	vsel vm5, $0x2C83, v4;
	v3 =	vsel vm4, $0x2D02, v3;
	v2 =	vsel vm2, $0x2E01, v2  }
0x1f: {  	v4 =	vsel vm4, $0x2D03, v4;
	v3 =	vsel vm3, $0x2D82, v3;
	v2 =	vsel vm1, $0x2E81, v2  }
0x20: {  	v4 =	vsel vm3, $0x2D83, v4;
	v3 =	vsel vm2, $0x2E02, v3;
	v2 =	vsel vm0, $0x2F01, v2  }
0x21: {  	v4 =	vsel vm2, $0x2E03, v4;
	[tilespmem:$0x1FDE0] =	vst v2;
	v2 =	vsel vm1, $0x2E82, v3  }
0x22: {  	v3 =	vsel vm1, $0x2E83, v4;
	v2 =	vsel vm0, $0x2F02, v2  }
0x23: {  	[tilespmem:$0x1FDF0] =	vst v2;
	v2 =	vsel vm0, $0x2F03, v3  }
0x24: {  	[tilespmem:$0x1FE00] =	vst v2;
	v2 =	vimm.s32 $0x2F84  }
0x25: {  	v2 =	vsel vm14, $0x1404, v2  }
0x26: {  	v3 =	vimm.s32 $0x2F85;
	v2 =	vsel vm13, $0x1484, v2  }
0x27: {  	v4 =	vimm.s32 $0x2F86;
	v3 =	vsel vm14, $0x1405, v3;
	v2 =	vsel vm12, $0x1504, v2  }
0x28: {  	v4 =	vsel vm14, $0x1406, v4;
	v3 =	vsel vm13, $0x1485, v3;
	v2 =	vsel vm11, $0x1584, v2  }
0x29: {  	v4 =	vsel vm13, $0x1486, v4;
	v3 =	vsel vm12, $0x1505, v3;
	v2 =	vsel vm10, $0x1604, v2  }
0x2a: {  	v4 =	vsel vm12, $0x1506, v4;
	v3 =	vsel vm11, $0x1585, v3;
	v2 =	vsel vm9, $0x1684, v2  }
0x2b: {  	v4 =	vsel vm11, $0x1586, v4;
	v3 =	vsel vm10, $0x1605, v3;
	v2 =	vsel vm8, $0x1704, v2  }
0x2c: {  	v4 =	vsel vm10, $0x1606, v4;
	v3 =	vsel vm9, $0x1685, v3;
	v2 =	vsel vm7, $0x1784, v2  }
0x2d: {  	v4 =	vsel vm9, $0x1686, v4;
	v3 =	vsel vm8, $0x1705, v3;
	v2 =	vsel vm6, $0x2C04, v2  }
0x2e: {  	v4 =	vsel vm8, $0x1706, v4;
	v3 =	vsel vm7, $0x1785, v3;
	v2 =	vsel vm5, $0x2C84, v2  }
0x2f: {  	v4 =	vsel vm7, $0x1786, v4;
	v3 =	vsel vm6, $0x2C05, v3;
	v2 =	vsel vm4, $0x2D04, v2  }
0x30: {  	v4 =	vsel vm6, $0x2C06, v4;
	v3 =	vsel vm5, $0x2C85, v3;
	v2 =	vsel vm3, $0x2D84, v2  }
0x31: {  	v4 =	vsel vm5, $0x2C86, v4;
	v3 =	vsel vm4, $0x2D05, v3;
	v2 =	vsel vm2, $0x2E04, v2  }
0x32: {  	v4 =	vsel vm4, $0x2D06, v4;
	v3 =	vsel vm3, $0x2D85, v3;
	v2 =	vsel vm1, $0x2E84, v2  }
0x33: {  	v4 =	vsel vm3, $0x2D86, v4;
	v3 =	vsel vm2, $0x2E05, v3;
	v2 =	vsel vm0, $0x2F04, v2  }
0x34: {  	v4 =	vsel vm2, $0x2E06, v4;
	[tilespmem:$0x1FE10] =	vst v2;
	v2 =	vsel vm1, $0x2E85, v3  }
0x35: {  	v3 =	vsel vm1, $0x2E86, v4;
	v2 =	vsel vm0, $0x2F05, v2  }
0x36: {  	[tilespmem:$0x1FE20] =	vst v2;
	v2 =	vsel vm0, $0x2F06, v3  }
0x37: {  	[tilespmem:$0x1FE30] =	vst v2;
	v2 =	vimm.s32 $0x2F87  }
0x38: {  	v2 =	vsel vm14, $0x1407, v2  }
0x39: {  	v3 =	vimm.s32 $0x2F88;
	v2 =	vsel vm13, $0x1487, v2  }
0x3a: {  	v4 =	vimm.s32 $0x2F89;
	v3 =	vsel vm14, $0x1408, v3;
	v2 =	vsel vm12, $0x1507, v2  }
0x3b: {  	v4 =	vsel vm14, $0x1409, v4;
	v3 =	vsel vm13, $0x1488, v3;
	v2 =	vsel vm11, $0x1587, v2  }
0x3c: {  	v4 =	vsel vm13, $0x1489, v4;
	v3 =	vsel vm12, $0x1508, v3;
	v2 =	vsel vm10, $0x1607, v2  }
0x3d: {  	v4 =	vsel vm12, $0x1509, v4;
	v3 =	vsel vm11, $0x1588, v3;
	v2 =	vsel vm9, $0x1687, v2  }
0x3e: {  	v4 =	vsel vm11, $0x1589, v4;
	v3 =	vsel vm10, $0x1608, v3;
	v2 =	vsel vm8, $0x1707, v2  }
0x3f: {  	v4 =	vsel vm10, $0x1609, v4;
	v3 =	vsel vm9, $0x1688, v3;
	v2 =	vsel vm7, $0x1787, v2  }
0x40: {  	v4 =	vsel vm9, $0x1689, v4;
	v3 =	vsel vm8, $0x1708, v3;
	v2 =	vsel vm6, $0x2C07, v2  }
0x41: {  	v4 =	vsel vm8, $0x1709, v4;
	v3 =	vsel vm7, $0x1788, v3;
	v2 =	vsel vm5, $0x2C87, v2  }
0x42: {  	v4 =	vsel vm7, $0x1789, v4;
	v3 =	vsel vm6, $0x2C08, v3;
	v2 =	vsel vm4, $0x2D07, v2  }
0x43: {  	v4 =	vsel vm6, $0x2C09, v4;
	v3 =	vsel vm5, $0x2C88, v3;
	v2 =	vsel vm3, $0x2D87, v2  }
0x44: {  	v4 =	vsel vm5, $0x2C89, v4;
	v3 =	vsel vm4, $0x2D08, v3;
	v2 =	vsel vm2, $0x2E07, v2  }
0x45: {  	v4 =	vsel vm4, $0x2D09, v4;
	v3 =	vsel vm3, $0x2D88, v3;
	v2 =	vsel vm1, $0x2E87, v2  }
0x46: {  	v4 =	vsel vm3, $0x2D89, v4;
	v3 =	vsel vm2, $0x2E08, v3;
	v2 =	vsel vm0, $0x2F07, v2  }
0x47: {  	v4 =	vsel vm2, $0x2E09, v4;
	[tilespmem:$0x1FE40] =	vst v2;
	v2 =	vsel vm1, $0x2E88, v3  }
0x48: {  	v3 =	vsel vm1, $0x2E89, v4;
	v2 =	vsel vm0, $0x2F08, v2  }
0x49: {  	[tilespmem:$0x1FE50] =	vst v2;
	v2 =	vsel vm0, $0x2F09, v3  }
0x4a: {  	[tilespmem:$0x1FE60] =	vst v2;
	v2 =	vimm.s32 $0x2F8A  }
0x4b: {  	v2 =	vsel vm14, $0x140A, v2  }
0x4c: {  	v3 =	vimm.s32 $0x5F80;
	v2 =	vsel vm13, $0x148A, v2  }
0x4d: {  	v4 =	vimm.s32 $0x5F81;
	v3 =	vsel vm14, $0x4400, v3;
	v2 =	vsel vm12, $0x150A, v2  }
0x4e: {  	v4 =	vsel vm14, $0x4401, v4;
	v3 =	vsel vm13, $0x4480, v3;
	v2 =	vsel vm11, $0x158A, v2  }
0x4f: {  	v4 =	vsel vm13, $0x4481, v4;
	v3 =	vsel vm12, $0x4500, v3;
	v2 =	vsel vm10, $0x160A, v2  }
0x50: {  	v4 =	vsel vm12, $0x4501, v4;
	v3 =	vsel vm11, $0x4580, v3;
	v2 =	vsel vm9, $0x168A, v2  }
0x51: {  	v4 =	vsel vm11, $0x4581, v4;
	v3 =	vsel vm10, $0x4600, v3;
	v2 =	vsel vm8, $0x170A, v2  }
0x52: {  	v4 =	vsel vm10, $0x4601, v4;
	v3 =	vsel vm9, $0x4680, v3;
	v2 =	vsel vm7, $0x178A, v2  }
0x53: {  	v4 =	vsel vm9, $0x4681, v4;
	v3 =	vsel vm8, $0x4700, v3;
	v2 =	vsel vm6, $0x2C0A, v2  }
0x54: {  	v4 =	vsel vm8, $0x4701, v4;
	v3 =	vsel vm7, $0x4780, v3;
	v2 =	vsel vm5, $0x2C8A, v2  }
0x55: {  	v4 =	vsel vm7, $0x4781, v4;
	v3 =	vsel vm6, $0x5C00, v3;
	v2 =	vsel vm4, $0x2D0A, v2  }
0x56: {  	v4 =	vsel vm6, $0x5C01, v4;
	v3 =	vsel vm5, $0x5C80, v3;
	v2 =	vsel vm3, $0x2D8A, v2  }
0x57: {  	v4 =	vsel vm5, $0x5C81, v4;
	v3 =	vsel vm4, $0x5D00, v3;
	v2 =	vsel vm2, $0x2E0A, v2  }
0x58: {  	v4 =	vsel vm4, $0x5D01, v4;
	v3 =	vsel vm3, $0x5D80, v3;
	v2 =	vsel vm1, $0x2E8A, v2  }
0x59: {  	v4 =	vsel vm3, $0x5D81, v4;
	v3 =	vsel vm2, $0x5E00, v3;
	v2 =	vsel vm0, $0x2F0A, v2  }
0x5a: {  	v4 =	vsel vm2, $0x5E01, v4;
	[tilespmem:$0x1FE70] =	vst v2;
	v2 =	vsel vm1, $0x5E80, v3  }
0x5b: {  	v3 =	vsel vm1, $0x5E81, v4;
	v2 =	vsel vm0, $0x5F00, v2  }
0x5c: {  	[tilespmem:$0x1FE80] =	vst v2;
	v2 =	vsel vm0, $0x5F01, v3  }
0x5d: {  	[tilespmem:$0x1FE90] =	vst v2;
	v2 =	vimm.s32 $0x5F82  }
0x5e: {  	v2 =	vsel vm14, $0x4402, v2  }
0x5f: {  	v3 =	vimm.s32 $0x5F83;
	v2 =	vsel vm13, $0x4482, v2  }
0x60: {  	v4 =	vimm.s32 $0x5F84;
	v3 =	vsel vm14, $0x4403, v3;
	v2 =	vsel vm12, $0x4502, v2  }
0x61: {  	v4 =	vsel vm14, $0x4404, v4;
	v3 =	vsel vm13, $0x4483, v3;
	v2 =	vsel vm11, $0x4582, v2  }
0x62: {  	v4 =	vsel vm13, $0x4484, v4;
	v3 =	vsel vm12, $0x4503, v3;
	v2 =	vsel vm10, $0x4602, v2  }
0x63: {  	v4 =	vsel vm12, $0x4504, v4;
	v3 =	vsel vm11, $0x4583, v3;
	v2 =	vsel vm9, $0x4682, v2  }
0x64: {  	v4 =	vsel vm11, $0x4584, v4;
	v3 =	vsel vm10, $0x4603, v3;
	v2 =	vsel vm8, $0x4702, v2  }
0x65: {  	v4 =	vsel vm10, $0x4604, v4;
	v3 =	vsel vm9, $0x4683, v3;
	v2 =	vsel vm7, $0x4782, v2  }
0x66: {  	v4 =	vsel vm9, $0x4684, v4;
	v3 =	vsel vm8, $0x4703, v3;
	v2 =	vsel vm6, $0x5C02, v2  }
0x67: {  	v4 =	vsel vm8, $0x4704, v4;
	v3 =	vsel vm7, $0x4783, v3;
	v2 =	vsel vm5, $0x5C82, v2  }
0x68: {  	v4 =	vsel vm7, $0x4784, v4;
	v3 =	vsel vm6, $0x5C03, v3;
	v2 =	vsel vm4, $0x5D02, v2  }
0x69: {  	v4 =	vsel vm6, $0x5C04, v4;
	v3 =	vsel vm5, $0x5C83, v3;
	v2 =	vsel vm3, $0x5D82, v2  }
0x6a: {  	v4 =	vsel vm5, $0x5C84, v4;
	v3 =	vsel vm4, $0x5D03, v3;
	v2 =	vsel vm2, $0x5E02, v2  }
0x6b: {  	v4 =	vsel vm4, $0x5D04, v4;
	v3 =	vsel vm3, $0x5D83, v3;
	v2 =	vsel vm1, $0x5E82, v2  }
0x6c: {  	v4 =	vsel vm3, $0x5D84, v4;
	v3 =	vsel vm2, $0x5E03, v3;
	v2 =	vsel vm0, $0x5F02, v2  }
0x6d: {  	v4 =	vsel vm2, $0x5E04, v4;
	[tilespmem:$0x1FEA0] =	vst v2;
	v2 =	vsel vm1, $0x5E83, v3  }
0x6e: {  	v3 =	vsel vm1, $0x5E84, v4;
	v2 =	vsel vm0, $0x5F03, v2  }
0x6f: {  	[tilespmem:$0x1FEB0] =	vst v2;
	v2 =	vsel vm0, $0x5F04, v3  }
0x70: {  	[tilespmem:$0x1FEC0] =	vst v2;
	v2 =	vimm.s32 $0x5F85  }
0x71: {  	v2 =	vsel vm14, $0x4405, v2  }
0x72: {  	v3 =	vimm.s32 $0x5F86;
	v2 =	vsel vm13, $0x4485, v2  }
0x73: {  	v4 =	vimm.s32 $0x5F87;
	v3 =	vsel vm14, $0x4406, v3;
	v2 =	vsel vm12, $0x4505, v2  }
0x74: {  	v4 =	vsel vm14, $0x4407, v4;
	v3 =	vsel vm13, $0x4486, v3;
	v2 =	vsel vm11, $0x4585, v2  }
0x75: {  	v4 =	vsel vm13, $0x4487, v4;
	v3 =	vsel vm12, $0x4506, v3;
	v2 =	vsel vm10, $0x4605, v2  }
0x76: {  	v4 =	vsel vm12, $0x4507, v4;
	v3 =	vsel vm11, $0x4586, v3;
	v2 =	vsel vm9, $0x4685, v2  }
0x77: {  	v4 =	vsel vm11, $0x4587, v4;
	v3 =	vsel vm10, $0x4606, v3;
	v2 =	vsel vm8, $0x4705, v2  }
0x78: {  	v4 =	vsel vm10, $0x4607, v4;
	v3 =	vsel vm9, $0x4686, v3;
	v2 =	vsel vm7, $0x4785, v2  }
0x79: {  	v4 =	vsel vm9, $0x4687, v4;
	v3 =	vsel vm8, $0x4706, v3;
	v2 =	vsel vm6, $0x5C05, v2  }
0x7a: {  	v4 =	vsel vm8, $0x4707, v4;
	v3 =	vsel vm7, $0x4786, v3;
	v2 =	vsel vm5, $0x5C85, v2  }
0x7b: {  	v4 =	vsel vm7, $0x4787, v4;
	v3 =	vsel vm6, $0x5C06, v3;
	v2 =	vsel vm4, $0x5D05, v2  }
0x7c: {  	v4 =	vsel vm6, $0x5C07, v4;
	v3 =	vsel vm5, $0x5C86, v3;
	v2 =	vsel vm3, $0x5D85, v2  }
0x7d: {  	v4 =	vsel vm5, $0x5C87, v4;
	v3 =	vsel vm4, $0x5D06, v3;
	v2 =	vsel vm2, $0x5E05, v2  }
0x7e: {  	v4 =	vsel vm4, $0x5D07, v4;
	v3 =	vsel vm3, $0x5D86, v3;
	v2 =	vsel vm1, $0x5E85, v2  }
0x7f: {  	v4 =	vsel vm3, $0x5D87, v4;
	v3 =	vsel vm2, $0x5E06, v3;
	v2 =	vsel vm0, $0x5F05, v2  }
0x80: {  	v4 =	vsel vm2, $0x5E07, v4;
	[tilespmem:$0x1FED0] =	vst v2;
	v2 =	vsel vm1, $0x5E86, v3  }
0x81: {  	v3 =	vsel vm1, $0x5E87, v4;
	v2 =	vsel vm0, $0x5F06, v2  }
0x82: {  	[tilespmem:$0x1FEE0] =	vst v2;
	v2 =	vsel vm0, $0x5F07, v3  }
0x83: {  	[tilespmem:$0x1FEF0] =	vst v2;
	v2 =	vimm.s32 $0x5F88  }
0x84: {  	v2 =	vsel vm14, $0x4408, v2  }
0x85: {  	v3 =	vimm.s32 $0x5F89;
	v2 =	vsel vm13, $0x4488, v2  }
0x86: {  	v4 =	vimm.s32 $0x5F8A;
	v3 =	vsel vm14, $0x4409, v3;
	v2 =	vsel vm12, $0x4508, v2  }
0x87: {  	v4 =	vsel vm14, $0x440A, v4;
	v3 =	vsel vm13, $0x4489, v3;
	v2 =	vsel vm11, $0x4588, v2  }
0x88: {  	v4 =	vsel vm13, $0x448A, v4;
	v3 =	vsel vm12, $0x4509, v3;
	v2 =	vsel vm10, $0x4608, v2  }
0x89: {  	v4 =	vsel vm12, $0x450A, v4;
	v3 =	vsel vm11, $0x4589, v3;
	v2 =	vsel vm9, $0x4688, v2  }
0x8a: {  	v4 =	vsel vm11, $0x458A, v4;
	v3 =	vsel vm10, $0x4609, v3;
	v2 =	vsel vm8, $0x4708, v2  }
0x8b: {  	v4 =	vsel vm10, $0x460A, v4;
	v3 =	vsel vm9, $0x4689, v3;
	v2 =	vsel vm7, $0x4788, v2  }
0x8c: {  	v4 =	vsel vm9, $0x468A, v4;
	v3 =	vsel vm8, $0x4709, v3;
	v2 =	vsel vm6, $0x5C08, v2  }
0x8d: {  	v4 =	vsel vm8, $0x470A, v4;
	v3 =	vsel vm7, $0x4789, v3;
	v2 =	vsel vm5, $0x5C88, v2  }
0x8e: {  	v4 =	vsel vm7, $0x478A, v4;
	v3 =	vsel vm6, $0x5C09, v3;
	v2 =	vsel vm4, $0x5D08, v2  }
0x8f: {  	v4 =	vsel vm6, $0x5C0A, v4;
	v3 =	vsel vm5, $0x5C89, v3;
	v2 =	vsel vm3, $0x5D88, v2  }
0x90: {  	v4 =	vsel vm5, $0x5C8A, v4;
	v3 =	vsel vm4, $0x5D09, v3;
	v2 =	vsel vm2, $0x5E08, v2  }
0x91: {  	v4 =	vsel vm4, $0x5D0A, v4;
	v3 =	vsel vm3, $0x5D89, v3;
	v2 =	vsel vm1, $0x5E88, v2  }
0x92: {  	v4 =	vsel vm3, $0x5D8A, v4;
	v3 =	vsel vm2, $0x5E09, v3;
	v2 =	vsel vm0, $0x5F08, v2  }
0x93: {  	v4 =	vsel vm2, $0x5E0A, v4;
	[tilespmem:$0x1FF00] =	vst v2;
	v2 =	vsel vm1, $0x5E89, v3  }
0x94: {  	v3 =	vsel vm1, $0x5E8A, v4;
	v2 =	vsel vm0, $0x5F09, v2  }
0x95: {  	[tilespmem:$0x1FF10] =	vst v2;
	v2 =	vsel vm0, $0x5F0A, v3  }
0x96: {  	[tilespmem:$0x1FF20] =	vst v2;
	v2 =	vimm.s32 $0x8F80  }
0x97: {  	v2 =	vsel vm14, $0x7400, v2  }
0x98: {  	v3 =	vimm.s32 $0x8F81;
	v2 =	vsel vm13, $0x7480, v2  }
0x99: {  	v4 =	vimm.s32 $0x8F82;
	v3 =	vsel vm14, $0x7401, v3;
	v2 =	vsel vm12, $0x7500, v2  }
0x9a: {  	v4 =	vsel vm14, $0x7402, v4;
	v3 =	vsel vm13, $0x7481, v3;
	v2 =	vsel vm11, $0x7580, v2  }
0x9b: {  	v4 =	vsel vm13, $0x7482, v4;
	v3 =	vsel vm12, $0x7501, v3;
	v2 =	vsel vm10, $0x7600, v2  }
0x9c: {  	v4 =	vsel vm12, $0x7502, v4;
	v3 =	vsel vm11, $0x7581, v3;
	v2 =	vsel vm9, $0x7680, v2  }
0x9d: {  	v4 =	vsel vm11, $0x7582, v4;
	v3 =	vsel vm10, $0x7601, v3;
	v2 =	vsel vm8, $0x7700, v2  }
0x9e: {  	v4 =	vsel vm10, $0x7602, v4;
	v3 =	vsel vm9, $0x7681, v3;
	v2 =	vsel vm7, $0x7780, v2  }
0x9f: {  	v4 =	vsel vm9, $0x7682, v4;
	v3 =	vsel vm8, $0x7701, v3;
	v2 =	vsel vm6, $0x8C00, v2  }
0xa0: {  	v4 =	vsel vm8, $0x7702, v4;
	v3 =	vsel vm7, $0x7781, v3;
	v2 =	vsel vm5, $0x8C80, v2  }
0xa1: {  	v4 =	vsel vm7, $0x7782, v4;
	v3 =	vsel vm6, $0x8C01, v3;
	v2 =	vsel vm4, $0x8D00, v2  }
0xa2: {  	v4 =	vsel vm6, $0x8C02, v4;
	v3 =	vsel vm5, $0x8C81, v3;
	v2 =	vsel vm3, $0x8D80, v2  }
0xa3: {  	v4 =	vsel vm5, $0x8C82, v4;
	v3 =	vsel vm4, $0x8D01, v3;
	v2 =	vsel vm2, $0x8E00, v2  }
0xa4: {  	v4 =	vsel vm4, $0x8D02, v4;
	v3 =	vsel vm3, $0x8D81, v3;
	v2 =	vsel vm1, $0x8E80, v2  }
0xa5: {  	v4 =	vsel vm3, $0x8D82, v4;
	v3 =	vsel vm2, $0x8E01, v3;
	v2 =	vsel vm0, $0x8F00, v2  }
0xa6: {  	v4 =	vsel vm2, $0x8E02, v4;
	[tilespmem:$0x1FF30] =	vst v2;
	v2 =	vsel vm1, $0x8E81, v3  }
0xa7: {  	v3 =	vsel vm1, $0x8E82, v4;
	v2 =	vsel vm0, $0x8F01, v2  }
0xa8: {  	v5 =	vor.u32 $0x201, v1;
	[tilespmem:$0x1FF40] =	vst v2;
	v2 =	vsel vm0, $0x8F02, v3  }
0xa9: {  	v6 =	vor.u32 $0x202, v1;
	v7 =	vor.u32 $0x203, v1;
	[tilespmem:$0x1FF50] =	vst v2;
	v2 =	vimm.s32 $0x8F83  }
0xaa: {  	v8 =	vor.u32 $0x204, v1;
	v9 =	vor.u32 $0x300, v1;
	v2 =	vsel vm14, $0x7403, v2  }
0xab: {  	v10 =	vor.u32 $0x301, v1;
	v3 =	vimm.s32 $0x8F84;
	v2 =	vsel vm13, $0x7483, v2  }
0xac: {  	v4 =	vimm.s32 $0x8F85;
	v3 =	vsel vm14, $0x7404, v3;
	v2 =	vsel vm12, $0x7503, v2  }
0xad: {  	v4 =	vsel vm14, $0x7405, v4;
	v3 =	vsel vm13, $0x7484, v3;
	v2 =	vsel vm11, $0x7583, v2  }
0xae: {  	v4 =	vsel vm13, $0x7485, v4;
	v3 =	vsel vm12, $0x7504, v3;
	v2 =	vsel vm10, $0x7603, v2  }
0xaf: {  	v4 =	vsel vm12, $0x7505, v4;
	v3 =	vsel vm11, $0x7584, v3;
	v2 =	vsel vm9, $0x7683, v2  }
0xb0: {  	v4 =	vsel vm11, $0x7585, v4;
	v3 =	vsel vm10, $0x7604, v3;
	v2 =	vsel vm8, $0x7703, v2  }
0xb1: {  	v4 =	vsel vm10, $0x7605, v4;
	v3 =	vsel vm9, $0x7684, v3;
	v2 =	vsel vm7, $0x7783, v2  }
0xb2: {  	v4 =	vsel vm9, $0x7685, v4;
	v3 =	vsel vm8, $0x7704, v3;
	v2 =	vsel vm6, $0x8C03, v2  }
0xb3: {  	v4 =	vsel vm8, $0x7705, v4;
	v3 =	vsel vm7, $0x7784, v3;
	v2 =	vsel vm5, $0x8C83, v2  }
0xb4: {  	v4 =	vsel vm7, $0x7785, v4;
	v3 =	vsel vm6, $0x8C04, v3;
	v2 =	vsel vm4, $0x8D03, v2  }
0xb5: {  	v4 =	vsel vm6, $0x8C05, v4;
	v3 =	vsel vm5, $0x8C84, v3;
	v2 =	vsel vm3, $0x8D83, v2  }
0xb6: {  	v4 =	vsel vm5, $0x8C85, v4;
	v3 =	vsel vm4, $0x8D04, v3;
	v2 =	vsel vm2, $0x8E03, v2  }
0xb7: {  	v4 =	vsel vm4, $0x8D05, v4;
	v3 =	vsel vm3, $0x8D84, v3;
	v2 =	vsel vm1, $0x8E83, v2  }
0xb8: {  	v4 =	vsel vm3, $0x8D85, v4;
	v3 =	vsel vm2, $0x8E04, v3;
	v2 =	vsel vm0, $0x8F03, v2  }
0xb9: {  	v11 =	vor.u32 $0x302, v1;
	v4 =	vsel vm2, $0x8E05, v4;
	[tilespmem:$0x1FF60] =	vst v2;
	v2 =	vsel vm1, $0x8E84, v3  }
0xba: {  	v12 =	vor.u32 $0x303, v1;
	v3 =	vsel vm1, $0x8E85, v4;
	v2 =	vsel vm0, $0x8F04, v2  }
0xbb: {  	v13 =	vor.u32 $0x304, v1;
	v14 =	vor.u32 $0x400, v1;
	[tilespmem:$0x1FF70] =	vst v2;
	v2 =	vsel vm0, $0x8F05, v3  }
0xbc: {  	v15 =	vor.u32 $0x401, v1;
	v16 =	vor.u32 $0x402, v1;
	[tilespmem:$0x1FF80] =	vst v2;
	v2 =	vimm.s32 $0x8F86  }
0xbd: {  	v17 =	vor.u32 $0x403, v1;
	v18 =	vor.u32 $0x404, v1;
	v2 =	vsel vm14, $0x7406, v2  }
0xbe: {  	v19 =	vor.u32 $0x5, v1;
	v3 =	vimm.s32 $0x8F87;
	v2 =	vsel vm13, $0x7486, v2  }
0xbf: {  	v4 =	vimm.s32 $0x8F88;
	v3 =	vsel vm14, $0x7407, v3;
	v2 =	vsel vm12, $0x7506, v2  }
0xc0: {  	v4 =	vsel vm14, $0x7408, v4;
	v3 =	vsel vm13, $0x7487, v3;
	v2 =	vsel vm11, $0x7586, v2  }
0xc1: {  	v4 =	vsel vm13, $0x7488, v4;
	v3 =	vsel vm12, $0x7507, v3;
	v2 =	vsel vm10, $0x7606, v2  }
0xc2: {  	v4 =	vsel vm12, $0x7508, v4;
	v3 =	vsel vm11, $0x7587, v3;
	v2 =	vsel vm9, $0x7686, v2  }
0xc3: {  	v4 =	vsel vm11, $0x7588, v4;
	v3 =	vsel vm10, $0x7607, v3;
	v2 =	vsel vm8, $0x7706, v2  }
0xc4: {  	v4 =	vsel vm10, $0x7608, v4;
	v3 =	vsel vm9, $0x7687, v3;
	v2 =	vsel vm7, $0x7786, v2  }
0xc5: {  	v4 =	vsel vm9, $0x7688, v4;
	v3 =	vsel vm8, $0x7707, v3;
	v2 =	vsel vm6, $0x8C06, v2  }
0xc6: {  	v4 =	vsel vm8, $0x7708, v4;
	v3 =	vsel vm7, $0x7787, v3;
	v2 =	vsel vm5, $0x8C86, v2  }
0xc7: {  	v4 =	vsel vm7, $0x7788, v4;
	v3 =	vsel vm6, $0x8C07, v3;
	v2 =	vsel vm4, $0x8D06, v2  }
0xc8: {  	v4 =	vsel vm6, $0x8C08, v4;
	v3 =	vsel vm5, $0x8C87, v3;
	v2 =	vsel vm3, $0x8D86, v2  }
0xc9: {  	v4 =	vsel vm5, $0x8C88, v4;
	v3 =	vsel vm4, $0x8D07, v3;
	v2 =	vsel vm2, $0x8E06, v2  }
0xca: {  	v4 =	vsel vm4, $0x8D08, v4;
	v3 =	vsel vm3, $0x8D87, v3;
	v2 =	vsel vm1, $0x8E86, v2  }
0xcb: {  	v4 =	vsel vm3, $0x8D88, v4;
	v3 =	vsel vm2, $0x8E07, v3;
	v2 =	vsel vm0, $0x8F06, v2  }
0xcc: {  	v20 =	vor.u32 $0x6, v1;
	v4 =	vsel vm2, $0x8E08, v4;
	[tilespmem:$0x1FF90] =	vst v2;
	v2 =	vsel vm1, $0x8E87, v3  }
0xcd: {  	v21 =	vor.u32 $0x7, v1;
	v3 =	vsel vm1, $0x8E88, v4;
	v2 =	vsel vm0, $0x8F07, v2  }
0xce: {  	v22 =	vor.u32 $0x8, v1;
	v23 =	vor.u32 $0x9, v1;
	[tilespmem:$0x1FFA0] =	vst v2;
	v2 =	vsel vm0, $0x8F08, v3  }
0xcf: {  	v24 =	vor.u32 $0xA, v1;
	v25 =	vor.u32 $0xB, v1;
	[tilespmem:$0x1FFB0] =	vst v2;
	v2 =	vimm.s32 $0x8F89  }
0xd0: {  	v26 =	vor.u32 $0xC, v1;
	v27 =	vor.u32 $0xD, v1;
	v2 =	vsel vm14, $0x7409, v2  }
0xd1: {  	v28 =	vor.u32 $0xE, v1;
	v3 =	vimm.s32 $0x8F8A;
	v2 =	vsel vm13, $0x7489, v2  }
0xd2: {  	v4 =	vimm.s32 $0xBF80;
	v3 =	vsel vm14, $0x740A, v3;
	v2 =	vsel vm12, $0x7509, v2  }
0xd3: {  	v4 =	vsel vm14, $0xA400, v4;
	v3 =	vsel vm13, $0x748A, v3;
	v2 =	vsel vm11, $0x7589, v2  }
0xd4: {  	v4 =	vsel vm13, $0xA480, v4;
	v3 =	vsel vm12, $0x750A, v3;
	v2 =	vsel vm10, $0x7609, v2  }
0xd5: {  	v4 =	vsel vm12, $0xA500, v4;
	v3 =	vsel vm11, $0x758A, v3;
	v2 =	vsel vm9, $0x7689, v2  }
0xd6: {  	v4 =	vsel vm11, $0xA580, v4;
	v3 =	vsel vm10, $0x760A, v3;
	v2 =	vsel vm8, $0x7709, v2  }
0xd7: {  	v4 =	vsel vm10, $0xA600, v4;
	v3 =	vsel vm9, $0x768A, v3;
	v2 =	vsel vm7, $0x7789, v2  }
0xd8: {  	v4 =	vsel vm9, $0xA680, v4;
	v3 =	vsel vm8, $0x770A, v3;
	v2 =	vsel vm6, $0x8C09, v2  }
0xd9: {  	v4 =	vsel vm8, $0xA700, v4;
	v3 =	vsel vm7, $0x778A, v3;
	v2 =	vsel vm5, $0x8C89, v2  }
0xda: {  	v4 =	vsel vm7, $0xA780, v4;
	v3 =	vsel vm6, $0x8C0A, v3;
	v2 =	vsel vm4, $0x8D09, v2  }
0xdb: {  	v4 =	vsel vm6, $0xBC00, v4;
	v3 =	vsel vm5, $0x8C8A, v3;
	v2 =	vsel vm3, $0x8D89, v2  }
0xdc: {  	v4 =	vsel vm5, $0xBC80, v4;
	v3 =	vsel vm4, $0x8D0A, v3;
	v2 =	vsel vm2, $0x8E09, v2  }
0xdd: {  	v4 =	vsel vm4, $0xBD00, v4;
	v3 =	vsel vm3, $0x8D8A, v3;
	v2 =	vsel vm1, $0x8E89, v2  }
0xde: {  	v4 =	vsel vm3, $0xBD80, v4;
	v3 =	vsel vm2, $0x8E0A, v3;
	v2 =	vsel vm0, $0x8F09, v2  }
0xdf: {  	v29 =	vor.u32 $0xF, v1;
	v4 =	vsel vm2, $0xBE00, v4;
	[tilespmem:$0x1FFC0] =	vst v2;
	v2 =	vsel vm1, $0x8E8A, v3  }
0xe0: {  	v30 =	vor.u32 $0x105, v1;
	v3 =	vsel vm1, $0xBE80, v4;
	v2 =	vsel vm0, $0x8F0A, v2  }
0xe1: {  	v31 =	vor.u32 $0x106, v1;
	v32 =	vor.u32 $0x107, v1;
	[tilespmem:$0x1FFD0] =	vst v2;
	v2 =	vsel vm0, $0xBF00, v3  }
0xe2: {  	v33 =	vor.u32 $0x108, v1;
	v34 =	vor.u32 $0x109, v1;
	[tilespmem:$0x1FFE0] =	vst v2;
	v2 =	vimm.s32 $0xBF81  }
0xe3: {  	v35 =	vor.u32 $0x10A, v1;
	v36 =	vor.u32 $0x10B, v1;
	v2 =	vsel vm14, $0xA401, v2  }
0xe4: {  	v37 =	vor.u32 $0x10C, v1;
	v3 =	vimm.s32 $0xBF82;
	v2 =	vsel vm13, $0xA481, v2  }
0xe5: {  	v4 =	vimm.s32 $0xBF83;
	v3 =	vsel vm14, $0xA402, v3;
	v2 =	vsel vm12, $0xA501, v2  }
0xe6: {  	v4 =	vsel vm14, $0xA403, v4;
	v3 =	vsel vm13, $0xA482, v3;
	v2 =	vsel vm11, $0xA581, v2  }
0xe7: {  	v4 =	vsel vm13, $0xA483, v4;
	v3 =	vsel vm12, $0xA502, v3;
	v2 =	vsel vm10, $0xA601, v2  }
0xe8: {  	v4 =	vsel vm12, $0xA503, v4;
	v3 =	vsel vm11, $0xA582, v3;
	v2 =	vsel vm9, $0xA681, v2  }
0xe9: {  	v4 =	vsel vm11, $0xA583, v4;
	v3 =	vsel vm10, $0xA602, v3;
	v2 =	vsel vm8, $0xA701, v2  }
0xea: {  	v4 =	vsel vm10, $0xA603, v4;
	v3 =	vsel vm9, $0xA682, v3;
	v2 =	vsel vm7, $0xA781, v2  }
0xeb: {  	v4 =	vsel vm9, $0xA683, v4;
	v3 =	vsel vm8, $0xA702, v3;
	v2 =	vsel vm6, $0xBC01, v2  }
0xec: {  	v4 =	vsel vm8, $0xA703, v4;
	v3 =	vsel vm7, $0xA782, v3;
	v2 =	vsel vm5, $0xBC81, v2  }
0xed: {  	v4 =	vsel vm7, $0xA783, v4;
	v3 =	vsel vm6, $0xBC02, v3;
	v2 =	vsel vm4, $0xBD01, v2  }
0xee: {  	v4 =	vsel vm6, $0xBC03, v4;
	v3 =	vsel vm5, $0xBC82, v3;
	v2 =	vsel vm3, $0xBD81, v2  }
0xef: {  	v4 =	vsel vm5, $0xBC83, v4;
	v3 =	vsel vm4, $0xBD02, v3;
	v2 =	vsel vm2, $0xBE01, v2  }
0xf0: {  	v4 =	vsel vm4, $0xBD03, v4;
	v3 =	vsel vm3, $0xBD82, v3;
	v2 =	vsel vm1, $0xBE81, v2  }
0xf1: {  	v4 =	vsel vm3, $0xBD83, v4;
	v3 =	vsel vm2, $0xBE02, v3;
	v2 =	vsel vm0, $0xBF01, v2  }
0xf2: {  	v38 =	vor.u32 $0x10D, v1;
	v4 =	vsel vm2, $0xBE03, v4;
	[tilespmem:$0x1FFF0] =	vst v2;
	v2 =	vsel vm1, $0xBE82, v3  }
0xf3: {  	v3 =	vsel vm1, $0xBE83, v4;
	v44 =	vsel vm0, $0xBF02, v2;
	v2 =	vimm.s32 $0xBF84  }
0xf4: {  	v45 =	vsel vm0, $0xBF03, v3;
	v3 =	vimm.s32 $0xBF85;
	v2 =	vsel vm14, $0xA404, v2  }
0xf5: {  	v4 =	vimm.s32 $0xBF86;
	v3 =	vsel vm14, $0xA405, v3;
	v2 =	vsel vm13, $0xA484, v2  }
0xf6: {  	v4 =	vsel vm14, $0xA406, v4;
	v3 =	vsel vm13, $0xA485, v3;
	v2 =	vsel vm12, $0xA504, v2  }
0xf7: {  	v4 =	vsel vm13, $0xA486, v4;
	v3 =	vsel vm12, $0xA505, v3;
	v2 =	vsel vm11, $0xA584, v2  }
0xf8: {  	v4 =	vsel vm12, $0xA506, v4;
	v3 =	vsel vm11, $0xA585, v3;
	v2 =	vsel vm10, $0xA604, v2  }
0xf9: {  	v4 =	vsel vm11, $0xA586, v4;
	v3 =	vsel vm10, $0xA605, v3;
	v2 =	vsel vm9, $0xA684, v2  }
0xfa: {  	v4 =	vsel vm10, $0xA606, v4;
	v3 =	vsel vm9, $0xA685, v3;
	v2 =	vsel vm8, $0xA704, v2  }
0xfb: {  	v4 =	vsel vm9, $0xA686, v4;
	v3 =	vsel vm8, $0xA705, v3;
	v2 =	vsel vm7, $0xA784, v2  }
0xfc: {  	v4 =	vsel vm8, $0xA706, v4;
	v3 =	vsel vm7, $0xA785, v3;
	v2 =	vsel vm6, $0xBC04, v2  }
0xfd: {  	v4 =	vsel vm7, $0xA786, v4;
	v3 =	vsel vm6, $0xBC05, v3;
	v2 =	vsel vm5, $0xBC84, v2  }
0xfe: {  	v4 =	vsel vm6, $0xBC06, v4;
	v3 =	vsel vm5, $0xBC85, v3;
	v2 =	vsel vm4, $0xBD04, v2  }
0xff: {  	v4 =	vsel vm5, $0xBC86, v4;
	v3 =	vsel vm4, $0xBD05, v3;
	v2 =	vsel vm3, $0xBD84, v2  }
0x100: {  	v4 =	vsel vm4, $0xBD06, v4;
	v3 =	vsel vm3, $0xBD85, v3;
	v2 =	vsel vm2, $0xBE04, v2  }
0x101: {  	v4 =	vsel vm3, $0xBD86, v4;
	v3 =	vsel vm2, $0xBE05, v3;
	v2 =	vsel vm1, $0xBE84, v2  }
0x102: {  	v4 =	vsel vm2, $0xBE06, v4;
	v46 =	vsel vm0, $0xBF04, v2;
	v2 =	vsel vm1, $0xBE85, v3  }
0x103: {  	v3 =	vsel vm1, $0xBE86, v4;
	v47 =	vsel vm0, $0xBF05, v2;
	v2 =	vimm.s32 $0xBF87  }
0x104: {  	v48 =	vsel vm0, $0xBF06, v3;
	v3 =	vimm.s32 $0xBF88;
	v2 =	vsel vm14, $0xA407, v2  }
0x105: {  	v4 =	vimm.s32 $0xBF89;
	v3 =	vsel vm14, $0xA408, v3;
	v2 =	vsel vm13, $0xA487, v2  }
0x106: {  	v4 =	vsel vm14, $0xA409, v4;
	v3 =	vsel vm13, $0xA488, v3;
	v2 =	vsel vm12, $0xA507, v2  }
0x107: {  	v4 =	vsel vm13, $0xA489, v4;
	v3 =	vsel vm12, $0xA508, v3;
	v2 =	vsel vm11, $0xA587, v2  }
0x108: {  	v4 =	vsel vm12, $0xA509, v4;
	v3 =	vsel vm11, $0xA588, v3;
	v2 =	vsel vm10, $0xA607, v2  }
0x109: {  	v4 =	vsel vm11, $0xA589, v4;
	v3 =	vsel vm10, $0xA608, v3;
	v2 =	vsel vm9, $0xA687, v2  }
0x10a: {  	v4 =	vsel vm10, $0xA609, v4;
	v3 =	vsel vm9, $0xA688, v3;
	v2 =	vsel vm8, $0xA707, v2  }
0x10b: {  	v4 =	vsel vm9, $0xA689, v4;
	v3 =	vsel vm8, $0xA708, v3;
	v2 =	vsel vm7, $0xA787, v2  }
0x10c: {  	v4 =	vsel vm8, $0xA709, v4;
	v3 =	vsel vm7, $0xA788, v3;
	v2 =	vsel vm6, $0xBC07, v2  }
0x10d: {  	v4 =	vsel vm7, $0xA789, v4;
	v3 =	vsel vm6, $0xBC08, v3;
	v2 =	vsel vm5, $0xBC87, v2  }
0x10e: {  	v4 =	vsel vm6, $0xBC09, v4;
	v3 =	vsel vm5, $0xBC88, v3;
	v2 =	vsel vm4, $0xBD07, v2  }
0x10f: {  	v4 =	vsel vm5, $0xBC89, v4;
	v3 =	vsel vm4, $0xBD08, v3;
	v2 =	vsel vm3, $0xBD87, v2  }
0x110: {  	v4 =	vsel vm4, $0xBD09, v4;
	v3 =	vsel vm3, $0xBD88, v3;
	v2 =	vsel vm2, $0xBE07, v2  }
0x111: {  	v4 =	vsel vm3, $0xBD89, v4;
	v3 =	vsel vm2, $0xBE08, v3;
	v2 =	vsel vm1, $0xBE87, v2  }
0x112: {  	v4 =	vsel vm2, $0xBE09, v4;
	v49 =	vsel vm0, $0xBF07, v2;
	v2 =	vsel vm1, $0xBE88, v3  }
0x113: {  	v3 =	vsel vm1, $0xBE89, v4;
	v50 =	vsel vm0, $0xBF08, v2;
	v2 =	vimm.s32 $0xBF8A  }
0x114: {  	v51 =	vsel vm0, $0xBF09, v3;
	v3 =	vimm.s32 $0xEF80;
	v2 =	vsel vm14, $0xA40A, v2  }
0x115: {  	v4 =	vimm.s32 $0xEF81;
	v3 =	vsel vm14, $0xD400, v3;
	v2 =	vsel vm13, $0xA48A, v2  }
0x116: {  	v4 =	vsel vm14, $0xD401, v4;
	v3 =	vsel vm13, $0xD480, v3;
	v2 =	vsel vm12, $0xA50A, v2  }
0x117: {  	v4 =	vsel vm13, $0xD481, v4;
	v3 =	vsel vm12, $0xD500, v3;
	v2 =	vsel vm11, $0xA58A, v2  }
0x118: {  	v4 =	vsel vm12, $0xD501, v4;
	v3 =	vsel vm11, $0xD580, v3;
	v2 =	vsel vm10, $0xA60A, v2  }
0x119: {  	v4 =	vsel vm11, $0xD581, v4;
	v3 =	vsel vm10, $0xD600, v3;
	v2 =	vsel vm9, $0xA68A, v2  }
0x11a: {  	v4 =	vsel vm10, $0xD601, v4;
	v3 =	vsel vm9, $0xD680, v3;
	v2 =	vsel vm8, $0xA70A, v2  }
0x11b: {  	v4 =	vsel vm9, $0xD681, v4;
	v3 =	vsel vm8, $0xD700, v3;
	v2 =	vsel vm7, $0xA78A, v2  }
0x11c: {  	v4 =	vsel vm8, $0xD701, v4;
	v3 =	vsel vm7, $0xD780, v3;
	v2 =	vsel vm6, $0xBC0A, v2  }
0x11d: {  	v4 =	vsel vm7, $0xD781, v4;
	v3 =	vsel vm6, $0xEC00, v3;
	v2 =	vsel vm5, $0xBC8A, v2  }
0x11e: {  	v4 =	vsel vm6, $0xEC01, v4;
	v3 =	vsel vm5, $0xEC80, v3;
	v2 =	vsel vm4, $0xBD0A, v2  }
0x11f: {  	v4 =	vsel vm5, $0xEC81, v4;
	v3 =	vsel vm4, $0xED00, v3;
	v2 =	vsel vm3, $0xBD8A, v2  }
0x120: {  	v4 =	vsel vm4, $0xED01, v4;
	v3 =	vsel vm3, $0xED80, v3;
	v2 =	vsel vm2, $0xBE0A, v2  }
0x121: {  	v4 =	vsel vm3, $0xED81, v4;
	v3 =	vsel vm2, $0xEE00, v3;
	v2 =	vsel vm1, $0xBE8A, v2  }
0x122: {  	v4 =	vsel vm2, $0xEE01, v4;
	v52 =	vsel vm0, $0xBF0A, v2;
	v2 =	vsel vm1, $0xEE80, v3  }
0x123: {  	v3 =	vsel vm1, $0xEE81, v4;
	v53 =	vsel vm0, $0xEF00, v2;
	v2 =	vimm.s32 $0xEF82  }
0x124: {  	v54 =	vsel vm0, $0xEF01, v3;
	v3 =	vimm.s32 $0xEF83;
	v2 =	vsel vm14, $0xD402, v2  }
0x125: {  	v4 =	vimm.s32 $0xEF84;
	v3 =	vsel vm14, $0xD403, v3;
	v2 =	vsel vm13, $0xD482, v2  }
0x126: {  	v4 =	vsel vm14, $0xD404, v4;
	v3 =	vsel vm13, $0xD483, v3;
	v2 =	vsel vm12, $0xD502, v2  }
0x127: {  	v4 =	vsel vm13, $0xD484, v4;
	v3 =	vsel vm12, $0xD503, v3;
	v2 =	vsel vm11, $0xD582, v2  }
0x128: {  	v4 =	vsel vm12, $0xD504, v4;
	v3 =	vsel vm11, $0xD583, v3;
	v2 =	vsel vm10, $0xD602, v2  }
0x129: {  	v4 =	vsel vm11, $0xD584, v4;
	v3 =	vsel vm10, $0xD603, v3;
	v2 =	vsel vm9, $0xD682, v2  }
0x12a: {  	v4 =	vsel vm10, $0xD604, v4;
	v3 =	vsel vm9, $0xD683, v3;
	v2 =	vsel vm8, $0xD702, v2  }
0x12b: {  	v4 =	vsel vm9, $0xD684, v4;
	v3 =	vsel vm8, $0xD703, v3;
	v2 =	vsel vm7, $0xD782, v2  }
0x12c: {  	v4 =	vsel vm8, $0xD704, v4;
	v3 =	vsel vm7, $0xD783, v3;
	v2 =	vsel vm6, $0xEC02, v2  }
0x12d: {  	v4 =	vsel vm7, $0xD784, v4;
	v3 =	vsel vm6, $0xEC03, v3;
	v2 =	vsel vm5, $0xEC82, v2  }
0x12e: {  	v4 =	vsel vm6, $0xEC04, v4;
	v3 =	vsel vm5, $0xEC83, v3;
	v2 =	vsel vm4, $0xED02, v2  }
0x12f: {  	v4 =	vsel vm5, $0xEC84, v4;
	v3 =	vsel vm4, $0xED03, v3;
	v2 =	vsel vm3, $0xED82, v2  }
0x130: {  	v4 =	vsel vm4, $0xED04, v4;
	v3 =	vsel vm3, $0xED83, v3;
	v2 =	vsel vm2, $0xEE02, v2  }
0x131: {  	v4 =	vsel vm3, $0xED84, v4;
	v3 =	vsel vm2, $0xEE03, v3;
	v2 =	vsel vm1, $0xEE82, v2  }
0x132: {  	v4 =	vsel vm2, $0xEE04, v4;
	v55 =	vsel vm0, $0xEF02, v2;
	v2 =	vsel vm1, $0xEE83, v3  }
0x133: {  	v3 =	vsel vm1, $0xEE84, v4;
	v56 =	vsel vm0, $0xEF03, v2;
	v2 =	vimm.s32 $0xEF85  }
0x134: {  	v57 =	vsel vm0, $0xEF04, v3;
	v3 =	vimm.s32 $0xEF86;
	v2 =	vsel vm14, $0xD405, v2  }
0x135: {  	v4 =	vimm.s32 $0xEF87;
	v3 =	vsel vm14, $0xD406, v3;
	v2 =	vsel vm13, $0xD485, v2  }
0x136: {  	v4 =	vsel vm14, $0xD407, v4;
	v3 =	vsel vm13, $0xD486, v3;
	v2 =	vsel vm12, $0xD505, v2  }
0x137: {  	v4 =	vsel vm13, $0xD487, v4;
	v3 =	vsel vm12, $0xD506, v3;
	v2 =	vsel vm11, $0xD585, v2  }
0x138: {  	v4 =	vsel vm12, $0xD507, v4;
	v3 =	vsel vm11, $0xD586, v3;
	v2 =	vsel vm10, $0xD605, v2  }
0x139: {  	v4 =	vsel vm11, $0xD587, v4;
	v3 =	vsel vm10, $0xD606, v3;
	v2 =	vsel vm9, $0xD685, v2  }
0x13a: {  	v4 =	vsel vm10, $0xD607, v4;
	v3 =	vsel vm9, $0xD686, v3;
	v2 =	vsel vm8, $0xD705, v2  }
0x13b: {  	v4 =	vsel vm9, $0xD687, v4;
	v3 =	vsel vm8, $0xD706, v3;
	v2 =	vsel vm7, $0xD785, v2  }
0x13c: {  	v4 =	vsel vm8, $0xD707, v4;
	v3 =	vsel vm7, $0xD786, v3;
	v2 =	vsel vm6, $0xEC05, v2  }
0x13d: {  	v4 =	vsel vm7, $0xD787, v4;
	v3 =	vsel vm6, $0xEC06, v3;
	v2 =	vsel vm5, $0xEC85, v2  }
0x13e: {  	s3 =	rddreg [dreg:$0x0];
	v4 =	vsel vm6, $0xEC07, v4;
	v3 =	vsel vm5, $0xEC86, v3;
	v2 =	vsel vm4, $0xED05, v2  }
0x13f: {  	s0 =	rddreg [dreg:$0x1];
	v4 =	vsel vm5, $0xEC87, v4;
	v3 =	vsel vm4, $0xED06, v3;
	v2 =	vsel vm3, $0xED85, v2  }
0x140: {  	s1 =	rddreg [dreg:$0x2];
	v4 =	vsel vm4, $0xED07, v4;
	v3 =	vsel vm3, $0xED86, v3;
	v2 =	vsel vm2, $0xEE05, v2  }
0x141: {  	s2 =	rddreg [dreg:$0x3];
	v4 =	vsel vm3, $0xED87, v4;
	v3 =	vsel vm2, $0xEE06, v3;
	v2 =	vsel vm1, $0xEE85, v2  }
0x142: {  	s5 =	srdreg.scid;
	s4 =	rddreg [dreg:$0x4];
	v4 =	vsel vm2, $0xEE07, v4;
	v58 =	vsel vm0, $0xEF05, v2;
	v2 =	vsel vm1, $0xEE86, v3  }
0x143: {  	s17 =	stileid.u32;
	s6 =	rddreg [dreg:$0x5];
	v3 =	vsel vm1, $0xEE87, v4;
	v59 =	vsel vm0, $0xEF06, v2;
	v2 =	vimm.s32 $0xEF88  }
0x144: {  	s8 =	simm.s32 $0x0;
	s18 =	simm.s32 $0xF00;
	s28 =	simm.s32 $0xF700;
	v60 =	vsel vm0, $0xEF07, v3;
	v3 =	vimm.s32 $0xEF89;
	v2 =	vsel vm14, $0xD408, v2  }
0x145: {  	s29 =	simm.s32 $0x3;
	s30 =	simm.s32 $0x2;
	s12 =	smul.u32 $0xA00, s17;
	v4 =	vimm.s32 $0xEF8A;
	v3 =	vsel vm14, $0xD409, v3;
	v2 =	vsel vm13, $0xD488, v2  }
0x146: {  	s31 =	simm.s32 $0x500;
	s5 =	sand.u32 $0x1, s5;
	s13 =	smul.u32 $0xA0, s17;
	v4 =	vsel vm14, $0xD40A, v4;
	v3 =	vsel vm13, $0xD489, v3;
	v2 =	vsel vm12, $0xD508, v2  }
0x147: {  	s7 =	sshll.u32 s17, $0x1;
	[smem:$0x7FF] =	sst s8;
	s20 =	smul.u32 $0x140, s17;
	v4 =	vsel vm13, $0xD48A, v4;
	v3 =	vsel vm12, $0xD509, v3;
	v2 =	vsel vm11, $0xD588, v2  }
0x148: {  	s9 =	sadd.s32 $0x400, s3;
	s10 =	sadd.s32 $0x31200, s3;
	s14 =	smul.u32 $0x50, s5;
	v4 =	vsel vm12, $0xD50A, v4;
	v3 =	vsel vm11, $0xD589, v3;
	v2 =	vsel vm10, $0xD608, v2  }
0x149: {  	s17 =	simm.s32 $0x1;
	s19 =	ssub.s32 $0x2, s5;
	s15 =	smul.u32 $0x500, s5;
	v4 =	vsel vm11, $0xD58A, v4;
	v3 =	vsel vm10, $0xD609, v3;
	v2 =	vsel vm9, $0xD688, v2  }
0x14a: {  	s7 =	sor.u32 s5, s7;
	s5 =	smul.u32 $0xA0, s5;
	s16 =	sshrl.u32 s19, $0x1;
	v4 =	vsel vm10, $0xD60A, v4;
	v3 =	vsel vm9, $0xD689, v3;
	v2 =	vsel vm8, $0xD708, v2  }
0x14b: {  	s11 =	smul.u32 $0xA0, s7;
	s13 =	sadd.s32 s14, s13;
	s3 =	ssub.s32 s19, s16;
	v4 =	vsel vm9, $0xD68A, v4;
	v3 =	vsel vm8, $0xD709, v3;
	v2 =	vsel vm7, $0xD788, v2  }
0x14c: {  	s14 =	sadd.s32 s20, s9;
	s23 =	sadd.s32 s15, s12;
	s12 =	simm.s32 $0x0;
	v4 =	vsel vm8, $0xD70A, v4;
	v3 =	vsel vm7, $0xD789, v3;
	v2 =	vsel vm6, $0xEC08, v2  }
0x14d: {  	s21 =	sshrl.u32 s13, $0x3;
	s11 =	sadd.s32 s9, s11;
	s3 =	smax.u32 s3, $0x1;
	v4 =	vsel vm7, $0xD78A, v4;
	v3 =	vsel vm6, $0xEC09, v3;
	v2 =	vsel vm5, $0xEC88, v2  }
0x14e: {  	s5 =	sadd.s32 s5, s14;
	s26 =	sadd.s32 $0xFFFFF600, s13;
	s22 =	smul.u32 $0x300, s21;
	v4 =	vsel vm6, $0xEC0A, v4;
	v3 =	vsel vm5, $0xEC89, v3;
	v2 =	vsel vm4, $0xED08, v2  }
0x14f: {  	s25 =	sadd.s32 $0x1400, s5;
	_ =	strace $0x80000047;
	[dreg:$0x7] =	wrdreg s11;
	v4 =	vsel vm5, $0xEC8A, v4;
	v3 =	vsel vm4, $0xED09, v3;
	v2 =	vsel vm3, $0xED88, v2  }
.Ltmp0:
0x150: {  	s24 =	sadd.s32 s22, s10;
	[dreg:$0x8] =	wrdreg s3;
	v4 =	vsel vm4, $0xED0A, v4;
	v3 =	vsel vm3, $0xED89, v3;
	v2 =	vsel vm2, $0xEE08, v2;
	(pc) =	sbr.rel .LBB2_1-.Ltmp0, $4  }
0x151: {  	s21 =	simm.s32 $0x6700;
	s5 =	simm.s32 $0xFF00;
	[dreg:$0xa] =	wrdreg s24;
	v4 =	vsel vm3, $0xED8A, v4;
	v3 =	vsel vm2, $0xEE09, v3;
	v2 =	vsel vm1, $0xEE88, v2  }
0x152: {  	s22 =	simm.s32 $0x7F00;
	s3 =	sadd.s32 $0x14000, s23;
	[dreg:$0xb] =	wrdreg s25;
	v4 =	vsel vm2, $0xEE0A, v4;
	v61 =	vsel vm0, $0xEF08, v2;
	v2 =	vsel vm1, $0xEE89, v3  }
0x153: {  	[dreg:$0xc] =	wrdreg s26;
	s23 =	simm.s32 $0x9700;
	s24 =	simm.s32 $0xAF00;
	v3 =	vsel vm1, $0xEE8A, v4;
	v4 =	vor.u32 $0x200, v1;
	v62 =	vsel vm0, $0xEF09, v2  }
0x154: {  	s25 =	simm.s32 $0xC700;
	s26 =	simm.s32 $0xDF00;
	[dreg:$0x9] =	wrdreg s3;
	v63 =	vsel vm0, $0xEF0A, v3;
	v2 =	vor.u32 $0x103, v1;
	v3 =	vor.u32 $0x104, v1  }
.LBB2_8:
0x155: {  	s3 =	simm.s32 $0x5  }
0x156: {  	_ =	swait.ge [sflag:s3], $0xF000  }
0x157: {  	[sflag:s3] =	ssyncset.done $0x0  }
0x158: {  	s11 =	simm.s32 $0x6;
	[sflag:s3] =	ssyncadd.s32 $0xFFFF1000  }
0x159: {  	_ =	swait.ge [sflag:s11], $0xF000  }
0x15a: {  	s12 =	rddreg [dreg:$0xd]  }
0x15b: {  	s20 =	rddreg [dreg:$0x8];
	s12 =	sadd.s32 $0x1, s12  }
0x15c: {  	p0 =	sne.s32 s12, s20  }
.Ltmp1:
0x15d: {  	_ = 	snop;
	(pc) =	sbr.rel @!p0 .LBB2_9-.Ltmp1, $3  }
0x15e: {  	_ =	sdelay $0x1  }
0x15f: {  	[sflag:s11] =	ssyncset.done $0x0  }
0x160: {  	[sflag:s11] =	ssyncadd.s32 $0xFFFF1000  }
.LBB2_1:
0x161: {  	[dreg:$0xd] =	wrdreg s12  }
0x162: {  	s3 =	rddreg [dreg:$0x7]  }
.Ltmp2:
0x163: {  	s11 =	rddreg [dreg:$0xc];
	(pc) =	sbr.rel .LBB2_2-.Ltmp2, $4  }
0x164: {  	s12 =	rddreg [dreg:$0xb]  }
0x165: {  	s13 =	rddreg [dreg:$0x9]  }
0x166: {  	[tilespmem:s8], [sflag:$0x1] =	stream.linear.gather [hbm4b:s3+s8], $0x500, $0x38;
	[tilespmem:$0x1EF00] =	vst v63  }
0x167: {  	s14 =	simm.s32 $0x0;
	s3 =	rddreg [dreg:$0xa]  }
.LBB2_7:
0x168: {  	s14 =	sadd.s32 $0x40, s14  }
0x169: {  	p0 =	sne.s32 s14, $0x540  }
.Ltmp3:
0x16a: {  	_ = 	snop;
	(pc) =	sbr.rel @!p0 .LBB2_8-.Ltmp3, $3  }
0x16b: {  	_ =	sdelay $0x1  }
0x16c: {  	s13 =	sadd.s32 $0x14000, s13  }
0x16d: {  	s3 =	sadd.s32 $0x78000, s3;
	s12 =	sadd.s32 $0x2800, s12;
	s11 =	sadd.s32 $0x1400, s11  }
.LBB2_2:
0x16e: {  	s15 =	sadd.s32 s14, s7;
	p0 =	seq.s32 s14, $0x0  }
0x16f: {  	p1 =	sgt.u32 @!p0 s15, $0x501  }
0x170: {  	p1 =	por p1, p0  }
0x171: {  	s16 =	simm.s32 @!p1 $0x4  }
0x172: {  	_ =	swait.ge @!p1 [sflag:s16], $0x2800  }
0x173: {  	[sflag:s16] =	ssyncset.done @!p1 $0x0  }
0x174: {  	[sflag:s16] =	ssyncadd.s32 @!p1 $0xFFFFD800  }
0x175: {  	_ =	swait.ge @!p1 [sflag:s16], $0x2800  }
0x176: {  	[sflag:s16] =	ssyncset.done @!p1 $0x0  }
0x177: {  	[sflag:s16] =	ssyncadd.s32 @!p1 $0xFFFFD800  }
0x178: {  	_ =	swait.ge @!p1 [sflag:s16], $0x2800  }
0x179: {  	[sflag:s16] =	ssyncset.done @!p1 $0x0  }
0x17a: {  	[sflag:s16] =	ssyncadd.s32 @!p1 $0xFFFFD800  }
0x17b: {  	_ =	swait.ge @!p1 [sflag:s16], $0x2800  }
0x17c: {  	[sflag:s16] =	ssyncset.done @!p1 $0x0  }
0x17d: {  	s19 =	sshrl.u32 @!p1 s11, $0x3;
	[sflag:s16] =	ssyncadd.s32 @!p1 $0xFFFFD800  }
0x17e: {  	s19 =	smul.u32 @!p1 $0x300, s19;
	_ =	swait.ge @!p1 [sflag:s16], $0x2800  }
0x17f: {  	s20 =	simm.s32 @!p1 $0xFF00;
	[sflag:s16] =	ssyncset.done @!p1 $0x0  }
0x180: {  	[sflag:s16] =	ssyncadd.s32 @!p1 $0xFFFFD800;
	s16 =	sadd.s32 @!p1 s10, s19;
	s19 =	simm.s32 @!p1 $0x0  }
0x181: {  	[hbm4b:s16+s19] =	stream.linear.scatter @!p1 [tilespmem:s20], [sflag:$0x6], $0xF000, $0x38;
	[tilespmem:$0x1EF00] =	vst v63  }
0x182: {  	p1 =	sgt.u32 s15, $0x4E1  }
.Ltmp4:
0x183: {  	_ = 	snop;
	(pc) =	sbr.rel @p1 .LBB2_4-.Ltmp4, $2  }
0x184: {  	_ =	sdelay $0x2  }
0x185: {  	s15 =	sadd.s32 $0x20, s15  }
0x186: {  	_ =	swait.ge [sflag:s17], $0x500  }
0x187: {  	p1 =	sgt.u32 s15, $0x4E1;
	[sflag:s17] =	ssyncset.done $0x0  }
0x188: {  	s16 =	simm.s32 @!p1 $0x0;
	s19 =	simm.s32 @!p1 $0x500;
	[sflag:s17] =	ssyncadd.s32 $0xFFFFFB00  }
0x189: {  	[tilespmem:s19], [sflag:$0x2] =	stream.linear.gather @!p1 [hbm4b:s12+s16], $0x500, $0x38;
	[tilespmem:$0x1EF00] =	vst v63  }
0x18a: {  	v39 =	vld.idx.msk [tilespmem:v1+s8+$0x0], $0xffff  }
0x18b: {  	v43 =	vld [tilespmem:$0x1FD60];
	_ =	sdelay $0x3  }
0x18c: {  	v39 =	vtrunc.f32 v39  }
0x18d: {  	v39 =	vcvt.f32.s32 v39;
	_ =	sdelay $0x1  }
0x18e: {  	[tilespmem:$0xA00] =	vst v39  }
0x18f: {  	v39 =	vld.idx.msk [tilespmem:v43+s8+$0x0], $0xffff  }
0x190: {  	v42 =	vld [tilespmem:$0x1FD70];
	_ =	sdelay $0x3  }
0x191: {  	v39 =	vtrunc.f32 v39  }
0x192: {  	v39 =	vcvt.f32.s32 v39;
	_ =	sdelay $0x1  }
0x193: {  	[tilespmem:$0xA80] =	vst v39  }
0x194: {  	v39 =	vld.idx.msk [tilespmem:v42+s8+$0x0], $0xffff  }
0x195: {  	v43 =	vld [tilespmem:$0x1FD80];
	_ =	sdelay $0x3  }
0x196: {  	v39 =	vtrunc.f32 v39  }
0x197: {  	v39 =	vcvt.f32.s32 v39;
	_ =	sdelay $0x1  }
0x198: {  	[tilespmem:$0xB00] =	vst v39  }
0x199: {  	v39 =	vld.idx.msk [tilespmem:v43+s8+$0x0], $0xffff  }
0x19a: {  	v42 =	vld [tilespmem:$0x1FD90];
	_ =	sdelay $0x3  }
0x19b: {  	v39 =	vtrunc.f32 v39  }
0x19c: {  	v39 =	vcvt.f32.s32 v39;
	_ =	sdelay $0x1  }
0x19d: {  	[tilespmem:$0xB80] =	vst v39  }
0x19e: {  	v39 =	vld.idx.msk [tilespmem:v42+s8+$0x0], $0xffff  }
0x19f: {  	v43 =	vld [tilespmem:$0x1FDA0];
	_ =	sdelay $0x3  }
0x1a0: {  	v39 =	vtrunc.f32 v39  }
0x1a1: {  	v39 =	vcvt.f32.s32 v39;
	_ =	sdelay $0x1  }
0x1a2: {  	[tilespmem:$0xC00] =	vst v39  }
0x1a3: {  	v39 =	vld.idx.msk [tilespmem:v43+s8+$0x0], $0xffff  }
0x1a4: {  	v42 =	vld [tilespmem:$0x1FDB0];
	_ =	sdelay $0x3  }
0x1a5: {  	v39 =	vtrunc.f32 v39  }
0x1a6: {  	v39 =	vcvt.f32.s32 v39;
	_ =	sdelay $0x1  }
0x1a7: {  	[tilespmem:$0xA10] =	vst v39  }
0x1a8: {  	v39 =	vld.idx.msk [tilespmem:v42+s8+$0x0], $0xffff  }
0x1a9: {  	v43 =	vld [tilespmem:$0x1FDC0];
	_ =	sdelay $0x3  }
0x1aa: {  	v39 =	vtrunc.f32 v39  }
0x1ab: {  	v39 =	vcvt.f32.s32 v39;
	_ =	sdelay $0x1  }
0x1ac: {  	[tilespmem:$0xA90] =	vst v39  }
0x1ad: {  	v39 =	vld.idx.msk [tilespmem:v43+s8+$0x0], $0xffff;
	_ =	sdelay $0x4  }
0x1ae: {  	v39 =	vtrunc.f32 v39  }
0x1af: {  	v39 =	vcvt.f32.s32 v39;
	_ =	sdelay $0x1  }
0x1b0: {  	[tilespmem:$0xB10] =	vst v39  }
0x1b1: {  	v39 =	vld.idx.msk [tilespmem:v2+s8+$0x0], $0xffff;
	_ =	sdelay $0x4  }
0x1b2: {  	v39 =	vtrunc.f32 v39  }
0x1b3: {  	v39 =	vcvt.f32.s32 v39;
	_ =	sdelay $0x1  }
0x1b4: {  	[tilespmem:$0xB90] =	vst v39  }
0x1b5: {  	v39 =	vld.idx.msk [tilespmem:v3+s8+$0x0], $0xffff;
	_ =	sdelay $0x4  }
0x1b6: {  	v39 =	vtrunc.f32 v39  }
0x1b7: {  	v39 =	vcvt.f32.s32 v39;
	_ =	sdelay $0x1  }
0x1b8: {  	[tilespmem:$0xC10] =	vst v39  }
0x1b9: {  	v39 =	vld.idx.msk [tilespmem:v4+s8+$0x0], $0xffff;
	_ =	sdelay $0x4  }
0x1ba: {  	v39 =	vtrunc.f32 v39  }
0x1bb: {  	v39 =	vcvt.f32.s32 v39;
	_ =	sdelay $0x1  }
0x1bc: {  	[tilespmem:$0xA20] =	vst v39  }
0x1bd: {  	v39 =	vld.idx.msk [tilespmem:v5+s8+$0x0], $0xffff;
	_ =	sdelay $0x4  }
0x1be: {  	v39 =	vtrunc.f32 v39  }
0x1bf: {  	v39 =	vcvt.f32.s32 v39;
	_ =	sdelay $0x1  }
0x1c0: {  	[tilespmem:$0xAA0] =	vst v39  }
0x1c1: {  	v39 =	vld.idx.msk [tilespmem:v6+s8+$0x0], $0xffff;
	_ =	sdelay $0x4  }
0x1c2: {  	v39 =	vtrunc.f32 v39  }
0x1c3: {  	v39 =	vcvt.f32.s32 v39;
	_ =	sdelay $0x1  }
0x1c4: {  	[tilespmem:$0xB20] =	vst v39  }
0x1c5: {  	v39 =	vld.idx.msk [tilespmem:v7+s8+$0x0], $0xffff;
	_ =	sdelay $0x4  }
0x1c6: {  	v39 =	vtrunc.f32 v39  }
0x1c7: {  	v39 =	vcvt.f32.s32 v39;
	_ =	sdelay $0x1  }
0x1c8: {  	[tilespmem:$0xBA0] =	vst v39  }
0x1c9: {  	v39 =	vld.idx.msk [tilespmem:v8+s8+$0x0], $0xffff;
	_ =	sdelay $0x4  }
0x1ca: {  	v39 =	vtrunc.f32 v39  }
0x1cb: {  	v39 =	vcvt.f32.s32 v39;
	_ =	sdelay $0x1  }
0x1cc: {  	[tilespmem:$0xC20] =	vst v39  }
0x1cd: {  	v39 =	vld.idx.msk [tilespmem:v9+s8+$0x0], $0xffff;
	_ =	sdelay $0x4  }
0x1ce: {  	v39 =	vtrunc.f32 v39  }
0x1cf: {  	v39 =	vcvt.f32.s32 v39;
	_ =	sdelay $0x1  }
0x1d0: {  	[tilespmem:$0xA30] =	vst v39  }
0x1d1: {  	v39 =	vld.idx.msk [tilespmem:v10+s8+$0x0], $0xffff;
	_ =	sdelay $0x4  }
0x1d2: {  	v39 =	vtrunc.f32 v39  }
0x1d3: {  	v39 =	vcvt.f32.s32 v39;
	_ =	sdelay $0x1  }
0x1d4: {  	[tilespmem:$0xAB0] =	vst v39  }
0x1d5: {  	v39 =	vld.idx.msk [tilespmem:v11+s8+$0x0], $0xffff;
	_ =	sdelay $0x4  }
0x1d6: {  	v39 =	vtrunc.f32 v39  }
0x1d7: {  	v39 =	vcvt.f32.s32 v39;
	_ =	sdelay $0x1  }
0x1d8: {  	[tilespmem:$0xB30] =	vst v39  }
0x1d9: {  	v39 =	vld.idx.msk [tilespmem:v12+s8+$0x0], $0xffff;
	_ =	sdelay $0x4  }
0x1da: {  	v39 =	vtrunc.f32 v39  }
0x1db: {  	v39 =	vcvt.f32.s32 v39;
	_ =	sdelay $0x1  }
0x1dc: {  	[tilespmem:$0xBB0] =	vst v39  }
0x1dd: {  	v39 =	vld.idx.msk [tilespmem:v13+s8+$0x0], $0xffff;
	_ =	sdelay $0x4  }
0x1de: {  	v39 =	vtrunc.f32 v39  }
0x1df: {  	v39 =	vcvt.f32.s32 v39;
	_ =	sdelay $0x1  }
0x1e0: {  	[tilespmem:$0xC30] =	vst v39  }
0x1e1: {  	v39 =	vld.idx.msk [tilespmem:v14+s8+$0x0], $0xffff;
	_ =	sdelay $0x4  }
0x1e2: {  	v39 =	vtrunc.f32 v39  }
0x1e3: {  	v39 =	vcvt.f32.s32 v39;
	_ =	sdelay $0x1  }
0x1e4: {  	[tilespmem:$0xA40] =	vst v39  }
0x1e5: {  	v39 =	vld.idx.msk [tilespmem:v15+s8+$0x0], $0xffff;
	_ =	sdelay $0x4  }
0x1e6: {  	v39 =	vtrunc.f32 v39  }
0x1e7: {  	v39 =	vcvt.f32.s32 v39;
	_ =	sdelay $0x1  }
0x1e8: {  	[tilespmem:$0xAC0] =	vst v39  }
0x1e9: {  	v39 =	vld.idx.msk [tilespmem:v16+s8+$0x0], $0xffff;
	_ =	sdelay $0x4  }
0x1ea: {  	v39 =	vtrunc.f32 v39  }
0x1eb: {  	v39 =	vcvt.f32.s32 v39;
	_ =	sdelay $0x1  }
0x1ec: {  	[tilespmem:$0xB40] =	vst v39  }
0x1ed: {  	v39 =	vld.idx.msk [tilespmem:v17+s8+$0x0], $0xffff;
	_ =	sdelay $0x4  }
0x1ee: {  	v39 =	vtrunc.f32 v39  }
0x1ef: {  	v39 =	vcvt.f32.s32 v39;
	_ =	sdelay $0x1  }
0x1f0: {  	[tilespmem:$0xBC0] =	vst v39  }
0x1f1: {  	v39 =	vld.idx.msk [tilespmem:v18+s8+$0x0], $0xffff;
	_ =	sdelay $0x4  }
0x1f2: {  	v39 =	vtrunc.f32 v39  }
0x1f3: {  	v39 =	vcvt.f32.s32 v39;
	_ =	sdelay $0x1  }
0x1f4: {  	s16 =	simm.s32 @!p0 $0x5;
	[tilespmem:$0xC40] =	vst v39  }
0x1f5: {  	_ =	swait.ge @!p0 [sflag:s16], $0xF000  }
0x1f6: {  	v40 =	vld [tilespmem:$0x1FDD0]  }
0x1f7: {  	[sflag:s16] =	ssyncset.done @!p0 $0x0  }
0x1f8: {  	[sflag:s16] =	ssyncadd.s32 @!p0 $0xFFFF1000  }
0x1f9: {  	v39 =	vld.idx.msk [tilespmem:v19+s8+$0x0], $0xffff;
	_ =	sdelay $0x4  }
0x1fa: {  	[tilespmem:v40+s18+$0x0] =	vst.idx.msk $0xffff, v39;
	v40 =	vld [tilespmem:$0x1FDE0];
	_ =	sdelay $0x2  }
0x1fb: {  	v39 =	vld.idx.msk [tilespmem:v20+s8+$0x0], $0xffff;
	_ =	sdelay $0x4  }
0x1fc: {  	[tilespmem:v40+s18+$0x0] =	vst.idx.msk $0xffff, v39;
	v40 =	vld [tilespmem:$0x1FDF0];
	_ =	sdelay $0x2  }
0x1fd: {  	v39 =	vld.idx.msk [tilespmem:v21+s8+$0x0], $0xffff;
	_ =	sdelay $0x4  }
0x1fe: {  	[tilespmem:v40+s18+$0x0] =	vst.idx.msk $0xffff, v39;
	v40 =	vld [tilespmem:$0x1FE00];
	_ =	sdelay $0x2  }
0x1ff: {  	v39 =	vld.idx.msk [tilespmem:v22+s8+$0x0], $0xffff;
	_ =	sdelay $0x4  }
0x200: {  	[tilespmem:v40+s18+$0x0] =	vst.idx.msk $0xffff, v39;
	v40 =	vld [tilespmem:$0x1FE10];
	_ =	sdelay $0x2  }
0x201: {  	v39 =	vld.idx.msk [tilespmem:v23+s8+$0x0], $0xffff;
	_ =	sdelay $0x4  }
0x202: {  	[tilespmem:v40+s18+$0x0] =	vst.idx.msk $0xffff, v39;
	v40 =	vld [tilespmem:$0x1FE20];
	_ =	sdelay $0x2  }
0x203: {  	v39 =	vld.idx.msk [tilespmem:v24+s8+$0x0], $0xffff;
	_ =	sdelay $0x4  }
0x204: {  	[tilespmem:v40+s18+$0x0] =	vst.idx.msk $0xffff, v39;
	v40 =	vld [tilespmem:$0x1FE30];
	_ =	sdelay $0x2  }
0x205: {  	v39 =	vld.idx.msk [tilespmem:v25+s8+$0x0], $0xffff;
	_ =	sdelay $0x4  }
0x206: {  	[tilespmem:v40+s18+$0x0] =	vst.idx.msk $0xffff, v39;
	v40 =	vld [tilespmem:$0x1FE40];
	_ =	sdelay $0x2  }
0x207: {  	v39 =	vld.idx.msk [tilespmem:v26+s8+$0x0], $0xffff;
	_ =	sdelay $0x4  }
0x208: {  	[tilespmem:v40+s18+$0x0] =	vst.idx.msk $0xffff, v39;
	v40 =	vld [tilespmem:$0x1FE50];
	_ =	sdelay $0x2  }
0x209: {  	v39 =	vld.idx.msk [tilespmem:v27+s8+$0x0], $0xffff;
	_ =	sdelay $0x4  }
0x20a: {  	[tilespmem:v40+s18+$0x0] =	vst.idx.msk $0xffff, v39;
	v40 =	vld [tilespmem:$0x1FE60];
	_ =	sdelay $0x2  }
0x20b: {  	v39 =	vld.idx.msk [tilespmem:v28+s8+$0x0], $0xffff;
	_ =	sdelay $0x4  }
0x20c: {  	[tilespmem:v40+s18+$0x0] =	vst.idx.msk $0xffff, v39;
	v40 =	vld [tilespmem:$0x1FE70];
	_ =	sdelay $0x2  }
0x20d: {  	v39 =	vld.idx.msk [tilespmem:v29+s8+$0x0], $0xffff;
	_ =	sdelay $0x4  }
0x20e: {  	[tilespmem:v40+s18+$0x0] =	vst.idx.msk $0xffff, v39;
	v40 =	vld [tilespmem:$0x1FE80];
	_ =	sdelay $0x2  }
0x20f: {  	v39 =	vld.idx.msk [tilespmem:v30+s8+$0x0], $0xffff;
	_ =	sdelay $0x4  }
0x210: {  	[tilespmem:v40+s18+$0x0] =	vst.idx.msk $0xffff, v39;
	v40 =	vld [tilespmem:$0x1FE90];
	_ =	sdelay $0x2  }
0x211: {  	v39 =	vld.idx.msk [tilespmem:v31+s8+$0x0], $0xffff;
	_ =	sdelay $0x4  }
0x212: {  	[tilespmem:v40+s18+$0x0] =	vst.idx.msk $0xffff, v39;
	v40 =	vld [tilespmem:$0x1FEA0];
	_ =	sdelay $0x2  }
0x213: {  	v39 =	vld.idx.msk [tilespmem:v32+s8+$0x0], $0xffff;
	_ =	sdelay $0x4  }
0x214: {  	[tilespmem:v40+s18+$0x0] =	vst.idx.msk $0xffff, v39;
	v40 =	vld [tilespmem:$0x1FEB0];
	_ =	sdelay $0x2  }
0x215: {  	v39 =	vld.idx.msk [tilespmem:v33+s8+$0x0], $0xffff;
	_ =	sdelay $0x4  }
0x216: {  	[tilespmem:v40+s18+$0x0] =	vst.idx.msk $0xffff, v39;
	v40 =	vld [tilespmem:$0x1FEC0];
	_ =	sdelay $0x2  }
0x217: {  	v39 =	vld.idx.msk [tilespmem:v34+s8+$0x0], $0xffff;
	_ =	sdelay $0x4  }
0x218: {  	[tilespmem:v40+s18+$0x0] =	vst.idx.msk $0xffff, v39;
	v40 =	vld [tilespmem:$0x1FED0];
	_ =	sdelay $0x2  }
0x219: {  	v39 =	vld.idx.msk [tilespmem:v35+s8+$0x0], $0xffff;
	_ =	sdelay $0x4  }
0x21a: {  	[tilespmem:v40+s18+$0x0] =	vst.idx.msk $0xffff, v39;
	v40 =	vld [tilespmem:$0x1FEE0];
	_ =	sdelay $0x2  }
0x21b: {  	v39 =	vld.idx.msk [tilespmem:v36+s8+$0x0], $0xffff;
	_ =	sdelay $0x4  }
0x21c: {  	[tilespmem:v40+s18+$0x0] =	vst.idx.msk $0xffff, v39;
	v40 =	vld [tilespmem:$0x1FEF0];
	_ =	sdelay $0x2  }
0x21d: {  	v39 =	vld.idx.msk [tilespmem:v37+s8+$0x0], $0xffff;
	_ =	sdelay $0x2  }
0x21e: {  	v41 =	vld [tilespmem:$0x1FF00];
	_ =	sdelay $0x1  }
0x21f: {  	[tilespmem:v40+s18+$0x0] =	vst.idx.msk $0xffff, v39  }
0x220: {  	v39 =	vld.idx.msk [tilespmem:v38+s8+$0x0], $0xffff;
	_ =	sdelay $0x2  }
0x221: {  	v40 =	vor.u32 $0x10E, v1;
	_ =	sdelay $0x1  }
0x222: {  	[tilespmem:v41+s18+$0x0] =	vst.idx.msk $0xffff, v39;
	v41 =	vld [tilespmem:$0x1FF10];
	_ =	sdelay $0x2  }
0x223: {  	v39 =	vld.idx.msk [tilespmem:v40+s8+$0x0], $0xffff;
	_ =	sdelay $0x2  }
0x224: {  	v40 =	vor.u32 $0x10F, v1;
	_ =	sdelay $0x1  }
0x225: {  	[tilespmem:v41+s18+$0x0] =	vst.idx.msk $0xffff, v39;
	v41 =	vld [tilespmem:$0x1FF20];
	_ =	sdelay $0x2  }
0x226: {  	v39 =	vld.idx.msk [tilespmem:v40+s8+$0x0], $0xffff;
	_ =	sdelay $0x2  }
0x227: {  	v40 =	vor.u32 $0x205, v1;
	_ =	sdelay $0x1  }
0x228: {  	[tilespmem:v41+s18+$0x0] =	vst.idx.msk $0xffff, v39;
	v41 =	vld [tilespmem:$0x1FF30];
	_ =	sdelay $0x2  }
0x229: {  	v39 =	vld.idx.msk [tilespmem:v40+s8+$0x0], $0xffff;
	_ =	sdelay $0x2  }
0x22a: {  	v40 =	vor.u32 $0x206, v1;
	_ =	sdelay $0x1  }
0x22b: {  	[tilespmem:v41+s18+$0x0] =	vst.idx.msk $0xffff, v39;
	v41 =	vld [tilespmem:$0x1FF40];
	_ =	sdelay $0x2  }
0x22c: {  	v39 =	vld.idx.msk [tilespmem:v40+s8+$0x0], $0xffff;
	_ =	sdelay $0x2  }
0x22d: {  	v40 =	vor.u32 $0x207, v1;
	_ =	sdelay $0x1  }
0x22e: {  	[tilespmem:v41+s18+$0x0] =	vst.idx.msk $0xffff, v39;
	v41 =	vld [tilespmem:$0x1FF50];
	_ =	sdelay $0x2  }
0x22f: {  	v39 =	vld.idx.msk [tilespmem:v40+s8+$0x0], $0xffff;
	_ =	sdelay $0x2  }
0x230: {  	v40 =	vor.u32 $0x208, v1;
	_ =	sdelay $0x1  }
0x231: {  	[tilespmem:v41+s18+$0x0] =	vst.idx.msk $0xffff, v39;
	v41 =	vld [tilespmem:$0x1FF60];
	_ =	sdelay $0x2  }
0x232: {  	v39 =	vld.idx.msk [tilespmem:v40+s8+$0x0], $0xffff;
	_ =	sdelay $0x2  }
0x233: {  	v40 =	vor.u32 $0x209, v1;
	_ =	sdelay $0x1  }
0x234: {  	[tilespmem:v41+s18+$0x0] =	vst.idx.msk $0xffff, v39;
	v41 =	vld [tilespmem:$0x1FF70];
	_ =	sdelay $0x2  }
0x235: {  	v39 =	vld.idx.msk [tilespmem:v40+s8+$0x0], $0xffff;
	_ =	sdelay $0x2  }
0x236: {  	v40 =	vor.u32 $0x20A, v1;
	_ =	sdelay $0x1  }
0x237: {  	[tilespmem:v41+s18+$0x0] =	vst.idx.msk $0xffff, v39;
	v41 =	vld [tilespmem:$0x1FF80];
	_ =	sdelay $0x2  }
0x238: {  	v39 =	vld.idx.msk [tilespmem:v40+s8+$0x0], $0xffff;
	_ =	sdelay $0x2  }
0x239: {  	v40 =	vor.u32 $0x20B, v1;
	_ =	sdelay $0x1  }
0x23a: {  	[tilespmem:v41+s18+$0x0] =	vst.idx.msk $0xffff, v39;
	v41 =	vld [tilespmem:$0x1FF90];
	_ =	sdelay $0x2  }
0x23b: {  	v39 =	vld.idx.msk [tilespmem:v40+s8+$0x0], $0xffff;
	_ =	sdelay $0x2  }
0x23c: {  	v40 =	vor.u32 $0x20C, v1;
	_ =	sdelay $0x1  }
0x23d: {  	[tilespmem:v41+s18+$0x0] =	vst.idx.msk $0xffff, v39;
	v41 =	vld [tilespmem:$0x1FFA0];
	_ =	sdelay $0x2  }
0x23e: {  	v39 =	vld.idx.msk [tilespmem:v40+s8+$0x0], $0xffff;
	_ =	sdelay $0x2  }
0x23f: {  	v40 =	vor.u32 $0x20D, v1;
	_ =	sdelay $0x1  }
0x240: {  	[tilespmem:v41+s18+$0x0] =	vst.idx.msk $0xffff, v39;
	v41 =	vld [tilespmem:$0x1FFB0];
	_ =	sdelay $0x2  }
0x241: {  	v39 =	vld.idx.msk [tilespmem:v40+s8+$0x0], $0xffff;
	_ =	sdelay $0x2  }
0x242: {  	v40 =	vor.u32 $0x20E, v1;
	_ =	sdelay $0x1  }
0x243: {  	[tilespmem:v41+s18+$0x0] =	vst.idx.msk $0xffff, v39;
	v41 =	vld [tilespmem:$0x1FFC0];
	_ =	sdelay $0x2  }
0x244: {  	v39 =	vld.idx.msk [tilespmem:v40+s8+$0x0], $0xffff;
	_ =	sdelay $0x2  }
0x245: {  	v40 =	vor.u32 $0x20F, v1;
	_ =	sdelay $0x1  }
0x246: {  	[tilespmem:v41+s18+$0x0] =	vst.idx.msk $0xffff, v39;
	v41 =	vld [tilespmem:$0x1FFD0];
	_ =	sdelay $0x2  }
0x247: {  	v39 =	vld.idx.msk [tilespmem:v40+s8+$0x0], $0xffff;
	_ =	sdelay $0x2  }
0x248: {  	v40 =	vor.u32 $0x305, v1;
	_ =	sdelay $0x1  }
0x249: {  	[tilespmem:v41+s18+$0x0] =	vst.idx.msk $0xffff, v39;
	v41 =	vld [tilespmem:$0x1FFE0];
	_ =	sdelay $0x2  }
0x24a: {  	v39 =	vld.idx.msk [tilespmem:v40+s8+$0x0], $0xffff;
	_ =	sdelay $0x2  }
0x24b: {  	v40 =	vor.u32 $0x306, v1;
	_ =	sdelay $0x1  }
0x24c: {  	[tilespmem:v41+s18+$0x0] =	vst.idx.msk $0xffff, v39;
	v41 =	vld [tilespmem:$0x1FFF0];
	_ =	sdelay $0x2  }
0x24d: {  	v39 =	vld.idx.msk [tilespmem:v40+s8+$0x0], $0xffff  }
0x24e: {  	v40 =	vor.u32 $0x307, v1;
	_ =	sdelay $0x3  }
0x24f: {  	[tilespmem:v41+s18+$0x0] =	vst.idx.msk $0xffff, v39  }
0x250: {  	v39 =	vld.idx.msk [tilespmem:v40+s8+$0x0], $0xffff  }
0x251: {  	v40 =	vor.u32 $0x308, v1;
	_ =	sdelay $0x3  }
0x252: {  	[tilespmem:v44+s18+$0x0] =	vst.idx.msk $0xffff, v39  }
0x253: {  	v39 =	vld.idx.msk [tilespmem:v40+s8+$0x0], $0xffff  }
0x254: {  	v40 =	vor.u32 $0x309, v1;
	_ =	sdelay $0x3  }
0x255: {  	[tilespmem:v45+s18+$0x0] =	vst.idx.msk $0xffff, v39  }
0x256: {  	v39 =	vld.idx.msk [tilespmem:v40+s8+$0x0], $0xffff  }
0x257: {  	v40 =	vor.u32 $0x30A, v1;
	_ =	sdelay $0x3  }
0x258: {  	[tilespmem:v46+s18+$0x0] =	vst.idx.msk $0xffff, v39  }
0x259: {  	v39 =	vld.idx.msk [tilespmem:v40+s8+$0x0], $0xffff  }
0x25a: {  	v40 =	vor.u32 $0x30B, v1;
	_ =	sdelay $0x3  }
0x25b: {  	[tilespmem:v47+s18+$0x0] =	vst.idx.msk $0xffff, v39  }
0x25c: {  	v39 =	vld.idx.msk [tilespmem:v40+s8+$0x0], $0xffff  }
0x25d: {  	v40 =	vor.u32 $0x30C, v1;
	_ =	sdelay $0x3  }
0x25e: {  	[tilespmem:v48+s18+$0x0] =	vst.idx.msk $0xffff, v39  }
0x25f: {  	v39 =	vld.idx.msk [tilespmem:v40+s8+$0x0], $0xffff  }
0x260: {  	v40 =	vor.u32 $0x30D, v1;
	_ =	sdelay $0x3  }
0x261: {  	[tilespmem:v49+s18+$0x0] =	vst.idx.msk $0xffff, v39  }
0x262: {  	v39 =	vld.idx.msk [tilespmem:v40+s8+$0x0], $0xffff  }
0x263: {  	v40 =	vor.u32 $0x30E, v1;
	_ =	sdelay $0x3  }
0x264: {  	[tilespmem:v50+s18+$0x0] =	vst.idx.msk $0xffff, v39  }
0x265: {  	v39 =	vld.idx.msk [tilespmem:v40+s8+$0x0], $0xffff  }
0x266: {  	v40 =	vor.u32 $0x30F, v1;
	_ =	sdelay $0x3  }
0x267: {  	[tilespmem:v51+s18+$0x0] =	vst.idx.msk $0xffff, v39  }
0x268: {  	v39 =	vld.idx.msk [tilespmem:v40+s8+$0x0], $0xffff  }
0x269: {  	v40 =	vor.u32 $0x405, v1;
	_ =	sdelay $0x3  }
0x26a: {  	[tilespmem:v52+s18+$0x0] =	vst.idx.msk $0xffff, v39  }
0x26b: {  	v39 =	vld.idx.msk [tilespmem:v40+s8+$0x0], $0xffff  }
0x26c: {  	v40 =	vor.u32 $0x406, v1;
	_ =	sdelay $0x3  }
0x26d: {  	[tilespmem:v53+s18+$0x0] =	vst.idx.msk $0xffff, v39  }
0x26e: {  	v39 =	vld.idx.msk [tilespmem:v40+s8+$0x0], $0xffff  }
0x26f: {  	v40 =	vor.u32 $0x407, v1;
	_ =	sdelay $0x3  }
0x270: {  	[tilespmem:v54+s18+$0x0] =	vst.idx.msk $0xffff, v39  }
0x271: {  	v39 =	vld.idx.msk [tilespmem:v40+s8+$0x0], $0xffff  }
0x272: {  	v40 =	vor.u32 $0x408, v1;
	_ =	sdelay $0x3  }
0x273: {  	[tilespmem:v55+s18+$0x0] =	vst.idx.msk $0xffff, v39  }
0x274: {  	v39 =	vld.idx.msk [tilespmem:v40+s8+$0x0], $0xffff  }
0x275: {  	v40 =	vor.u32 $0x409, v1;
	_ =	sdelay $0x3  }
0x276: {  	[tilespmem:v56+s18+$0x0] =	vst.idx.msk $0xffff, v39  }
0x277: {  	v39 =	vld.idx.msk [tilespmem:v40+s8+$0x0], $0xffff  }
0x278: {  	v40 =	vor.u32 $0x40A, v1;
	_ =	sdelay $0x3  }
0x279: {  	[tilespmem:v57+s18+$0x0] =	vst.idx.msk $0xffff, v39  }
0x27a: {  	v39 =	vld.idx.msk [tilespmem:v40+s8+$0x0], $0xffff  }
0x27b: {  	v40 =	vor.u32 $0x40B, v1;
	_ =	sdelay $0x3  }
0x27c: {  	[tilespmem:v58+s18+$0x0] =	vst.idx.msk $0xffff, v39  }
0x27d: {  	v39 =	vld.idx.msk [tilespmem:v40+s8+$0x0], $0xffff  }
0x27e: {  	v40 =	vor.u32 $0x40C, v1;
	_ =	sdelay $0x3  }
0x27f: {  	[tilespmem:v59+s18+$0x0] =	vst.idx.msk $0xffff, v39  }
0x280: {  	v39 =	vld.idx.msk [tilespmem:v40+s8+$0x0], $0xffff  }
0x281: {  	v40 =	vor.u32 $0x40D, v1;
	_ =	sdelay $0x3  }
0x282: {  	[tilespmem:v60+s18+$0x0] =	vst.idx.msk $0xffff, v39  }
0x283: {  	v39 =	vld.idx.msk [tilespmem:v40+s8+$0x0], $0xffff  }
0x284: {  	v40 =	vor.u32 $0x40E, v1;
	_ =	sdelay $0x3  }
0x285: {  	[tilespmem:v61+s18+$0x0] =	vst.idx.msk $0xffff, v39  }
0x286: {  	v39 =	vld.idx.msk [tilespmem:v40+s8+$0x0], $0xffff  }
0x287: {  	v40 =	vor.u32 $0x40F, v1;
	_ =	sdelay $0x3  }
0x288: {  	[tilespmem:v62+s18+$0x0] =	vst.idx.msk $0xffff, v39  }
0x289: {  	v39 =	vld.idx.msk [tilespmem:v40+s8+$0x0], $0xffff;
	_ =	sdelay $0x4  }
0x28a: {  	[tilespmem:v63+s18+$0x0] =	vst.idx.msk $0xffff, v39  }
0x28b: {  	v42 =	vld [tilespmem:$0xA00];
	_ =	sdelay $0x3  }
0x28c: {  	v40 =	vshrl.u32 v0, $0x3;
	v39 =	vand.u32 $0x7, v0  }
0x28d: {  	v40 =	vmul.u32 $0x8, v40;
	v43 =	vperm.xlane v42, v39  }
0x28e: {  	v41 =	vor.u32 $0x8, v0  }
0x28f: {  	v42 =	vperm.xlane v42, v41;
	v43 =	vadd.s32 v40, v43;
	_ =	sdelay $0x1  }
0x290: {  	v42 =	vadd.s32 v40, v42;
	_ =	sdelay $0x1  }
0x291: {  	vm0 =	vmmov $0xff  }
0x292: {  	[tilespmem:s18], [sflag:$0x3] =	stream.indirect_vreg.gather [hbm4b:s0+s8], $0x80, v43, vm0, $0xb8;
	[tilespmem:$0x1EF00] =	vst v63  }
0x293: {  	s19 =	simm.s32 $0x2700  }
0x294: {  	[tilespmem:s19], [sflag:$0x3] =	stream.indirect_vreg.gather [hbm4b:s0+s8], $0x80, v42, vm0, $0xb8;
	[tilespmem:$0x1EF00] =	vst v63  }
0x295: {  	v42 =	vld [tilespmem:$0xA10];
	_ =	sdelay $0x4  }
0x296: {  	v43 =	vperm.xlane v42, v39;
	_ =	sdelay $0x1  }
0x297: {  	v42 =	vperm.xlane v42, v41;
	v43 =	vadd.s32 v40, v43;
	_ =	sdelay $0x1  }
0x298: {  	v42 =	vadd.s32 v40, v42;
	_ =	sdelay $0x1  }
0x299: {  	s20 =	simm.s32 $0x3F00  }
0x29a: {  	[tilespmem:s20], [sflag:$0x3] =	stream.indirect_vreg.gather [hbm4b:s0+s8], $0x80, v43, vm0, $0xb8;
	[tilespmem:$0x1EF00] =	vst v63  }
0x29b: {  	s19 =	simm.s32 $0x5700  }
0x29c: {  	[tilespmem:s19], [sflag:$0x3] =	stream.indirect_vreg.gather [hbm4b:s0+s8], $0x80, v42, vm0, $0xb8;
	[tilespmem:$0x1EF00] =	vst v63  }
0x29d: {  	v42 =	vld [tilespmem:$0xA20];
	_ =	sdelay $0x4  }
0x29e: {  	v43 =	vperm.xlane v42, v39;
	_ =	sdelay $0x1  }
0x29f: {  	v42 =	vperm.xlane v42, v41;
	v43 =	vadd.s32 v40, v43;
	_ =	sdelay $0x1  }
0x2a0: {  	v42 =	vadd.s32 v40, v42;
	_ =	sdelay $0x1  }
0x2a1: {  	s20 =	simm.s32 $0x6F00  }
0x2a2: {  	[tilespmem:s20], [sflag:$0x3] =	stream.indirect_vreg.gather [hbm4b:s0+s8], $0x80, v43, vm0, $0xb8;
	[tilespmem:$0x1EF00] =	vst v63  }
0x2a3: {  	s19 =	simm.s32 $0x8700  }
0x2a4: {  	[tilespmem:s19], [sflag:$0x3] =	stream.indirect_vreg.gather [hbm4b:s0+s8], $0x80, v42, vm0, $0xb8;
	[tilespmem:$0x1EF00] =	vst v63  }
0x2a5: {  	v42 =	vld [tilespmem:$0xA30];
	_ =	sdelay $0x4  }
0x2a6: {  	v43 =	vperm.xlane v42, v39;
	_ =	sdelay $0x1  }
0x2a7: {  	v42 =	vperm.xlane v42, v41;
	v43 =	vadd.s32 v40, v43;
	_ =	sdelay $0x1  }
0x2a8: {  	v42 =	vadd.s32 v40, v42;
	_ =	sdelay $0x1  }
0x2a9: {  	s20 =	simm.s32 $0x9F00  }
0x2aa: {  	[tilespmem:s20], [sflag:$0x3] =	stream.indirect_vreg.gather [hbm4b:s0+s8], $0x80, v43, vm0, $0xb8;
	[tilespmem:$0x1EF00] =	vst v63  }
0x2ab: {  	s19 =	simm.s32 $0xB700  }
0x2ac: {  	[tilespmem:s19], [sflag:$0x3] =	stream.indirect_vreg.gather [hbm4b:s0+s8], $0x80, v42, vm0, $0xb8;
	[tilespmem:$0x1EF00] =	vst v63  }
0x2ad: {  	v42 =	vld [tilespmem:$0xA40];
	_ =	sdelay $0x4  }
0x2ae: {  	v43 =	vperm.xlane v42, v39;
	_ =	sdelay $0x1  }
0x2af: {  	v42 =	vperm.xlane v42, v41;
	v43 =	vadd.s32 v40, v43;
	_ =	sdelay $0x1  }
0x2b0: {  	v42 =	vadd.s32 v40, v42;
	_ =	sdelay $0x1  }
0x2b1: {  	s20 =	simm.s32 $0xCF00  }
0x2b2: {  	[tilespmem:s20], [sflag:$0x3] =	stream.indirect_vreg.gather [hbm4b:s0+s8], $0x80, v43, vm0, $0xb8;
	[tilespmem:$0x1EF00] =	vst v63  }
0x2b3: {  	s19 =	simm.s32 $0xE700  }
0x2b4: {  	[tilespmem:s19], [sflag:$0x3] =	stream.indirect_vreg.gather [hbm4b:s0+s8], $0x80, v42, vm0, $0xb8;
	[tilespmem:$0x1EF00] =	vst v63  }
0x2b5: {  	v42 =	vld [tilespmem:$0xA80];
	_ =	sdelay $0x4  }
0x2b6: {  	v43 =	vperm.xlane v42, v39;
	_ =	sdelay $0x1  }
0x2b7: {  	v42 =	vperm.xlane v42, v41;
	v43 =	vadd.s32 v40, v43;
	_ =	sdelay $0x1  }
0x2b8: {  	v42 =	vadd.s32 v40, v42;
	_ =	sdelay $0x1  }
0x2b9: {  	s20 =	simm.s32 $0x1300  }
0x2ba: {  	[tilespmem:s20], [sflag:$0x3] =	stream.indirect_vreg.gather [hbm4b:s1+s8], $0x80, v43, vm0, $0xb8;
	[tilespmem:$0x1EF00] =	vst v63  }
0x2bb: {  	s19 =	simm.s32 $0x2B00  }
0x2bc: {  	[tilespmem:s19], [sflag:$0x3] =	stream.indirect_vreg.gather [hbm4b:s1+s8], $0x80, v42, vm0, $0xb8;
	[tilespmem:$0x1EF00] =	vst v63  }
0x2bd: {  	v42 =	vld [tilespmem:$0xA90];
	_ =	sdelay $0x4  }
0x2be: {  	v43 =	vperm.xlane v42, v39;
	_ =	sdelay $0x1  }
0x2bf: {  	v42 =	vperm.xlane v42, v41;
	v43 =	vadd.s32 v40, v43;
	_ =	sdelay $0x1  }
0x2c0: {  	v42 =	vadd.s32 v40, v42;
	_ =	sdelay $0x1  }
0x2c1: {  	s20 =	simm.s32 $0x4300  }
0x2c2: {  	[tilespmem:s20], [sflag:$0x3] =	stream.indirect_vreg.gather [hbm4b:s1+s8], $0x80, v43, vm0, $0xb8;
	[tilespmem:$0x1EF00] =	vst v63  }
0x2c3: {  	s19 =	simm.s32 $0x5B00  }
0x2c4: {  	[tilespmem:s19], [sflag:$0x3] =	stream.indirect_vreg.gather [hbm4b:s1+s8], $0x80, v42, vm0, $0xb8;
	[tilespmem:$0x1EF00] =	vst v63  }
0x2c5: {  	v42 =	vld [tilespmem:$0xAA0];
	_ =	sdelay $0x4  }
0x2c6: {  	v43 =	vperm.xlane v42, v39;
	_ =	sdelay $0x1  }
0x2c7: {  	v42 =	vperm.xlane v42, v41;
	v43 =	vadd.s32 v40, v43;
	_ =	sdelay $0x1  }
0x2c8: {  	v42 =	vadd.s32 v40, v42;
	_ =	sdelay $0x1  }
0x2c9: {  	s20 =	simm.s32 $0x7300  }
0x2ca: {  	[tilespmem:s20], [sflag:$0x3] =	stream.indirect_vreg.gather [hbm4b:s1+s8], $0x80, v43, vm0, $0xb8;
	[tilespmem:$0x1EF00] =	vst v63  }
0x2cb: {  	s19 =	simm.s32 $0x8B00  }
0x2cc: {  	[tilespmem:s19], [sflag:$0x3] =	stream.indirect_vreg.gather [hbm4b:s1+s8], $0x80, v42, vm0, $0xb8;
	[tilespmem:$0x1EF00] =	vst v63  }
0x2cd: {  	v42 =	vld [tilespmem:$0xAB0];
	_ =	sdelay $0x4  }
0x2ce: {  	v43 =	vperm.xlane v42, v39;
	_ =	sdelay $0x1  }
0x2cf: {  	v42 =	vperm.xlane v42, v41;
	v43 =	vadd.s32 v40, v43;
	_ =	sdelay $0x1  }
0x2d0: {  	v42 =	vadd.s32 v40, v42;
	_ =	sdelay $0x1  }
0x2d1: {  	s20 =	simm.s32 $0xA300  }
0x2d2: {  	[tilespmem:s20], [sflag:$0x3] =	stream.indirect_vreg.gather [hbm4b:s1+s8], $0x80, v43, vm0, $0xb8;
	[tilespmem:$0x1EF00] =	vst v63  }
0x2d3: {  	s19 =	simm.s32 $0xBB00  }
0x2d4: {  	[tilespmem:s19], [sflag:$0x3] =	stream.indirect_vreg.gather [hbm4b:s1+s8], $0x80, v42, vm0, $0xb8;
	[tilespmem:$0x1EF00] =	vst v63  }
0x2d5: {  	v42 =	vld [tilespmem:$0xAC0];
	_ =	sdelay $0x4  }
0x2d6: {  	v43 =	vperm.xlane v42, v39;
	_ =	sdelay $0x1  }
0x2d7: {  	v42 =	vperm.xlane v42, v41;
	v43 =	vadd.s32 v40, v43;
	_ =	sdelay $0x1  }
0x2d8: {  	v42 =	vadd.s32 v40, v42;
	_ =	sdelay $0x1  }
0x2d9: {  	s20 =	simm.s32 $0xD300  }
0x2da: {  	[tilespmem:s20], [sflag:$0x3] =	stream.indirect_vreg.gather [hbm4b:s1+s8], $0x80, v43, vm0, $0xb8;
	[tilespmem:$0x1EF00] =	vst v63  }
0x2db: {  	s19 =	simm.s32 $0xEB00  }
0x2dc: {  	[tilespmem:s19], [sflag:$0x3] =	stream.indirect_vreg.gather [hbm4b:s1+s8], $0x80, v42, vm0, $0xb8;
	[tilespmem:$0x1EF00] =	vst v63  }
0x2dd: {  	v42 =	vld [tilespmem:$0xB00];
	_ =	sdelay $0x4  }
0x2de: {  	v43 =	vperm.xlane v42, v39;
	_ =	sdelay $0x1  }
0x2df: {  	v42 =	vperm.xlane v42, v41;
	v43 =	vadd.s32 v40, v43;
	_ =	sdelay $0x1  }
0x2e0: {  	v42 =	vadd.s32 v40, v42;
	_ =	sdelay $0x1  }
0x2e1: {  	s20 =	simm.s32 $0x1700  }
0x2e2: {  	[tilespmem:s20], [sflag:$0x3] =	stream.indirect_vreg.gather [hbm4b:s2+s8], $0x80, v43, vm0, $0xb8;
	[tilespmem:$0x1EF00] =	vst v63  }
0x2e3: {  	s19 =	simm.s32 $0x2F00  }
0x2e4: {  	[tilespmem:s19], [sflag:$0x3] =	stream.indirect_vreg.gather [hbm4b:s2+s8], $0x80, v42, vm0, $0xb8;
	[tilespmem:$0x1EF00] =	vst v63  }
0x2e5: {  	v42 =	vld [tilespmem:$0xB10];
	_ =	sdelay $0x4  }
0x2e6: {  	v43 =	vperm.xlane v42, v39;
	_ =	sdelay $0x1  }
0x2e7: {  	v42 =	vperm.xlane v42, v41;
	v43 =	vadd.s32 v40, v43;
	_ =	sdelay $0x1  }
0x2e8: {  	v42 =	vadd.s32 v40, v42;
	_ =	sdelay $0x1  }
0x2e9: {  	s20 =	simm.s32 $0x4700  }
0x2ea: {  	[tilespmem:s20], [sflag:$0x3] =	stream.indirect_vreg.gather [hbm4b:s2+s8], $0x80, v43, vm0, $0xb8;
	[tilespmem:$0x1EF00] =	vst v63  }
0x2eb: {  	s19 =	simm.s32 $0x5F00  }
0x2ec: {  	[tilespmem:s19], [sflag:$0x3] =	stream.indirect_vreg.gather [hbm4b:s2+s8], $0x80, v42, vm0, $0xb8;
	[tilespmem:$0x1EF00] =	vst v63  }
0x2ed: {  	v42 =	vld [tilespmem:$0xB20];
	_ =	sdelay $0x4  }
0x2ee: {  	v43 =	vperm.xlane v42, v39;
	_ =	sdelay $0x1  }
0x2ef: {  	v42 =	vperm.xlane v42, v41;
	v43 =	vadd.s32 v40, v43;
	_ =	sdelay $0x1  }
0x2f0: {  	v42 =	vadd.s32 v40, v42;
	_ =	sdelay $0x1  }
0x2f1: {  	s20 =	simm.s32 $0x7700  }
0x2f2: {  	[tilespmem:s20], [sflag:$0x3] =	stream.indirect_vreg.gather [hbm4b:s2+s8], $0x80, v43, vm0, $0xb8;
	[tilespmem:$0x1EF00] =	vst v63  }
0x2f3: {  	s19 =	simm.s32 $0x8F00  }
0x2f4: {  	[tilespmem:s19], [sflag:$0x3] =	stream.indirect_vreg.gather [hbm4b:s2+s8], $0x80, v42, vm0, $0xb8;
	[tilespmem:$0x1EF00] =	vst v63  }
0x2f5: {  	v42 =	vld [tilespmem:$0xB30];
	_ =	sdelay $0x4  }
0x2f6: {  	v43 =	vperm.xlane v42, v39;
	_ =	sdelay $0x1  }
0x2f7: {  	v42 =	vperm.xlane v42, v41;
	v43 =	vadd.s32 v40, v43;
	_ =	sdelay $0x1  }
0x2f8: {  	v42 =	vadd.s32 v40, v42;
	_ =	sdelay $0x1  }
0x2f9: {  	s20 =	simm.s32 $0xA700  }
0x2fa: {  	[tilespmem:s20], [sflag:$0x3] =	stream.indirect_vreg.gather [hbm4b:s2+s8], $0x80, v43, vm0, $0xb8;
	[tilespmem:$0x1EF00] =	vst v63  }
0x2fb: {  	s19 =	simm.s32 $0xBF00  }
0x2fc: {  	[tilespmem:s19], [sflag:$0x3] =	stream.indirect_vreg.gather [hbm4b:s2+s8], $0x80, v42, vm0, $0xb8;
	[tilespmem:$0x1EF00] =	vst v63  }
0x2fd: {  	v42 =	vld [tilespmem:$0xB40];
	_ =	sdelay $0x4  }
0x2fe: {  	v43 =	vperm.xlane v42, v39;
	_ =	sdelay $0x1  }
0x2ff: {  	v42 =	vperm.xlane v42, v41;
	v43 =	vadd.s32 v40, v43;
	_ =	sdelay $0x1  }
0x300: {  	v42 =	vadd.s32 v40, v42;
	_ =	sdelay $0x1  }
0x301: {  	s20 =	simm.s32 $0xD700  }
0x302: {  	[tilespmem:s20], [sflag:$0x3] =	stream.indirect_vreg.gather [hbm4b:s2+s8], $0x80, v43, vm0, $0xb8;
	[tilespmem:$0x1EF00] =	vst v63  }
0x303: {  	s19 =	simm.s32 $0xEF00  }
0x304: {  	[tilespmem:s19], [sflag:$0x3] =	stream.indirect_vreg.gather [hbm4b:s2+s8], $0x80, v42, vm0, $0xb8;
	[tilespmem:$0x1EF00] =	vst v63  }
0x305: {  	v42 =	vld [tilespmem:$0xB80];
	_ =	sdelay $0x4  }
0x306: {  	v43 =	vperm.xlane v42, v39;
	_ =	sdelay $0x1  }
0x307: {  	v42 =	vperm.xlane v42, v41;
	v43 =	vadd.s32 v40, v43;
	_ =	sdelay $0x1  }
0x308: {  	v42 =	vadd.s32 v40, v42;
	_ =	sdelay $0x1  }
0x309: {  	s20 =	simm.s32 $0x1B00  }
0x30a: {  	[tilespmem:s20], [sflag:$0x3] =	stream.indirect_vreg.gather [hbm4b:s4+s8], $0x80, v43, vm0, $0xb8;
	[tilespmem:$0x1EF00] =	vst v63  }
0x30b: {  	s19 =	simm.s32 $0x3300  }
0x30c: {  	[tilespmem:s19], [sflag:$0x3] =	stream.indirect_vreg.gather [hbm4b:s4+s8], $0x80, v42, vm0, $0xb8;
	[tilespmem:$0x1EF00] =	vst v63  }
0x30d: {  	v42 =	vld [tilespmem:$0xB90];
	_ =	sdelay $0x4  }
0x30e: {  	v43 =	vperm.xlane v42, v39;
	_ =	sdelay $0x1  }
0x30f: {  	v42 =	vperm.xlane v42, v41;
	v43 =	vadd.s32 v40, v43;
	_ =	sdelay $0x1  }
0x310: {  	v42 =	vadd.s32 v40, v42;
	_ =	sdelay $0x1  }
0x311: {  	s20 =	simm.s32 $0x4B00  }
0x312: {  	[tilespmem:s20], [sflag:$0x3] =	stream.indirect_vreg.gather [hbm4b:s4+s8], $0x80, v43, vm0, $0xb8;
	[tilespmem:$0x1EF00] =	vst v63  }
0x313: {  	s19 =	simm.s32 $0x6300  }
0x314: {  	[tilespmem:s19], [sflag:$0x3] =	stream.indirect_vreg.gather [hbm4b:s4+s8], $0x80, v42, vm0, $0xb8;
	[tilespmem:$0x1EF00] =	vst v63  }
0x315: {  	v42 =	vld [tilespmem:$0xBA0];
	_ =	sdelay $0x4  }
0x316: {  	v43 =	vperm.xlane v42, v39;
	_ =	sdelay $0x1  }
0x317: {  	v42 =	vperm.xlane v42, v41;
	v43 =	vadd.s32 v40, v43;
	_ =	sdelay $0x1  }
0x318: {  	v42 =	vadd.s32 v40, v42;
	_ =	sdelay $0x1  }
0x319: {  	s20 =	simm.s32 $0x7B00  }
0x31a: {  	[tilespmem:s20], [sflag:$0x3] =	stream.indirect_vreg.gather [hbm4b:s4+s8], $0x80, v43, vm0, $0xb8;
	[tilespmem:$0x1EF00] =	vst v63  }
0x31b: {  	s19 =	simm.s32 $0x9300  }
0x31c: {  	[tilespmem:s19], [sflag:$0x3] =	stream.indirect_vreg.gather [hbm4b:s4+s8], $0x80, v42, vm0, $0xb8;
	[tilespmem:$0x1EF00] =	vst v63  }
0x31d: {  	v42 =	vld [tilespmem:$0xBB0];
	_ =	sdelay $0x4  }
0x31e: {  	v43 =	vperm.xlane v42, v39;
	_ =	sdelay $0x1  }
0x31f: {  	v42 =	vperm.xlane v42, v41;
	v43 =	vadd.s32 v40, v43;
	_ =	sdelay $0x1  }
0x320: {  	v42 =	vadd.s32 v40, v42;
	_ =	sdelay $0x1  }
0x321: {  	s20 =	simm.s32 $0xAB00  }
0x322: {  	[tilespmem:s20], [sflag:$0x3] =	stream.indirect_vreg.gather [hbm4b:s4+s8], $0x80, v43, vm0, $0xb8;
	[tilespmem:$0x1EF00] =	vst v63  }
0x323: {  	s19 =	simm.s32 $0xC300  }
0x324: {  	[tilespmem:s19], [sflag:$0x3] =	stream.indirect_vreg.gather [hbm4b:s4+s8], $0x80, v42, vm0, $0xb8;
	[tilespmem:$0x1EF00] =	vst v63  }
0x325: {  	v42 =	vld [tilespmem:$0xBC0];
	_ =	sdelay $0x4  }
0x326: {  	v43 =	vperm.xlane v42, v39;
	_ =	sdelay $0x1  }
0x327: {  	v42 =	vperm.xlane v42, v41;
	v43 =	vadd.s32 v40, v43;
	_ =	sdelay $0x1  }
0x328: {  	v42 =	vadd.s32 v40, v42;
	_ =	sdelay $0x1  }
0x329: {  	s20 =	simm.s32 $0xDB00  }
0x32a: {  	[tilespmem:s20], [sflag:$0x3] =	stream.indirect_vreg.gather [hbm4b:s4+s8], $0x80, v43, vm0, $0xb8;
	[tilespmem:$0x1EF00] =	vst v63  }
0x32b: {  	s19 =	simm.s32 $0xF300  }
0x32c: {  	[tilespmem:s19], [sflag:$0x3] =	stream.indirect_vreg.gather [hbm4b:s4+s8], $0x80, v42, vm0, $0xb8;
	[tilespmem:$0x1EF00] =	vst v63  }
0x32d: {  	v42 =	vld [tilespmem:$0xC00];
	_ =	sdelay $0x4  }
0x32e: {  	v43 =	vperm.xlane v42, v39;
	_ =	sdelay $0x1  }
0x32f: {  	v42 =	vperm.xlane v42, v41;
	v43 =	vadd.s32 v40, v43;
	_ =	sdelay $0x1  }
0x330: {  	v42 =	vadd.s32 v40, v42;
	_ =	sdelay $0x1  }
0x331: {  	s20 =	simm.s32 $0x1F00  }
0x332: {  	[tilespmem:s20], [sflag:$0x3] =	stream.indirect_vreg.gather [hbm4b:s6+s8], $0x80, v43, vm0, $0xb8;
	[tilespmem:$0x1EF00] =	vst v63  }
0x333: {  	s19 =	simm.s32 $0x3700  }
0x334: {  	[tilespmem:s19], [sflag:$0x3] =	stream.indirect_vreg.gather [hbm4b:s6+s8], $0x80, v42, vm0, $0xb8;
	[tilespmem:$0x1EF00] =	vst v63  }
0x335: {  	v42 =	vld [tilespmem:$0xC10];
	_ =	sdelay $0x4  }
0x336: {  	v43 =	vperm.xlane v42, v39;
	_ =	sdelay $0x1  }
0x337: {  	v42 =	vperm.xlane v42, v41;
	v43 =	vadd.s32 v40, v43;
	_ =	sdelay $0x1  }
0x338: {  	v42 =	vadd.s32 v40, v42;
	_ =	sdelay $0x1  }
0x339: {  	s20 =	simm.s32 $0x4F00  }
0x33a: {  	[tilespmem:s20], [sflag:$0x3] =	stream.indirect_vreg.gather [hbm4b:s6+s8], $0x80, v43, vm0, $0xb8;
	[tilespmem:$0x1EF00] =	vst v63  }
0x33b: {  	_ = 	snop  }
0x33c: {  	[tilespmem:s21], [sflag:$0x3] =	stream.indirect_vreg.gather [hbm4b:s6+s8], $0x80, v42, vm0, $0xb8;
	[tilespmem:$0x1EF00] =	vst v63  }
0x33d: {  	v42 =	vld [tilespmem:$0xC20];
	_ =	sdelay $0x4  }
0x33e: {  	v43 =	vperm.xlane v42, v39;
	_ =	sdelay $0x1  }
0x33f: {  	v42 =	vperm.xlane v42, v41;
	v43 =	vadd.s32 v40, v43;
	_ =	sdelay $0x1  }
0x340: {  	v42 =	vadd.s32 v40, v42;
	_ =	sdelay $0x2  }
0x341: {  	[tilespmem:s22], [sflag:$0x3] =	stream.indirect_vreg.gather [hbm4b:s6+s8], $0x80, v43, vm0, $0xb8;
	[tilespmem:$0x1EF00] =	vst v63  }
0x342: {  	_ = 	snop  }
0x343: {  	[tilespmem:s23], [sflag:$0x3] =	stream.indirect_vreg.gather [hbm4b:s6+s8], $0x80, v42, vm0, $0xb8;
	[tilespmem:$0x1EF00] =	vst v63  }
0x344: {  	v42 =	vld [tilespmem:$0xC30];
	_ =	sdelay $0x4  }
0x345: {  	v43 =	vperm.xlane v42, v39;
	_ =	sdelay $0x1  }
0x346: {  	v42 =	vperm.xlane v42, v41;
	v43 =	vadd.s32 v40, v43;
	_ =	sdelay $0x1  }
0x347: {  	v42 =	vadd.s32 v40, v42;
	_ =	sdelay $0x2  }
0x348: {  	[tilespmem:s24], [sflag:$0x3] =	stream.indirect_vreg.gather [hbm4b:s6+s8], $0x80, v43, vm0, $0xb8;
	[tilespmem:$0x1EF00] =	vst v63  }
0x349: {  	_ = 	snop  }
0x34a: {  	[tilespmem:s25], [sflag:$0x3] =	stream.indirect_vreg.gather [hbm4b:s6+s8], $0x80, v42, vm0, $0xb8;
	[tilespmem:$0x1EF00] =	vst v63  }
0x34b: {  	v42 =	vld [tilespmem:$0xC40];
	_ =	sdelay $0x4  }
0x34c: {  	v39 =	vperm.xlane v42, v39;
	_ =	sdelay $0x1  }
0x34d: {  	v41 =	vperm.xlane v42, v41;
	v39 =	vadd.s32 v40, v39;
	_ =	sdelay $0x1  }
0x34e: {  	v40 =	vadd.s32 v40, v41  }
.Ltmp5:
0x34f: {  	_ = 	snop;
	(pc) =	sbr.rel .LBB2_5-.Ltmp5, $4  }
0x350: {  	_ = 	snop  }
0x351: {  	[tilespmem:s26], [sflag:$0x3] =	stream.indirect_vreg.gather [hbm4b:s6+s8], $0x80, v39, vm0, $0xb8;
	[tilespmem:$0x1EF00] =	vst v63  }
0x352: {  	_ = 	snop  }
0x353: {  	[tilespmem:s28], [sflag:$0x3] =	stream.indirect_vreg.gather [hbm4b:s6+s8], $0x80, v40, vm0, $0xb8;
	[tilespmem:$0x1EF00] =	vst v63  }
.LBB2_4:
0x354: {  	p1 =	sgt.u32 s15, $0x501  }
.Ltmp6:
0x355: {  	_ = 	snop;
	(pc) =	sbr.rel @p1 .LBB2_7-.Ltmp6, $1  }
0x356: {  	_ =	sdelay $0x3  }
.LBB2_5:
0x357: {  	_ =	swait.ge [sflag:s29], $0x2800  }
0x358: {  	[sflag:s29] =	ssyncset.done $0x0  }
0x359: {  	[sflag:s29] =	ssyncadd.s32 $0xFFFFD800  }
0x35a: {  	_ =	swait.ge [sflag:s29], $0x2800  }
0x35b: {  	[sflag:s29] =	ssyncset.done $0x0  }
0x35c: {  	[sflag:s29] =	ssyncadd.s32 $0xFFFFD800  }
0x35d: {  	_ =	swait.ge [sflag:s29], $0x2800  }
0x35e: {  	[sflag:s29] =	ssyncset.done $0x0  }
0x35f: {  	[sflag:s29] =	ssyncadd.s32 $0xFFFFD800  }
0x360: {  	_ =	swait.ge [sflag:s29], $0x2800  }
0x361: {  	p1 =	sgt.u32 s15, $0x4E1;
	[sflag:s29] =	ssyncset.done $0x0  }
.Ltmp7:
0x362: {  	[sflag:s29] =	ssyncadd.s32 $0xFFFFD800;
	(pc) =	sbr.rel @p1 .LBB2_7-.Ltmp7, $4  }
0x363: {  	_ =	swait.ge [sflag:s29], $0x2800  }
0x364: {  	[sflag:s29] =	ssyncset.done $0x0  }
0x365: {  	[sflag:s29] =	ssyncadd.s32 $0xFFFFD800  }
0x366: {  	[hbm4b:s3+s8] =	stream.linear.scatter [tilespmem:s18], [sflag:$0x5], $0xF000, $0x38;
	[tilespmem:$0x1EF00] =	vst v63  }
0x367: {  	_ =	swait.ge [sflag:s30], $0x500;
	p1 =	sgt.u32 s15, $0x4C1  }
0x368: {  	[sflag:s30] =	ssyncset.done $0x0;
	s15 =	sshrl.u32 @!p1 s13, $0x3  }
0x369: {  	s16 =	simm.s32 @!p1 $0x0;
	[sflag:s30] =	ssyncadd.s32 $0xFFFFFB00;
	s15 =	sadd.s32 @!p1 s9, s15  }
0x36a: {  	[tilespmem:s16], [sflag:$0x1] =	stream.linear.gather @!p1 [hbm4b:s15+s16], $0x500, $0x38;
	[tilespmem:$0x1EF00] =	vst v63  }
0x36b: {  	v39 =	vld.idx.msk [tilespmem:v1+s31+$0x0], $0xffff  }
0x36c: {  	v43 =	vld [tilespmem:$0x1FD60];
	_ =	sdelay $0x3  }
0x36d: {  	v39 =	vtrunc.f32 v39  }
0x36e: {  	v39 =	vcvt.f32.s32 v39;
	_ =	sdelay $0x1  }
0x36f: {  	[tilespmem:$0xC80] =	vst v39  }
0x370: {  	v39 =	vld.idx.msk [tilespmem:v43+s31+$0x0], $0xffff  }
0x371: {  	v42 =	vld [tilespmem:$0x1FD70];
	_ =	sdelay $0x3  }
0x372: {  	v39 =	vtrunc.f32 v39  }
0x373: {  	v39 =	vcvt.f32.s32 v39;
	_ =	sdelay $0x1  }
0x374: {  	[tilespmem:$0xD00] =	vst v39  }
0x375: {  	v39 =	vld.idx.msk [tilespmem:v42+s31+$0x0], $0xffff  }
0x376: {  	v43 =	vld [tilespmem:$0x1FD80];
	_ =	sdelay $0x3  }
0x377: {  	v39 =	vtrunc.f32 v39  }
0x378: {  	v39 =	vcvt.f32.s32 v39;
	_ =	sdelay $0x1  }
0x379: {  	[tilespmem:$0xD80] =	vst v39  }
0x37a: {  	v39 =	vld.idx.msk [tilespmem:v43+s31+$0x0], $0xffff  }
0x37b: {  	v42 =	vld [tilespmem:$0x1FD90];
	_ =	sdelay $0x3  }
0x37c: {  	v39 =	vtrunc.f32 v39  }
0x37d: {  	v39 =	vcvt.f32.s32 v39;
	_ =	sdelay $0x1  }
0x37e: {  	[tilespmem:$0xE00] =	vst v39  }
0x37f: {  	v39 =	vld.idx.msk [tilespmem:v42+s31+$0x0], $0xffff  }
0x380: {  	v43 =	vld [tilespmem:$0x1FDA0];
	_ =	sdelay $0x3  }
0x381: {  	v39 =	vtrunc.f32 v39  }
0x382: {  	v39 =	vcvt.f32.s32 v39;
	_ =	sdelay $0x1  }
0x383: {  	[tilespmem:$0xE80] =	vst v39  }
0x384: {  	v39 =	vld.idx.msk [tilespmem:v43+s31+$0x0], $0xffff  }
0x385: {  	v42 =	vld [tilespmem:$0x1FDB0];
	_ =	sdelay $0x3  }
0x386: {  	v39 =	vtrunc.f32 v39  }
0x387: {  	v39 =	vcvt.f32.s32 v39;
	_ =	sdelay $0x1  }
0x388: {  	[tilespmem:$0xC90] =	vst v39  }
0x389: {  	v39 =	vld.idx.msk [tilespmem:v42+s31+$0x0], $0xffff  }
0x38a: {  	v43 =	vld [tilespmem:$0x1FDC0];
	_ =	sdelay $0x3  }
0x38b: {  	v39 =	vtrunc.f32 v39  }
0x38c: {  	v39 =	vcvt.f32.s32 v39;
	_ =	sdelay $0x1  }
0x38d: {  	[tilespmem:$0xD10] =	vst v39  }
0x38e: {  	v39 =	vld.idx.msk [tilespmem:v43+s31+$0x0], $0xffff;
	_ =	sdelay $0x4  }
0x38f: {  	v39 =	vtrunc.f32 v39  }
0x390: {  	v39 =	vcvt.f32.s32 v39;
	_ =	sdelay $0x1  }
0x391: {  	[tilespmem:$0xD90] =	vst v39  }
0x392: {  	v39 =	vld.idx.msk [tilespmem:v2+s31+$0x0], $0xffff;
	_ =	sdelay $0x4  }
0x393: {  	v39 =	vtrunc.f32 v39  }
0x394: {  	v39 =	vcvt.f32.s32 v39;
	_ =	sdelay $0x1  }
0x395: {  	[tilespmem:$0xE10] =	vst v39  }
0x396: {  	v39 =	vld.idx.msk [tilespmem:v3+s31+$0x0], $0xffff;
	_ =	sdelay $0x4  }
0x397: {  	v39 =	vtrunc.f32 v39  }
0x398: {  	v39 =	vcvt.f32.s32 v39;
	_ =	sdelay $0x1  }
0x399: {  	[tilespmem:$0xE90] =	vst v39  }
0x39a: {  	v39 =	vld.idx.msk [tilespmem:v4+s31+$0x0], $0xffff;
	_ =	sdelay $0x4  }
0x39b: {  	v39 =	vtrunc.f32 v39  }
0x39c: {  	v39 =	vcvt.f32.s32 v39;
	_ =	sdelay $0x1  }
0x39d: {  	[tilespmem:$0xCA0] =	vst v39  }
0x39e: {  	v39 =	vld.idx.msk [tilespmem:v5+s31+$0x0], $0xffff;
	_ =	sdelay $0x4  }
0x39f: {  	v39 =	vtrunc.f32 v39  }
0x3a0: {  	v39 =	vcvt.f32.s32 v39;
	_ =	sdelay $0x1  }
0x3a1: {  	[tilespmem:$0xD20] =	vst v39  }
0x3a2: {  	v39 =	vld.idx.msk [tilespmem:v6+s31+$0x0], $0xffff;
	_ =	sdelay $0x4  }
0x3a3: {  	v39 =	vtrunc.f32 v39  }
0x3a4: {  	v39 =	vcvt.f32.s32 v39;
	_ =	sdelay $0x1  }
0x3a5: {  	[tilespmem:$0xDA0] =	vst v39  }
0x3a6: {  	v39 =	vld.idx.msk [tilespmem:v7+s31+$0x0], $0xffff;
	_ =	sdelay $0x4  }
0x3a7: {  	v39 =	vtrunc.f32 v39  }
0x3a8: {  	v39 =	vcvt.f32.s32 v39;
	_ =	sdelay $0x1  }
0x3a9: {  	[tilespmem:$0xE20] =	vst v39  }
0x3aa: {  	v39 =	vld.idx.msk [tilespmem:v8+s31+$0x0], $0xffff;
	_ =	sdelay $0x4  }
0x3ab: {  	v39 =	vtrunc.f32 v39  }
0x3ac: {  	v39 =	vcvt.f32.s32 v39;
	_ =	sdelay $0x1  }
0x3ad: {  	[tilespmem:$0xEA0] =	vst v39  }
0x3ae: {  	v39 =	vld.idx.msk [tilespmem:v9+s31+$0x0], $0xffff;
	_ =	sdelay $0x4  }
0x3af: {  	v39 =	vtrunc.f32 v39  }
0x3b0: {  	v39 =	vcvt.f32.s32 v39;
	_ =	sdelay $0x1  }
0x3b1: {  	[tilespmem:$0xCB0] =	vst v39  }
0x3b2: {  	v39 =	vld.idx.msk [tilespmem:v10+s31+$0x0], $0xffff;
	_ =	sdelay $0x4  }
0x3b3: {  	v39 =	vtrunc.f32 v39  }
0x3b4: {  	v39 =	vcvt.f32.s32 v39;
	_ =	sdelay $0x1  }
0x3b5: {  	[tilespmem:$0xD30] =	vst v39  }
0x3b6: {  	v39 =	vld.idx.msk [tilespmem:v11+s31+$0x0], $0xffff;
	_ =	sdelay $0x4  }
0x3b7: {  	v39 =	vtrunc.f32 v39  }
0x3b8: {  	v39 =	vcvt.f32.s32 v39;
	_ =	sdelay $0x1  }
0x3b9: {  	[tilespmem:$0xDB0] =	vst v39  }
0x3ba: {  	v39 =	vld.idx.msk [tilespmem:v12+s31+$0x0], $0xffff;
	_ =	sdelay $0x4  }
0x3bb: {  	v39 =	vtrunc.f32 v39  }
0x3bc: {  	v39 =	vcvt.f32.s32 v39;
	_ =	sdelay $0x1  }
0x3bd: {  	[tilespmem:$0xE30] =	vst v39  }
0x3be: {  	v39 =	vld.idx.msk [tilespmem:v13+s31+$0x0], $0xffff;
	_ =	sdelay $0x4  }
0x3bf: {  	v39 =	vtrunc.f32 v39  }
0x3c0: {  	v39 =	vcvt.f32.s32 v39;
	_ =	sdelay $0x1  }
0x3c1: {  	[tilespmem:$0xEB0] =	vst v39  }
0x3c2: {  	v39 =	vld.idx.msk [tilespmem:v14+s31+$0x0], $0xffff;
	_ =	sdelay $0x4  }
0x3c3: {  	v39 =	vtrunc.f32 v39  }
0x3c4: {  	v39 =	vcvt.f32.s32 v39;
	_ =	sdelay $0x1  }
0x3c5: {  	[tilespmem:$0xCC0] =	vst v39  }
0x3c6: {  	v39 =	vld.idx.msk [tilespmem:v15+s31+$0x0], $0xffff;
	_ =	sdelay $0x4  }
0x3c7: {  	v39 =	vtrunc.f32 v39  }
0x3c8: {  	v39 =	vcvt.f32.s32 v39;
	_ =	sdelay $0x1  }
0x3c9: {  	[tilespmem:$0xD40] =	vst v39  }
0x3ca: {  	v39 =	vld.idx.msk [tilespmem:v16+s31+$0x0], $0xffff;
	_ =	sdelay $0x4  }
0x3cb: {  	v39 =	vtrunc.f32 v39  }
0x3cc: {  	v39 =	vcvt.f32.s32 v39;
	_ =	sdelay $0x1  }
0x3cd: {  	[tilespmem:$0xDC0] =	vst v39  }
0x3ce: {  	v39 =	vld.idx.msk [tilespmem:v17+s31+$0x0], $0xffff;
	_ =	sdelay $0x4  }
0x3cf: {  	v39 =	vtrunc.f32 v39  }
0x3d0: {  	v39 =	vcvt.f32.s32 v39;
	_ =	sdelay $0x1  }
0x3d1: {  	[tilespmem:$0xE40] =	vst v39  }
0x3d2: {  	v39 =	vld.idx.msk [tilespmem:v18+s31+$0x0], $0xffff;
	_ =	sdelay $0x4  }
0x3d3: {  	v39 =	vtrunc.f32 v39  }
0x3d4: {  	v39 =	vcvt.f32.s32 v39;
	_ =	sdelay $0x1  }
0x3d5: {  	s15 =	simm.s32 @!p0 $0x6;
	[tilespmem:$0xEC0] =	vst v39  }
0x3d6: {  	_ =	swait.ge @!p0 [sflag:s15], $0xF000  }
0x3d7: {  	v40 =	vld [tilespmem:$0x1FDD0]  }
0x3d8: {  	[sflag:s15] =	ssyncset.done @!p0 $0x0  }
0x3d9: {  	[sflag:s15] =	ssyncadd.s32 @!p0 $0xFFFF1000  }
0x3da: {  	v39 =	vld.idx.msk [tilespmem:v19+s31+$0x0], $0xffff;
	_ =	sdelay $0x4  }
0x3db: {  	[tilespmem:v40+s5+$0x0] =	vst.idx.msk $0xffff, v39;
	v40 =	vld [tilespmem:$0x1FDE0];
	_ =	sdelay $0x2  }
0x3dc: {  	v39 =	vld.idx.msk [tilespmem:v20+s31+$0x0], $0xffff;
	_ =	sdelay $0x4  }
0x3dd: {  	[tilespmem:v40+s5+$0x0] =	vst.idx.msk $0xffff, v39;
	v40 =	vld [tilespmem:$0x1FDF0];
	_ =	sdelay $0x2  }
0x3de: {  	v39 =	vld.idx.msk [tilespmem:v21+s31+$0x0], $0xffff;
	_ =	sdelay $0x4  }
0x3df: {  	[tilespmem:v40+s5+$0x0] =	vst.idx.msk $0xffff, v39;
	v40 =	vld [tilespmem:$0x1FE00];
	_ =	sdelay $0x2  }
0x3e0: {  	v39 =	vld.idx.msk [tilespmem:v22+s31+$0x0], $0xffff;
	_ =	sdelay $0x4  }
0x3e1: {  	[tilespmem:v40+s5+$0x0] =	vst.idx.msk $0xffff, v39;
	v40 =	vld [tilespmem:$0x1FE10];
	_ =	sdelay $0x2  }
0x3e2: {  	v39 =	vld.idx.msk [tilespmem:v23+s31+$0x0], $0xffff;
	_ =	sdelay $0x4  }
0x3e3: {  	[tilespmem:v40+s5+$0x0] =	vst.idx.msk $0xffff, v39;
	v40 =	vld [tilespmem:$0x1FE20];
	_ =	sdelay $0x2  }
0x3e4: {  	v39 =	vld.idx.msk [tilespmem:v24+s31+$0x0], $0xffff;
	_ =	sdelay $0x4  }
0x3e5: {  	[tilespmem:v40+s5+$0x0] =	vst.idx.msk $0xffff, v39;
	v40 =	vld [tilespmem:$0x1FE30];
	_ =	sdelay $0x2  }
0x3e6: {  	v39 =	vld.idx.msk [tilespmem:v25+s31+$0x0], $0xffff;
	_ =	sdelay $0x4  }
0x3e7: {  	[tilespmem:v40+s5+$0x0] =	vst.idx.msk $0xffff, v39;
	v40 =	vld [tilespmem:$0x1FE40];
	_ =	sdelay $0x2  }
0x3e8: {  	v39 =	vld.idx.msk [tilespmem:v26+s31+$0x0], $0xffff;
	_ =	sdelay $0x4  }
0x3e9: {  	[tilespmem:v40+s5+$0x0] =	vst.idx.msk $0xffff, v39;
	v40 =	vld [tilespmem:$0x1FE50];
	_ =	sdelay $0x2  }
0x3ea: {  	v39 =	vld.idx.msk [tilespmem:v27+s31+$0x0], $0xffff;
	_ =	sdelay $0x4  }
0x3eb: {  	[tilespmem:v40+s5+$0x0] =	vst.idx.msk $0xffff, v39;
	v40 =	vld [tilespmem:$0x1FE60];
	_ =	sdelay $0x2  }
0x3ec: {  	v39 =	vld.idx.msk [tilespmem:v28+s31+$0x0], $0xffff;
	_ =	sdelay $0x4  }
0x3ed: {  	[tilespmem:v40+s5+$0x0] =	vst.idx.msk $0xffff, v39;
	v40 =	vld [tilespmem:$0x1FE70];
	_ =	sdelay $0x2  }
0x3ee: {  	v39 =	vld.idx.msk [tilespmem:v29+s31+$0x0], $0xffff;
	_ =	sdelay $0x4  }
0x3ef: {  	[tilespmem:v40+s5+$0x0] =	vst.idx.msk $0xffff, v39;
	v40 =	vld [tilespmem:$0x1FE80];
	_ =	sdelay $0x2  }
0x3f0: {  	v39 =	vld.idx.msk [tilespmem:v30+s31+$0x0], $0xffff;
	_ =	sdelay $0x4  }
0x3f1: {  	[tilespmem:v40+s5+$0x0] =	vst.idx.msk $0xffff, v39;
	v40 =	vld [tilespmem:$0x1FE90];
	_ =	sdelay $0x2  }
0x3f2: {  	v39 =	vld.idx.msk [tilespmem:v31+s31+$0x0], $0xffff;
	_ =	sdelay $0x4  }
0x3f3: {  	[tilespmem:v40+s5+$0x0] =	vst.idx.msk $0xffff, v39;
	v40 =	vld [tilespmem:$0x1FEA0];
	_ =	sdelay $0x2  }
0x3f4: {  	v39 =	vld.idx.msk [tilespmem:v32+s31+$0x0], $0xffff;
	_ =	sdelay $0x4  }
0x3f5: {  	[tilespmem:v40+s5+$0x0] =	vst.idx.msk $0xffff, v39;
	v40 =	vld [tilespmem:$0x1FEB0];
	_ =	sdelay $0x2  }
0x3f6: {  	v39 =	vld.idx.msk [tilespmem:v33+s31+$0x0], $0xffff;
	_ =	sdelay $0x4  }
0x3f7: {  	[tilespmem:v40+s5+$0x0] =	vst.idx.msk $0xffff, v39;
	v40 =	vld [tilespmem:$0x1FEC0];
	_ =	sdelay $0x2  }
0x3f8: {  	v39 =	vld.idx.msk [tilespmem:v34+s31+$0x0], $0xffff;
	_ =	sdelay $0x4  }
0x3f9: {  	[tilespmem:v40+s5+$0x0] =	vst.idx.msk $0xffff, v39;
	v40 =	vld [tilespmem:$0x1FED0];
	_ =	sdelay $0x2  }
0x3fa: {  	v39 =	vld.idx.msk [tilespmem:v35+s31+$0x0], $0xffff;
	_ =	sdelay $0x4  }
0x3fb: {  	[tilespmem:v40+s5+$0x0] =	vst.idx.msk $0xffff, v39;
	v40 =	vld [tilespmem:$0x1FEE0];
	_ =	sdelay $0x2  }
0x3fc: {  	v39 =	vld.idx.msk [tilespmem:v36+s31+$0x0], $0xffff;
	_ =	sdelay $0x4  }
0x3fd: {  	[tilespmem:v40+s5+$0x0] =	vst.idx.msk $0xffff, v39;
	v40 =	vld [tilespmem:$0x1FEF0];
	_ =	sdelay $0x2  }
0x3fe: {  	v39 =	vld.idx.msk [tilespmem:v37+s31+$0x0], $0xffff;
	_ =	sdelay $0x2  }
0x3ff: {  	v41 =	vld [tilespmem:$0x1FF00];
	_ =	sdelay $0x1  }
0x400: {  	[tilespmem:v40+s5+$0x0] =	vst.idx.msk $0xffff, v39  }
0x401: {  	v39 =	vld.idx.msk [tilespmem:v38+s31+$0x0], $0xffff;
	_ =	sdelay $0x2  }
0x402: {  	v40 =	vor.u32 $0x10E, v1;
	_ =	sdelay $0x1  }
0x403: {  	[tilespmem:v41+s5+$0x0] =	vst.idx.msk $0xffff, v39;
	v41 =	vld [tilespmem:$0x1FF10];
	_ =	sdelay $0x2  }
0x404: {  	v39 =	vld.idx.msk [tilespmem:v40+s31+$0x0], $0xffff;
	_ =	sdelay $0x2  }
0x405: {  	v40 =	vor.u32 $0x10F, v1;
	_ =	sdelay $0x1  }
0x406: {  	[tilespmem:v41+s5+$0x0] =	vst.idx.msk $0xffff, v39;
	v41 =	vld [tilespmem:$0x1FF20];
	_ =	sdelay $0x2  }
0x407: {  	v39 =	vld.idx.msk [tilespmem:v40+s31+$0x0], $0xffff;
	_ =	sdelay $0x2  }
0x408: {  	v40 =	vor.u32 $0x205, v1;
	_ =	sdelay $0x1  }
0x409: {  	[tilespmem:v41+s5+$0x0] =	vst.idx.msk $0xffff, v39;
	v41 =	vld [tilespmem:$0x1FF30];
	_ =	sdelay $0x2  }
0x40a: {  	v39 =	vld.idx.msk [tilespmem:v40+s31+$0x0], $0xffff;
	_ =	sdelay $0x2  }
0x40b: {  	v40 =	vor.u32 $0x206, v1;
	_ =	sdelay $0x1  }
0x40c: {  	[tilespmem:v41+s5+$0x0] =	vst.idx.msk $0xffff, v39;
	v41 =	vld [tilespmem:$0x1FF40];
	_ =	sdelay $0x2  }
0x40d: {  	v39 =	vld.idx.msk [tilespmem:v40+s31+$0x0], $0xffff;
	_ =	sdelay $0x2  }
0x40e: {  	v40 =	vor.u32 $0x207, v1;
	_ =	sdelay $0x1  }
0x40f: {  	[tilespmem:v41+s5+$0x0] =	vst.idx.msk $0xffff, v39;
	v41 =	vld [tilespmem:$0x1FF50];
	_ =	sdelay $0x2  }
0x410: {  	v39 =	vld.idx.msk [tilespmem:v40+s31+$0x0], $0xffff;
	_ =	sdelay $0x2  }
0x411: {  	v40 =	vor.u32 $0x208, v1;
	_ =	sdelay $0x1  }
0x412: {  	[tilespmem:v41+s5+$0x0] =	vst.idx.msk $0xffff, v39;
	v41 =	vld [tilespmem:$0x1FF60];
	_ =	sdelay $0x2  }
0x413: {  	v39 =	vld.idx.msk [tilespmem:v40+s31+$0x0], $0xffff;
	_ =	sdelay $0x2  }
0x414: {  	v40 =	vor.u32 $0x209, v1;
	_ =	sdelay $0x1  }
0x415: {  	[tilespmem:v41+s5+$0x0] =	vst.idx.msk $0xffff, v39;
	v41 =	vld [tilespmem:$0x1FF70];
	_ =	sdelay $0x2  }
0x416: {  	v39 =	vld.idx.msk [tilespmem:v40+s31+$0x0], $0xffff;
	_ =	sdelay $0x2  }
0x417: {  	v40 =	vor.u32 $0x20A, v1;
	_ =	sdelay $0x1  }
0x418: {  	[tilespmem:v41+s5+$0x0] =	vst.idx.msk $0xffff, v39;
	v41 =	vld [tilespmem:$0x1FF80];
	_ =	sdelay $0x2  }
0x419: {  	v39 =	vld.idx.msk [tilespmem:v40+s31+$0x0], $0xffff;
	_ =	sdelay $0x2  }
0x41a: {  	v40 =	vor.u32 $0x20B, v1;
	_ =	sdelay $0x1  }
0x41b: {  	[tilespmem:v41+s5+$0x0] =	vst.idx.msk $0xffff, v39;
	v41 =	vld [tilespmem:$0x1FF90];
	_ =	sdelay $0x2  }
0x41c: {  	v39 =	vld.idx.msk [tilespmem:v40+s31+$0x0], $0xffff;
	_ =	sdelay $0x2  }
0x41d: {  	v40 =	vor.u32 $0x20C, v1;
	_ =	sdelay $0x1  }
0x41e: {  	[tilespmem:v41+s5+$0x0] =	vst.idx.msk $0xffff, v39;
	v41 =	vld [tilespmem:$0x1FFA0];
	_ =	sdelay $0x2  }
0x41f: {  	v39 =	vld.idx.msk [tilespmem:v40+s31+$0x0], $0xffff;
	_ =	sdelay $0x2  }
0x420: {  	v40 =	vor.u32 $0x20D, v1;
	_ =	sdelay $0x1  }
0x421: {  	[tilespmem:v41+s5+$0x0] =	vst.idx.msk $0xffff, v39;
	v41 =	vld [tilespmem:$0x1FFB0];
	_ =	sdelay $0x2  }
0x422: {  	v39 =	vld.idx.msk [tilespmem:v40+s31+$0x0], $0xffff;
	_ =	sdelay $0x2  }
0x423: {  	v40 =	vor.u32 $0x20E, v1;
	_ =	sdelay $0x1  }
0x424: {  	[tilespmem:v41+s5+$0x0] =	vst.idx.msk $0xffff, v39;
	v41 =	vld [tilespmem:$0x1FFC0];
	_ =	sdelay $0x2  }
0x425: {  	v39 =	vld.idx.msk [tilespmem:v40+s31+$0x0], $0xffff;
	_ =	sdelay $0x2  }
0x426: {  	v40 =	vor.u32 $0x20F, v1;
	_ =	sdelay $0x1  }
0x427: {  	[tilespmem:v41+s5+$0x0] =	vst.idx.msk $0xffff, v39;
	v41 =	vld [tilespmem:$0x1FFD0];
	_ =	sdelay $0x2  }
0x428: {  	v39 =	vld.idx.msk [tilespmem:v40+s31+$0x0], $0xffff;
	_ =	sdelay $0x2  }
0x429: {  	v40 =	vor.u32 $0x305, v1;
	_ =	sdelay $0x1  }
0x42a: {  	[tilespmem:v41+s5+$0x0] =	vst.idx.msk $0xffff, v39;
	v41 =	vld [tilespmem:$0x1FFE0];
	_ =	sdelay $0x2  }
0x42b: {  	v39 =	vld.idx.msk [tilespmem:v40+s31+$0x0], $0xffff;
	_ =	sdelay $0x2  }
0x42c: {  	v40 =	vor.u32 $0x306, v1;
	_ =	sdelay $0x1  }
0x42d: {  	[tilespmem:v41+s5+$0x0] =	vst.idx.msk $0xffff, v39;
	v41 =	vld [tilespmem:$0x1FFF0];
	_ =	sdelay $0x2  }
0x42e: {  	v39 =	vld.idx.msk [tilespmem:v40+s31+$0x0], $0xffff  }
0x42f: {  	v40 =	vor.u32 $0x307, v1;
	_ =	sdelay $0x3  }
0x430: {  	[tilespmem:v41+s5+$0x0] =	vst.idx.msk $0xffff, v39  }
0x431: {  	v39 =	vld.idx.msk [tilespmem:v40+s31+$0x0], $0xffff  }
0x432: {  	v40 =	vor.u32 $0x308, v1;
	_ =	sdelay $0x3  }
0x433: {  	[tilespmem:v44+s5+$0x0] =	vst.idx.msk $0xffff, v39  }
0x434: {  	v39 =	vld.idx.msk [tilespmem:v40+s31+$0x0], $0xffff  }
0x435: {  	v40 =	vor.u32 $0x309, v1;
	_ =	sdelay $0x3  }
0x436: {  	[tilespmem:v45+s5+$0x0] =	vst.idx.msk $0xffff, v39  }
0x437: {  	v39 =	vld.idx.msk [tilespmem:v40+s31+$0x0], $0xffff  }
0x438: {  	v40 =	vor.u32 $0x30A, v1;
	_ =	sdelay $0x3  }
0x439: {  	[tilespmem:v46+s5+$0x0] =	vst.idx.msk $0xffff, v39  }
0x43a: {  	v39 =	vld.idx.msk [tilespmem:v40+s31+$0x0], $0xffff  }
0x43b: {  	v40 =	vor.u32 $0x30B, v1;
	_ =	sdelay $0x3  }
0x43c: {  	[tilespmem:v47+s5+$0x0] =	vst.idx.msk $0xffff, v39  }
0x43d: {  	v39 =	vld.idx.msk [tilespmem:v40+s31+$0x0], $0xffff  }
0x43e: {  	v40 =	vor.u32 $0x30C, v1;
	_ =	sdelay $0x3  }
0x43f: {  	[tilespmem:v48+s5+$0x0] =	vst.idx.msk $0xffff, v39  }
0x440: {  	v39 =	vld.idx.msk [tilespmem:v40+s31+$0x0], $0xffff  }
0x441: {  	v40 =	vor.u32 $0x30D, v1;
	_ =	sdelay $0x3  }
0x442: {  	[tilespmem:v49+s5+$0x0] =	vst.idx.msk $0xffff, v39  }
0x443: {  	v39 =	vld.idx.msk [tilespmem:v40+s31+$0x0], $0xffff  }
0x444: {  	v40 =	vor.u32 $0x30E, v1;
	_ =	sdelay $0x3  }
0x445: {  	[tilespmem:v50+s5+$0x0] =	vst.idx.msk $0xffff, v39  }
0x446: {  	v39 =	vld.idx.msk [tilespmem:v40+s31+$0x0], $0xffff  }
0x447: {  	v40 =	vor.u32 $0x30F, v1;
	_ =	sdelay $0x3  }
0x448: {  	[tilespmem:v51+s5+$0x0] =	vst.idx.msk $0xffff, v39  }
0x449: {  	v39 =	vld.idx.msk [tilespmem:v40+s31+$0x0], $0xffff  }
0x44a: {  	v40 =	vor.u32 $0x405, v1;
	_ =	sdelay $0x3  }
0x44b: {  	[tilespmem:v52+s5+$0x0] =	vst.idx.msk $0xffff, v39  }
0x44c: {  	v39 =	vld.idx.msk [tilespmem:v40+s31+$0x0], $0xffff  }
0x44d: {  	v40 =	vor.u32 $0x406, v1;
	_ =	sdelay $0x3  }
0x44e: {  	[tilespmem:v53+s5+$0x0] =	vst.idx.msk $0xffff, v39  }
0x44f: {  	v39 =	vld.idx.msk [tilespmem:v40+s31+$0x0], $0xffff  }
0x450: {  	v40 =	vor.u32 $0x407, v1;
	_ =	sdelay $0x3  }
0x451: {  	[tilespmem:v54+s5+$0x0] =	vst.idx.msk $0xffff, v39  }
0x452: {  	v39 =	vld.idx.msk [tilespmem:v40+s31+$0x0], $0xffff  }
0x453: {  	v40 =	vor.u32 $0x408, v1;
	_ =	sdelay $0x3  }
0x454: {  	[tilespmem:v55+s5+$0x0] =	vst.idx.msk $0xffff, v39  }
0x455: {  	v39 =	vld.idx.msk [tilespmem:v40+s31+$0x0], $0xffff  }
0x456: {  	v40 =	vor.u32 $0x409, v1;
	_ =	sdelay $0x3  }
0x457: {  	[tilespmem:v56+s5+$0x0] =	vst.idx.msk $0xffff, v39  }
0x458: {  	v39 =	vld.idx.msk [tilespmem:v40+s31+$0x0], $0xffff  }
0x459: {  	v40 =	vor.u32 $0x40A, v1;
	_ =	sdelay $0x3  }
0x45a: {  	[tilespmem:v57+s5+$0x0] =	vst.idx.msk $0xffff, v39  }
0x45b: {  	v39 =	vld.idx.msk [tilespmem:v40+s31+$0x0], $0xffff  }
0x45c: {  	v40 =	vor.u32 $0x40B, v1;
	_ =	sdelay $0x3  }
0x45d: {  	[tilespmem:v58+s5+$0x0] =	vst.idx.msk $0xffff, v39  }
0x45e: {  	v39 =	vld.idx.msk [tilespmem:v40+s31+$0x0], $0xffff  }
0x45f: {  	v40 =	vor.u32 $0x40C, v1;
	_ =	sdelay $0x3  }
0x460: {  	[tilespmem:v59+s5+$0x0] =	vst.idx.msk $0xffff, v39  }
0x461: {  	v39 =	vld.idx.msk [tilespmem:v40+s31+$0x0], $0xffff  }
0x462: {  	v40 =	vor.u32 $0x40D, v1;
	_ =	sdelay $0x3  }
0x463: {  	[tilespmem:v60+s5+$0x0] =	vst.idx.msk $0xffff, v39  }
0x464: {  	v39 =	vld.idx.msk [tilespmem:v40+s31+$0x0], $0xffff  }
0x465: {  	v40 =	vor.u32 $0x40E, v1;
	_ =	sdelay $0x3  }
0x466: {  	[tilespmem:v61+s5+$0x0] =	vst.idx.msk $0xffff, v39  }
0x467: {  	v39 =	vld.idx.msk [tilespmem:v40+s31+$0x0], $0xffff  }
0x468: {  	v40 =	vor.u32 $0x40F, v1;
	_ =	sdelay $0x3  }
0x469: {  	[tilespmem:v62+s5+$0x0] =	vst.idx.msk $0xffff, v39  }
0x46a: {  	v39 =	vld.idx.msk [tilespmem:v40+s31+$0x0], $0xffff;
	_ =	sdelay $0x4  }
0x46b: {  	[tilespmem:v63+s5+$0x0] =	vst.idx.msk $0xffff, v39  }
0x46c: {  	v42 =	vld [tilespmem:$0xC80];
	_ =	sdelay $0x3  }
0x46d: {  	v40 =	vshrl.u32 v0, $0x3;
	v39 =	vand.u32 $0x7, v0  }
0x46e: {  	v40 =	vmul.u32 $0x8, v40;
	v43 =	vperm.xlane v42, v39  }
0x46f: {  	v41 =	vor.u32 $0x8, v0  }
0x470: {  	v42 =	vperm.xlane v42, v41;
	v43 =	vadd.s32 v40, v43;
	_ =	sdelay $0x1  }
0x471: {  	v42 =	vadd.s32 v40, v42;
	_ =	sdelay $0x1  }
0x472: {  	vm0 =	vmmov $0xff  }
0x473: {  	[tilespmem:s5], [sflag:$0x4] =	stream.indirect_vreg.gather [hbm4b:s0+s8], $0x80, v43, vm0, $0xb8;
	[tilespmem:$0x1EF00] =	vst v63  }
0x474: {  	s20 =	simm.s32 $0x11700  }
0x475: {  	[tilespmem:s20], [sflag:$0x4] =	stream.indirect_vreg.gather [hbm4b:s0+s8], $0x80, v42, vm0, $0xb8;
	[tilespmem:$0x1EF00] =	vst v63  }
0x476: {  	v42 =	vld [tilespmem:$0xC90];
	_ =	sdelay $0x4  }
0x477: {  	v43 =	vperm.xlane v42, v39;
	_ =	sdelay $0x1  }
0x478: {  	v42 =	vperm.xlane v42, v41;
	v43 =	vadd.s32 v40, v43;
	_ =	sdelay $0x1  }
0x479: {  	v42 =	vadd.s32 v40, v42;
	_ =	sdelay $0x1  }
0x47a: {  	s16 =	simm.s32 $0x12F00  }
0x47b: {  	[tilespmem:s16], [sflag:$0x4] =	stream.indirect_vreg.gather [hbm4b:s0+s8], $0x80, v43, vm0, $0xb8;
	[tilespmem:$0x1EF00] =	vst v63  }
0x47c: {  	s19 =	simm.s32 $0x14700  }
0x47d: {  	[tilespmem:s19], [sflag:$0x4] =	stream.indirect_vreg.gather [hbm4b:s0+s8], $0x80, v42, vm0, $0xb8;
	[tilespmem:$0x1EF00] =	vst v63  }
0x47e: {  	v42 =	vld [tilespmem:$0xCA0];
	_ =	sdelay $0x4  }
0x47f: {  	v43 =	vperm.xlane v42, v39;
	_ =	sdelay $0x1  }
0x480: {  	v42 =	vperm.xlane v42, v41;
	v43 =	vadd.s32 v40, v43;
	_ =	sdelay $0x1  }
0x481: {  	v42 =	vadd.s32 v40, v42;
	_ =	sdelay $0x1  }
0x482: {  	s20 =	simm.s32 $0x15F00  }
0x483: {  	[tilespmem:s20], [sflag:$0x4] =	stream.indirect_vreg.gather [hbm4b:s0+s8], $0x80, v43, vm0, $0xb8;
	[tilespmem:$0x1EF00] =	vst v63  }
0x484: {  	s16 =	simm.s32 $0x17700  }
0x485: {  	[tilespmem:s16], [sflag:$0x4] =	stream.indirect_vreg.gather [hbm4b:s0+s8], $0x80, v42, vm0, $0xb8;
	[tilespmem:$0x1EF00] =	vst v63  }
0x486: {  	v42 =	vld [tilespmem:$0xCB0];
	_ =	sdelay $0x4  }
0x487: {  	v43 =	vperm.xlane v42, v39;
	_ =	sdelay $0x1  }
0x488: {  	v42 =	vperm.xlane v42, v41;
	v43 =	vadd.s32 v40, v43;
	_ =	sdelay $0x1  }
0x489: {  	v42 =	vadd.s32 v40, v42;
	_ =	sdelay $0x1  }
0x48a: {  	s19 =	simm.s32 $0x18F00  }
0x48b: {  	[tilespmem:s19], [sflag:$0x4] =	stream.indirect_vreg.gather [hbm4b:s0+s8], $0x80, v43, vm0, $0xb8;
	[tilespmem:$0x1EF00] =	vst v63  }
0x48c: {  	s20 =	simm.s32 $0x1A700  }
0x48d: {  	[tilespmem:s20], [sflag:$0x4] =	stream.indirect_vreg.gather [hbm4b:s0+s8], $0x80, v42, vm0, $0xb8;
	[tilespmem:$0x1EF00] =	vst v63  }
0x48e: {  	v42 =	vld [tilespmem:$0xCC0];
	_ =	sdelay $0x4  }
0x48f: {  	v43 =	vperm.xlane v42, v39;
	_ =	sdelay $0x1  }
0x490: {  	v42 =	vperm.xlane v42, v41;
	v43 =	vadd.s32 v40, v43;
	_ =	sdelay $0x1  }
0x491: {  	v42 =	vadd.s32 v40, v42;
	_ =	sdelay $0x1  }
0x492: {  	s16 =	simm.s32 $0x1BF00  }
0x493: {  	[tilespmem:s16], [sflag:$0x4] =	stream.indirect_vreg.gather [hbm4b:s0+s8], $0x80, v43, vm0, $0xb8;
	[tilespmem:$0x1EF00] =	vst v63  }
0x494: {  	s19 =	simm.s32 $0x1D700  }
0x495: {  	[tilespmem:s19], [sflag:$0x4] =	stream.indirect_vreg.gather [hbm4b:s0+s8], $0x80, v42, vm0, $0xb8;
	[tilespmem:$0x1EF00] =	vst v63  }
0x496: {  	v42 =	vld [tilespmem:$0xD00];
	_ =	sdelay $0x4  }
0x497: {  	v43 =	vperm.xlane v42, v39;
	_ =	sdelay $0x1  }
0x498: {  	v42 =	vperm.xlane v42, v41;
	v43 =	vadd.s32 v40, v43;
	_ =	sdelay $0x1  }
0x499: {  	v42 =	vadd.s32 v40, v42;
	_ =	sdelay $0x1  }
0x49a: {  	s20 =	simm.s32 $0x10300  }
0x49b: {  	[tilespmem:s20], [sflag:$0x4] =	stream.indirect_vreg.gather [hbm4b:s1+s8], $0x80, v43, vm0, $0xb8;
	[tilespmem:$0x1EF00] =	vst v63  }
0x49c: {  	s16 =	simm.s32 $0x11B00  }
0x49d: {  	[tilespmem:s16], [sflag:$0x4] =	stream.indirect_vreg.gather [hbm4b:s1+s8], $0x80, v42, vm0, $0xb8;
	[tilespmem:$0x1EF00] =	vst v63  }
0x49e: {  	v42 =	vld [tilespmem:$0xD10];
	_ =	sdelay $0x4  }
0x49f: {  	v43 =	vperm.xlane v42, v39;
	_ =	sdelay $0x1  }
0x4a0: {  	v42 =	vperm.xlane v42, v41;
	v43 =	vadd.s32 v40, v43;
	_ =	sdelay $0x1  }
0x4a1: {  	v42 =	vadd.s32 v40, v42;
	_ =	sdelay $0x1  }
0x4a2: {  	s19 =	simm.s32 $0x13300  }
0x4a3: {  	[tilespmem:s19], [sflag:$0x4] =	stream.indirect_vreg.gather [hbm4b:s1+s8], $0x80, v43, vm0, $0xb8;
	[tilespmem:$0x1EF00] =	vst v63  }
0x4a4: {  	s20 =	simm.s32 $0x14B00  }
0x4a5: {  	[tilespmem:s20], [sflag:$0x4] =	stream.indirect_vreg.gather [hbm4b:s1+s8], $0x80, v42, vm0, $0xb8;
	[tilespmem:$0x1EF00] =	vst v63  }
0x4a6: {  	v42 =	vld [tilespmem:$0xD20];
	_ =	sdelay $0x4  }
0x4a7: {  	v43 =	vperm.xlane v42, v39;
	_ =	sdelay $0x1  }
0x4a8: {  	v42 =	vperm.xlane v42, v41;
	v43 =	vadd.s32 v40, v43;
	_ =	sdelay $0x1  }
0x4a9: {  	v42 =	vadd.s32 v40, v42;
	_ =	sdelay $0x1  }
0x4aa: {  	s16 =	simm.s32 $0x16300  }
0x4ab: {  	[tilespmem:s16], [sflag:$0x4] =	stream.indirect_vreg.gather [hbm4b:s1+s8], $0x80, v43, vm0, $0xb8;
	[tilespmem:$0x1EF00] =	vst v63  }
0x4ac: {  	s19 =	simm.s32 $0x17B00  }
0x4ad: {  	[tilespmem:s19], [sflag:$0x4] =	stream.indirect_vreg.gather [hbm4b:s1+s8], $0x80, v42, vm0, $0xb8;
	[tilespmem:$0x1EF00] =	vst v63  }
0x4ae: {  	v42 =	vld [tilespmem:$0xD30];
	_ =	sdelay $0x4  }
0x4af: {  	v43 =	vperm.xlane v42, v39;
	_ =	sdelay $0x1  }
0x4b0: {  	v42 =	vperm.xlane v42, v41;
	v43 =	vadd.s32 v40, v43;
	_ =	sdelay $0x1  }
0x4b1: {  	v42 =	vadd.s32 v40, v42;
	_ =	sdelay $0x1  }
0x4b2: {  	s20 =	simm.s32 $0x19300  }
0x4b3: {  	[tilespmem:s20], [sflag:$0x4] =	stream.indirect_vreg.gather [hbm4b:s1+s8], $0x80, v43, vm0, $0xb8;
	[tilespmem:$0x1EF00] =	vst v63  }
0x4b4: {  	s16 =	simm.s32 $0x1AB00  }
0x4b5: {  	[tilespmem:s16], [sflag:$0x4] =	stream.indirect_vreg.gather [hbm4b:s1+s8], $0x80, v42, vm0, $0xb8;
	[tilespmem:$0x1EF00] =	vst v63  }
0x4b6: {  	v42 =	vld [tilespmem:$0xD40];
	_ =	sdelay $0x4  }
0x4b7: {  	v43 =	vperm.xlane v42, v39;
	_ =	sdelay $0x1  }
0x4b8: {  	v42 =	vperm.xlane v42, v41;
	v43 =	vadd.s32 v40, v43;
	_ =	sdelay $0x1  }
0x4b9: {  	v42 =	vadd.s32 v40, v42;
	_ =	sdelay $0x1  }
0x4ba: {  	s19 =	simm.s32 $0x1C300  }
0x4bb: {  	[tilespmem:s19], [sflag:$0x4] =	stream.indirect_vreg.gather [hbm4b:s1+s8], $0x80, v43, vm0, $0xb8;
	[tilespmem:$0x1EF00] =	vst v63  }
0x4bc: {  	s20 =	simm.s32 $0x1DB00  }
0x4bd: {  	[tilespmem:s20], [sflag:$0x4] =	stream.indirect_vreg.gather [hbm4b:s1+s8], $0x80, v42, vm0, $0xb8;
	[tilespmem:$0x1EF00] =	vst v63  }
0x4be: {  	v42 =	vld [tilespmem:$0xD80];
	_ =	sdelay $0x4  }
0x4bf: {  	v43 =	vperm.xlane v42, v39;
	_ =	sdelay $0x1  }
0x4c0: {  	v42 =	vperm.xlane v42, v41;
	v43 =	vadd.s32 v40, v43;
	_ =	sdelay $0x1  }
0x4c1: {  	v42 =	vadd.s32 v40, v42;
	_ =	sdelay $0x1  }
0x4c2: {  	s16 =	simm.s32 $0x10700  }
0x4c3: {  	[tilespmem:s16], [sflag:$0x4] =	stream.indirect_vreg.gather [hbm4b:s2+s8], $0x80, v43, vm0, $0xb8;
	[tilespmem:$0x1EF00] =	vst v63  }
0x4c4: {  	s19 =	simm.s32 $0x11F00  }
0x4c5: {  	[tilespmem:s19], [sflag:$0x4] =	stream.indirect_vreg.gather [hbm4b:s2+s8], $0x80, v42, vm0, $0xb8;
	[tilespmem:$0x1EF00] =	vst v63  }
0x4c6: {  	v42 =	vld [tilespmem:$0xD90];
	_ =	sdelay $0x4  }
0x4c7: {  	v43 =	vperm.xlane v42, v39;
	_ =	sdelay $0x1  }
0x4c8: {  	v42 =	vperm.xlane v42, v41;
	v43 =	vadd.s32 v40, v43;
	_ =	sdelay $0x1  }
0x4c9: {  	v42 =	vadd.s32 v40, v42;
	_ =	sdelay $0x1  }
0x4ca: {  	s20 =	simm.s32 $0x13700  }
0x4cb: {  	[tilespmem:s20], [sflag:$0x4] =	stream.indirect_vreg.gather [hbm4b:s2+s8], $0x80, v43, vm0, $0xb8;
	[tilespmem:$0x1EF00] =	vst v63  }
0x4cc: {  	s16 =	simm.s32 $0x14F00  }
0x4cd: {  	[tilespmem:s16], [sflag:$0x4] =	stream.indirect_vreg.gather [hbm4b:s2+s8], $0x80, v42, vm0, $0xb8;
	[tilespmem:$0x1EF00] =	vst v63  }
0x4ce: {  	v42 =	vld [tilespmem:$0xDA0];
	_ =	sdelay $0x4  }
0x4cf: {  	v43 =	vperm.xlane v42, v39;
	_ =	sdelay $0x1  }
0x4d0: {  	v42 =	vperm.xlane v42, v41;
	v43 =	vadd.s32 v40, v43;
	_ =	sdelay $0x1  }
0x4d1: {  	v42 =	vadd.s32 v40, v42;
	_ =	sdelay $0x1  }
0x4d2: {  	s19 =	simm.s32 $0x16700  }
0x4d3: {  	[tilespmem:s19], [sflag:$0x4] =	stream.indirect_vreg.gather [hbm4b:s2+s8], $0x80, v43, vm0, $0xb8;
	[tilespmem:$0x1EF00] =	vst v63  }
0x4d4: {  	s20 =	simm.s32 $0x17F00  }
0x4d5: {  	[tilespmem:s20], [sflag:$0x4] =	stream.indirect_vreg.gather [hbm4b:s2+s8], $0x80, v42, vm0, $0xb8;
	[tilespmem:$0x1EF00] =	vst v63  }
0x4d6: {  	v42 =	vld [tilespmem:$0xDB0];
	_ =	sdelay $0x4  }
0x4d7: {  	v43 =	vperm.xlane v42, v39;
	_ =	sdelay $0x1  }
0x4d8: {  	v42 =	vperm.xlane v42, v41;
	v43 =	vadd.s32 v40, v43;
	_ =	sdelay $0x1  }
0x4d9: {  	v42 =	vadd.s32 v40, v42;
	_ =	sdelay $0x1  }
0x4da: {  	s16 =	simm.s32 $0x19700  }
0x4db: {  	[tilespmem:s16], [sflag:$0x4] =	stream.indirect_vreg.gather [hbm4b:s2+s8], $0x80, v43, vm0, $0xb8;
	[tilespmem:$0x1EF00] =	vst v63  }
0x4dc: {  	s19 =	simm.s32 $0x1AF00  }
0x4dd: {  	[tilespmem:s19], [sflag:$0x4] =	stream.indirect_vreg.gather [hbm4b:s2+s8], $0x80, v42, vm0, $0xb8;
	[tilespmem:$0x1EF00] =	vst v63  }
0x4de: {  	v42 =	vld [tilespmem:$0xDC0];
	_ =	sdelay $0x4  }
0x4df: {  	v43 =	vperm.xlane v42, v39;
	_ =	sdelay $0x1  }
0x4e0: {  	v42 =	vperm.xlane v42, v41;
	v43 =	vadd.s32 v40, v43;
	_ =	sdelay $0x1  }
0x4e1: {  	v42 =	vadd.s32 v40, v42;
	_ =	sdelay $0x1  }
0x4e2: {  	s20 =	simm.s32 $0x1C700  }
0x4e3: {  	[tilespmem:s20], [sflag:$0x4] =	stream.indirect_vreg.gather [hbm4b:s2+s8], $0x80, v43, vm0, $0xb8;
	[tilespmem:$0x1EF00] =	vst v63  }
0x4e4: {  	s16 =	simm.s32 $0x1DF00  }
0x4e5: {  	[tilespmem:s16], [sflag:$0x4] =	stream.indirect_vreg.gather [hbm4b:s2+s8], $0x80, v42, vm0, $0xb8;
	[tilespmem:$0x1EF00] =	vst v63  }
0x4e6: {  	v42 =	vld [tilespmem:$0xE00];
	_ =	sdelay $0x4  }
0x4e7: {  	v43 =	vperm.xlane v42, v39;
	_ =	sdelay $0x1  }
0x4e8: {  	v42 =	vperm.xlane v42, v41;
	v43 =	vadd.s32 v40, v43;
	_ =	sdelay $0x1  }
0x4e9: {  	v42 =	vadd.s32 v40, v42;
	_ =	sdelay $0x1  }
0x4ea: {  	s19 =	simm.s32 $0x10B00  }
0x4eb: {  	[tilespmem:s19], [sflag:$0x4] =	stream.indirect_vreg.gather [hbm4b:s4+s8], $0x80, v43, vm0, $0xb8;
	[tilespmem:$0x1EF00] =	vst v63  }
0x4ec: {  	s20 =	simm.s32 $0x12300  }
0x4ed: {  	[tilespmem:s20], [sflag:$0x4] =	stream.indirect_vreg.gather [hbm4b:s4+s8], $0x80, v42, vm0, $0xb8;
	[tilespmem:$0x1EF00] =	vst v63  }
0x4ee: {  	v42 =	vld [tilespmem:$0xE10];
	_ =	sdelay $0x4  }
0x4ef: {  	v43 =	vperm.xlane v42, v39;
	_ =	sdelay $0x1  }
0x4f0: {  	v42 =	vperm.xlane v42, v41;
	v43 =	vadd.s32 v40, v43;
	_ =	sdelay $0x1  }
0x4f1: {  	v42 =	vadd.s32 v40, v42;
	_ =	sdelay $0x1  }
0x4f2: {  	s16 =	simm.s32 $0x13B00  }
0x4f3: {  	[tilespmem:s16], [sflag:$0x4] =	stream.indirect_vreg.gather [hbm4b:s4+s8], $0x80, v43, vm0, $0xb8;
	[tilespmem:$0x1EF00] =	vst v63  }
0x4f4: {  	s19 =	simm.s32 $0x15300  }
0x4f5: {  	[tilespmem:s19], [sflag:$0x4] =	stream.indirect_vreg.gather [hbm4b:s4+s8], $0x80, v42, vm0, $0xb8;
	[tilespmem:$0x1EF00] =	vst v63  }
0x4f6: {  	v42 =	vld [tilespmem:$0xE20];
	_ =	sdelay $0x4  }
0x4f7: {  	v43 =	vperm.xlane v42, v39;
	_ =	sdelay $0x1  }
0x4f8: {  	v42 =	vperm.xlane v42, v41;
	v43 =	vadd.s32 v40, v43;
	_ =	sdelay $0x1  }
0x4f9: {  	v42 =	vadd.s32 v40, v42;
	_ =	sdelay $0x1  }
0x4fa: {  	s20 =	simm.s32 $0x16B00  }
0x4fb: {  	[tilespmem:s20], [sflag:$0x4] =	stream.indirect_vreg.gather [hbm4b:s4+s8], $0x80, v43, vm0, $0xb8;
	[tilespmem:$0x1EF00] =	vst v63  }
0x4fc: {  	s16 =	simm.s32 $0x18300  }
0x4fd: {  	[tilespmem:s16], [sflag:$0x4] =	stream.indirect_vreg.gather [hbm4b:s4+s8], $0x80, v42, vm0, $0xb8;
	[tilespmem:$0x1EF00] =	vst v63  }
0x4fe: {  	v42 =	vld [tilespmem:$0xE30];
	_ =	sdelay $0x4  }
0x4ff: {  	v43 =	vperm.xlane v42, v39;
	_ =	sdelay $0x1  }
0x500: {  	v42 =	vperm.xlane v42, v41;
	v43 =	vadd.s32 v40, v43;
	_ =	sdelay $0x1  }
0x501: {  	v42 =	vadd.s32 v40, v42;
	_ =	sdelay $0x1  }
0x502: {  	s19 =	simm.s32 $0x19B00  }
0x503: {  	[tilespmem:s19], [sflag:$0x4] =	stream.indirect_vreg.gather [hbm4b:s4+s8], $0x80, v43, vm0, $0xb8;
	[tilespmem:$0x1EF00] =	vst v63  }
0x504: {  	s20 =	simm.s32 $0x1B300  }
0x505: {  	[tilespmem:s20], [sflag:$0x4] =	stream.indirect_vreg.gather [hbm4b:s4+s8], $0x80, v42, vm0, $0xb8;
	[tilespmem:$0x1EF00] =	vst v63  }
0x506: {  	v42 =	vld [tilespmem:$0xE40];
	_ =	sdelay $0x4  }
0x507: {  	v43 =	vperm.xlane v42, v39;
	_ =	sdelay $0x1  }
0x508: {  	v42 =	vperm.xlane v42, v41;
	v43 =	vadd.s32 v40, v43;
	_ =	sdelay $0x1  }
0x509: {  	v42 =	vadd.s32 v40, v42;
	_ =	sdelay $0x1  }
0x50a: {  	s16 =	simm.s32 $0x1CB00  }
0x50b: {  	[tilespmem:s16], [sflag:$0x4] =	stream.indirect_vreg.gather [hbm4b:s4+s8], $0x80, v43, vm0, $0xb8;
	[tilespmem:$0x1EF00] =	vst v63  }
0x50c: {  	s19 =	simm.s32 $0x1E300  }
0x50d: {  	[tilespmem:s19], [sflag:$0x4] =	stream.indirect_vreg.gather [hbm4b:s4+s8], $0x80, v42, vm0, $0xb8;
	[tilespmem:$0x1EF00] =	vst v63  }
0x50e: {  	v42 =	vld [tilespmem:$0xE80];
	_ =	sdelay $0x4  }
0x50f: {  	v43 =	vperm.xlane v42, v39;
	_ =	sdelay $0x1  }
0x510: {  	v42 =	vperm.xlane v42, v41;
	v43 =	vadd.s32 v40, v43;
	_ =	sdelay $0x1  }
0x511: {  	v42 =	vadd.s32 v40, v42;
	_ =	sdelay $0x1  }
0x512: {  	s20 =	simm.s32 $0x10F00  }
0x513: {  	[tilespmem:s20], [sflag:$0x4] =	stream.indirect_vreg.gather [hbm4b:s6+s8], $0x80, v43, vm0, $0xb8;
	[tilespmem:$0x1EF00] =	vst v63  }
0x514: {  	s16 =	simm.s32 $0x12700  }
0x515: {  	[tilespmem:s16], [sflag:$0x4] =	stream.indirect_vreg.gather [hbm4b:s6+s8], $0x80, v42, vm0, $0xb8;
	[tilespmem:$0x1EF00] =	vst v63  }
0x516: {  	v42 =	vld [tilespmem:$0xE90];
	_ =	sdelay $0x4  }
0x517: {  	v43 =	vperm.xlane v42, v39;
	_ =	sdelay $0x1  }
0x518: {  	v42 =	vperm.xlane v42, v41;
	v43 =	vadd.s32 v40, v43;
	_ =	sdelay $0x1  }
0x519: {  	v42 =	vadd.s32 v40, v42;
	_ =	sdelay $0x1  }
0x51a: {  	s19 =	simm.s32 $0x13F00  }
0x51b: {  	[tilespmem:s19], [sflag:$0x4] =	stream.indirect_vreg.gather [hbm4b:s6+s8], $0x80, v43, vm0, $0xb8;
	[tilespmem:$0x1EF00] =	vst v63  }
0x51c: {  	s20 =	simm.s32 $0x15700  }
0x51d: {  	[tilespmem:s20], [sflag:$0x4] =	stream.indirect_vreg.gather [hbm4b:s6+s8], $0x80, v42, vm0, $0xb8;
	[tilespmem:$0x1EF00] =	vst v63  }
0x51e: {  	v42 =	vld [tilespmem:$0xEA0];
	_ =	sdelay $0x4  }
0x51f: {  	v43 =	vperm.xlane v42, v39;
	_ =	sdelay $0x1  }
0x520: {  	v42 =	vperm.xlane v42, v41;
	v43 =	vadd.s32 v40, v43;
	_ =	sdelay $0x1  }
0x521: {  	v42 =	vadd.s32 v40, v42;
	_ =	sdelay $0x1  }
0x522: {  	s16 =	simm.s32 $0x16F00  }
0x523: {  	[tilespmem:s16], [sflag:$0x4] =	stream.indirect_vreg.gather [hbm4b:s6+s8], $0x80, v43, vm0, $0xb8;
	[tilespmem:$0x1EF00] =	vst v63  }
0x524: {  	s19 =	simm.s32 $0x18700  }
0x525: {  	[tilespmem:s19], [sflag:$0x4] =	stream.indirect_vreg.gather [hbm4b:s6+s8], $0x80, v42, vm0, $0xb8;
	[tilespmem:$0x1EF00] =	vst v63  }
0x526: {  	v42 =	vld [tilespmem:$0xEB0];
	_ =	sdelay $0x4  }
0x527: {  	v43 =	vperm.xlane v42, v39;
	_ =	sdelay $0x1  }
0x528: {  	v42 =	vperm.xlane v42, v41;
	v43 =	vadd.s32 v40, v43;
	_ =	sdelay $0x1  }
0x529: {  	v42 =	vadd.s32 v40, v42;
	_ =	sdelay $0x1  }
0x52a: {  	s20 =	simm.s32 $0x19F00  }
0x52b: {  	[tilespmem:s20], [sflag:$0x4] =	stream.indirect_vreg.gather [hbm4b:s6+s8], $0x80, v43, vm0, $0xb8;
	[tilespmem:$0x1EF00] =	vst v63  }
0x52c: {  	s16 =	simm.s32 $0x1B700  }
0x52d: {  	[tilespmem:s16], [sflag:$0x4] =	stream.indirect_vreg.gather [hbm4b:s6+s8], $0x80, v42, vm0, $0xb8;
	[tilespmem:$0x1EF00] =	vst v63  }
0x52e: {  	v42 =	vld [tilespmem:$0xEC0];
	_ =	sdelay $0x4  }
0x52f: {  	v39 =	vperm.xlane v42, v39;
	_ =	sdelay $0x1  }
0x530: {  	v41 =	vperm.xlane v42, v41;
	v39 =	vadd.s32 v40, v39;
	_ =	sdelay $0x1  }
0x531: {  	v40 =	vadd.s32 v40, v41  }
.Ltmp8:
0x532: {  	_ = 	snop;
	(pc) =	sbr.rel .LBB2_7-.Ltmp8, $4  }
0x533: {  	s19 =	simm.s32 $0x1CF00  }
0x534: {  	[tilespmem:s19], [sflag:$0x4] =	stream.indirect_vreg.gather [hbm4b:s6+s8], $0x80, v39, vm0, $0xb8;
	[tilespmem:$0x1EF00] =	vst v63  }
0x535: {  	s20 =	simm.s32 $0x1E700  }
0x536: {  	[tilespmem:s20], [sflag:$0x4] =	stream.indirect_vreg.gather [hbm4b:s6+s8], $0x80, v40, vm0, $0xb8;
	[tilespmem:$0x1EF00] =	vst v63  }
.LBB2_9:
0x537: {  	_ =	sfence.sel $0x180000  }
0x538: {  	[bflag:$0x0] =	sbarrier.arrive $0xFFFF  }
0x539: {  	_ =	strace $0x90000047  }
0x53a: {  	s0 =	stileid.u32;
	[bflag:$0x2] =	sbarrier.arrive $0xFFFF  }
0x53b: {  	p0 =	sne.s32 s0, $0x0;
	s0 =	rddreg [dreg:$0x6]  }
0x53c: {  	s0 =	sadd.s32 @!p0 $0x100000, s0  }
0x53d: {  	[sflag:s0] =	ssyncadd.tile.s32 @!p0 $0x1;
	_ =	shalt  }
.Lfunc_end2:
_tile_overlayer_lowered:
.L_overlay_start_2:
0x53e: {  	(tag) =	ssettag $0x2  }
0x53f: {  	s0 =	rddreg [dreg:$0x0];
	s2 =	stileid.u32  }
0x540: {  	s1 =	rddreg [dreg:$0x1];
	p0 =	sne.s32 s2, $0x0  }
0x541: {  	s3 =	rddreg [dreg:$0x2];
	[bflag:$0x3] =	sbarrier.arrive $0xFFFF;
	s2 =	simm.s32 @!p0 $0x1C07  }
0x542: {  	[timem:s3], [sflag:s2] =	dma.local @!p0 [hbm:s0], s1  }
0x543: {  	s0 =	simm.s32 @!p0 $0x7  }
0x544: {  	_ =	swait.ge @!p0 [sflag:s0], s1  }
0x545: {  	s1 =	ssub.s32 @!p0 $0x0, s1;
	[sflag:s0] =	ssyncset.done @!p0 $0x0  }
0x546: {  	[sflag:s0] =	ssyncadd.s32 @!p0 s1  }
0x547: {  	[bflag:$0x3] =	sbarrier.arrive $0xFFFF  }
0x548: {  	_ =	shalt  }

</sc_bundles>
